<compile_context>
chip_gen: v7x
topology: tpu7x:2x2x1
jax: 0.10.2.dev20260603
libtpu: 0.0.44.dev20260713+nightly
codegen_flags: <defaults>
</compile_context>

<pallas_src>
import functools

import jax
import jax.numpy as jnp
from jax import lax
from jax.experimental import pallas as pl
from jax.experimental.pallas import tpu as pltpu
from jax.experimental.pallas import tpu_sc as plsc

B = 16384
NUM_CAT = 26
CAT_V = 100000
CAT_E = 16
ID_E = 32
NUM_NUM = 13
H = 128
OUT = 64
NPLANE = NUM_CAT * CAT_E

NC, NS = 2, 16
NW = NC * NS
BPW = B // NW
PPW = NPLANE // NW
IDCH = 4
HB = B // 2


_MESH = dict(core_axis_name="c", subcore_axis_name="s",
             num_cores=NC, num_subcores=NS)
_SC_PARAMS = dict(use_tc_tiling_on_sc=False, needs_layout_passes=False)


@functools.lru_cache(maxsize=None)
def _build_sc_cat():
    @functools.partial(
        pl.kernel,
        out_type=jax.ShapeDtypeStruct((NPLANE, B), jnp.float32),
        mesh=plsc.VectorSubcoreMesh(**_MESH),
        scratch_types=[
            pltpu.VMEM((B,), jnp.int32),
            pltpu.VMEM((CAT_V,), jnp.float32),
            pltpu.VMEM((HB,), jnp.float32),
            pltpu.SemaphoreType.DMA,
        ],
        compiler_params=pltpu.CompilerParams(**_SC_PARAMS),
    )
    def _sc_cat(catft_hbm, catpl_hbm, cat_out, idxf, plane, outv, sem):
        w = lax.axis_index("s") * NC + lax.axis_index("c")
        for k in range(PPW):
            p = w * PPW + k
            f = p // CAT_E
            if k == 0:
                pltpu.sync_copy(catft_hbm.at[f], idxf)
            else:
                fprev = (w * PPW + k - 1) // CAT_E

                @pl.when(f != fprev)
                def _reload():
                    pltpu.sync_copy(catft_hbm.at[f], idxf)
            pltpu.sync_copy(catpl_hbm.at[p], plane)
            for half in range(2):
                @pl.loop(0, HB // 16)
                def _gather(j):
                    iv = idxf[pl.ds(half * HB + j * 16, 16)]
                    outv[pl.ds(j * 16, 16)] = plsc.load_gather(plane, [iv])

                pltpu.sync_copy(outv, cat_out.at[p, pl.ds(half * HB, HB)])

    return _sc_cat


@functools.lru_cache(maxsize=None)
def _build_sc_id():
    @functools.partial(
        pl.kernel,
        out_type=jax.ShapeDtypeStruct((B, ID_E), jnp.float32),
        mesh=plsc.VectorSubcoreMesh(**_MESH),
        scratch_types=[
            pltpu.VMEM((BPW,), jnp.int32),
            pltpu.VMEM((BPW, ID_E), jnp.float32),
            pltpu.SemaphoreType.DMA,
        ],
        compiler_params=pltpu.CompilerParams(**_SC_PARAMS),
    )
    def _sc_id(ids_hbm, idt_hbm, id_out, idu, idrows, sem):
        w = lax.axis_index("s") * NC + lax.axis_index("c")
        ubase = w * BPW
        pltpu.sync_copy(ids_hbm.at[pl.ds(ubase, BPW)], idu)
        pltpu.async_copy(idt_hbm.at[idu], idrows, sem).wait()
        pltpu.sync_copy(idrows, id_out.at[pl.ds(ubase, BPW)])

    return _sc_id


BM = 2048


def _mlp_body(idt_ref, catt_ref, num_ref, w1a_ref, w1b_ref, w1c_ref, b1_ref,
              w2_ref, b2_ref, o_ref):
    dn = (((0,), (0,)), ((), ()))
    h = lax.dot_general(catt_ref[...], w1b_ref[...], dn,
                        preferred_element_type=jnp.float32)
    h += jnp.dot(idt_ref[...], w1a_ref[...],
                 preferred_element_type=jnp.float32)
    h += jnp.dot(num_ref[...], w1c_ref[...],
                 preferred_element_type=jnp.float32)
    h = jnp.maximum(h + b1_ref[...], 0.0)
    o = jnp.dot(h, w2_ref[...], preferred_element_type=jnp.float32)
    o += b2_ref[...]
    n = jnp.sqrt(jnp.sum(o * o, axis=1, keepdims=True))
    o_ref[...] = o / jnp.maximum(n, 1e-12)


def _mlp(id_t, cat_t, num_feats, w1a, w1b, w1c, b1, w2, b2):
    return pl.pallas_call(
        _mlp_body,
        grid=(B // BM,),
        in_specs=[
            pl.BlockSpec((BM, ID_E), lambda i: (i, 0)),
            pl.BlockSpec((NPLANE, BM), lambda i: (0, i)),
            pl.BlockSpec((BM, NUM_NUM), lambda i: (i, 0)),
            pl.BlockSpec((ID_E, H), lambda i: (0, 0)),
            pl.BlockSpec((NPLANE, H), lambda i: (0, 0)),
            pl.BlockSpec((NUM_NUM, H), lambda i: (0, 0)),
            pl.BlockSpec((1, H), lambda i: (0, 0)),
            pl.BlockSpec((H, OUT), lambda i: (0, 0)),
            pl.BlockSpec((1, OUT), lambda i: (0, 0)),
        ],
        out_specs=pl.BlockSpec((BM, OUT), lambda i: (i, 0)),
        out_shape=jax.ShapeDtypeStruct((B, OUT), jnp.float32),
        compiler_params=pltpu.CompilerParams(
            dimension_semantics=("arbitrary",)),
    )(id_t, cat_t, num_feats, w1a, w1b, w1c, b1, w2, b2)


def kernel(user_ids, user_cat_feats, user_numeric_feats, user_emb_table,
           cat_tables, W1, b1, W2, b2):
    idt = user_emb_table
    cat_pl = jnp.transpose(cat_tables, (0, 2, 1)).reshape(NPLANE, CAT_V)
    catft = jnp.transpose(user_cat_feats).astype(jnp.int32)
    cat_t = _build_sc_cat()(catft, cat_pl)
    id_t = _build_sc_id()(user_ids.astype(jnp.int32), idt)
    w1a = W1[:ID_E]
    w1b = W1[ID_E:ID_E + NPLANE]
    w1c = W1[ID_E + NPLANE:]
    return _mlp(id_t, cat_t, user_numeric_feats,
                w1a, w1b, w1c, b1.reshape(1, H), W2, b2.reshape(1, OUT))

# --- scband reference (transcript-rebuilt; emitter-appended) ---
"""Pipeline reference for scband-user-tower-77300821393987 (READ-ONLY COPY).

The authoritative reference and input builder live on the scoring server;
editing this copy changes nothing except your own understanding.
"""

import jax, jax.numpy as jnp
import numpy as np

NUM_USERS = 1000000
B = 16384
NUM_CAT = 26
CAT_V = 100000
CAT_E = 16
ID_E = 32
NUM_NUM = 13
IN_DIM = ID_E + NUM_CAT * CAT_E + NUM_NUM  # 461
H = 128
OUT = 64


def setup_inputs(seed: int = 0) -> dict:
    key = jax.random.key(seed)
    ks = [jax.random.fold_in(key, i) for i in range(10)]
    user_ids = jax.random.randint(ks[0], (B,), 0, NUM_USERS, dtype=jnp.int64 if jax.config.jax_enable_x64 else jnp.int32)
    user_cat_feats = jax.random.randint(ks[1], (B, NUM_CAT), 0, CAT_V, dtype=jnp.int64 if jax.config.jax_enable_x64 else jnp.int32)
    user_numeric_feats = jax.random.normal(ks[2], (B, NUM_NUM), dtype=jnp.float32)
    user_emb_table = jax.random.normal(ks[3], (NUM_USERS, ID_E), dtype=jnp.float32) * 0.05
    cat_tables = jax.random.normal(ks[4], (NUM_CAT, CAT_V, CAT_E), dtype=jnp.float32) * 0.05
    W1 = jax.random.normal(ks[5], (IN_DIM, H), dtype=jnp.float32) * (1.0 / np.sqrt(IN_DIM))
    b1 = jnp.zeros((H,), dtype=jnp.float32)
    W2 = jax.random.normal(ks[6], (H, OUT), dtype=jnp.float32) * (1.0 / np.sqrt(H))
    b2 = jnp.zeros((OUT,), dtype=jnp.float32)
    return {
        'user_ids': user_ids,
        'user_cat_feats': user_cat_feats,
        'user_numeric_feats': user_numeric_feats,
        'user_emb_table': user_emb_table,
        'cat_tables': cat_tables,
        'W1': W1, 'b1': b1, 'W2': W2, 'b2': b2,
    }


def reference(user_ids, user_cat_feats, user_numeric_feats, user_emb_table, cat_tables, W1, b1, W2, b2):
    # id embedding lookup
    id_emb = jnp.take(user_emb_table, user_ids, axis=0)  # [B, ID_E]
    # categorical embedding lookups (all fields share shape so tables are stacked)
    field_idx = jnp.arange(NUM_CAT)[None, :]  # [1, NUM_CAT]
    cat_embs = cat_tables[field_idx, user_cat_feats]  # [B, NUM_CAT, CAT_E]
    cat_embs = cat_embs.reshape(cat_embs.shape[0], NUM_CAT * CAT_E)
    tower_input = jnp.concatenate([id_emb, cat_embs, user_numeric_feats], axis=1)
    # MLP tower (dropout is identity at inference)
    h = jnp.maximum(tower_input @ W1 + b1, 0.0)
    out = h @ W2 + b2
    # F.normalize(p=2, dim=1, eps=1e-12)
    norm = jnp.sqrt(jnp.sum(out * out, axis=1, keepdims=True))
    out = out / jnp.maximum(norm, 1e-12)
    return out

if __name__ == "__main__":
    import jax
    _d = setup_inputs()
    print(jax.jit(kernel)(*tuple(_d.values())))

</pallas_src>

<mosaic_0001>
#map = affine_map<(d0, d1) -> (0)>
#map1 = affine_map<(d0, d1) -> (0, 0)>
module attributes {stable_mosaic.version = 14 : i64} {
  func.func @_sc_id(%arg0: i32, %arg1: i32, %arg2: memref<16384xi32, #tpu.memory_space<hbm>>, %arg3: memref<1000000x32xf32, #tpu.memory_space<hbm>>, %arg4: memref<16384x32xf32, #tpu.memory_space<hbm>>, %arg5: memref<512xi32, #tpu.memory_space<vmem>>, %arg6: memref<512x32xf32, #tpu.memory_space<vmem>>, %arg7: memref<!tpu.dma_semaphore, #tpu.memory_space<semaphore_mem>>) attributes {dimension_semantics = [#tpu.dimension_semantics<core_parallel>, #tpu.dimension_semantics<subcore_parallel>], iteration_bounds = array<i64: 2, 16>, scalar_prefetch = 0 : i64, scratch_operands = 3 : i64, tpu.core_type = #tpu.core_type<sc_vector_subcore>, window_params = [{transform_indices = #map}, {transform_indices = #map1}, {transform_indices = #map1}]} {
    %mul3A = arith.constant 2 : i32
    %mul3A_0 = arith.muli %arg1, %mul3A : i32
    %add3A = arith.addi %mul3A_0, %arg0 : i32
    %mul3A_1 = arith.constant 512 : i32
    %mul3A_2 = arith.muli %add3A, %mul3A_1 : i32
    "tpu.region"() ({
      %run_scoped3A = tpu.sem_alloc : memref<!tpu.dma_semaphore, #tpu.memory_space<semaphore_mem>>
      %dma_start3A_7 = tpu.memref_slice %arg2[%mul3A_2] : memref<16384xi32, #tpu.memory_space<hbm>> -> memref<512xi32, #tpu.memory_space<hbm>>
      %dma_start3A_8 = tpu.memref_slice %arg2[%mul3A_2] : memref<16384xi32, #tpu.memory_space<hbm>> -> memref<512xi32, #tpu.memory_space<hbm>>
      tpu.enqueue_dma source(%dma_start3A_8 : memref<512xi32, #tpu.memory_space<hbm>>) target(%arg5 : memref<512xi32, #tpu.memory_space<vmem>>) target_semaphore(%run_scoped3A : memref<!tpu.dma_semaphore, #tpu.memory_space<semaphore_mem>>)
      %dma_wait3A_9 = tpu.memref_slice %arg2[%mul3A_2] : memref<16384xi32, #tpu.memory_space<hbm>> -> memref<512xi32, #tpu.memory_space<hbm>>
      %dma_wait3A_10 = tpu.memref_slice %arg2[%mul3A_2] : memref<16384xi32, #tpu.memory_space<hbm>> -> memref<512xi32, #tpu.memory_space<hbm>>
      tpu.wait_dma2 semaphore(%run_scoped3A : memref<!tpu.dma_semaphore, #tpu.memory_space<semaphore_mem>>) src(%dma_wait3A_10 : memref<512xi32, #tpu.memory_space<hbm>>) dst(%arg5 : memref<512xi32, #tpu.memory_space<vmem>>)
      tpu.yield
    }) : () -> ()
    %dma_start3A = arith.constant 0 : i32
    %dma_start3A_3 = arith.constant 0 : i32
    %dma_start3A_4 = tpu.memref_slice %arg3[%dma_start3A, %dma_start3A_3] : memref<1000000x32xf32, #tpu.memory_space<hbm>> -> memref<1000000x32xf32, #tpu.memory_space<hbm>>
    tpu.enqueue_indirect_dma source(%dma_start3A_4 : memref<1000000x32xf32, #tpu.memory_space<hbm>>) target(%arg6 : memref<512x32xf32, #tpu.memory_space<vmem>>) offsets(%arg5 : memref<512xi32, #tpu.memory_space<vmem>>) semaphore(%arg7 : memref<!tpu.dma_semaphore, #tpu.memory_space<semaphore_mem>>)
    %dma_wait3A = arith.constant 0 : i32
    %dma_wait3A_5 = arith.constant 0 : i32
    %dma_wait3A_6 = tpu.memref_slice %arg3[%dma_wait3A, %dma_wait3A_5] : memref<1000000x32xf32, #tpu.memory_space<hbm>> -> memref<1000000x32xf32, #tpu.memory_space<hbm>>
    tpu.wait_indirect_dma semaphore(%arg7 : memref<!tpu.dma_semaphore, #tpu.memory_space<semaphore_mem>>) src(%dma_wait3A_6 : memref<1000000x32xf32, #tpu.memory_space<hbm>>) dst(%arg6 : memref<512x32xf32, #tpu.memory_space<vmem>>)
    "tpu.region"() ({
      %run_scoped3A = tpu.sem_alloc : memref<!tpu.dma_semaphore, #tpu.memory_space<semaphore_mem>>
      %dma_start3A_7 = arith.constant 0 : i32
      %dma_start3A_8 = tpu.memref_slice %arg4[%mul3A_2, %dma_start3A_7] : memref<16384x32xf32, #tpu.memory_space<hbm>> -> memref<512x32xf32, #tpu.memory_space<hbm>>
      %dma_start3A_9 = arith.constant 0 : i32
      %dma_start3A_10 = tpu.memref_slice %arg4[%mul3A_2, %dma_start3A_9] : memref<16384x32xf32, #tpu.memory_space<hbm>> -> memref<512x32xf32, #tpu.memory_space<hbm>>
      tpu.enqueue_dma source(%arg6 : memref<512x32xf32, #tpu.memory_space<vmem>>) target(%dma_start3A_10 : memref<512x32xf32, #tpu.memory_space<hbm>>) target_semaphore(%run_scoped3A : memref<!tpu.dma_semaphore, #tpu.memory_space<semaphore_mem>>)
      %dma_wait3A_11 = arith.constant 0 : i32
      %dma_wait3A_12 = tpu.memref_slice %arg4[%mul3A_2, %dma_wait3A_11] : memref<16384x32xf32, #tpu.memory_space<hbm>> -> memref<512x32xf32, #tpu.memory_space<hbm>>
      %dma_wait3A_13 = arith.constant 0 : i32
      %dma_wait3A_14 = tpu.memref_slice %arg4[%mul3A_2, %dma_wait3A_13] : memref<16384x32xf32, #tpu.memory_space<hbm>> -> memref<512x32xf32, #tpu.memory_space<hbm>>
      tpu.wait_dma2 semaphore(%run_scoped3A : memref<!tpu.dma_semaphore, #tpu.memory_space<semaphore_mem>>) src(%arg6 : memref<512x32xf32, #tpu.memory_space<vmem>>) dst(%dma_wait3A_14 : memref<512x32xf32, #tpu.memory_space<hbm>>)
      tpu.yield
    }) : () -> ()
    return
  }
}

#map = affine_map<(d0, d1) -> (0, 0)>
module attributes {stable_mosaic.version = 14 : i64} {
  func.func @_sc_cat(%arg0: i32, %arg1: i32, %arg2: memref<26x16384xi32, #tpu.memory_space<hbm>>, %arg3: memref<416x100000xf32, #tpu.memory_space<hbm>>, %arg4: memref<416x16384xf32, #tpu.memory_space<hbm>>, %arg5: memref<16384xi32, #tpu.memory_space<vmem>>, %arg6: memref<100000xf32, #tpu.memory_space<vmem>>, %arg7: memref<8192xf32, #tpu.memory_space<vmem>>, %arg8: memref<!tpu.dma_semaphore, #tpu.memory_space<semaphore_mem>>) attributes {dimension_semantics = [#tpu.dimension_semantics<core_parallel>, #tpu.dimension_semantics<subcore_parallel>], iteration_bounds = array<i64: 2, 16>, scalar_prefetch = 0 : i64, scratch_operands = 4 : i64, tpu.core_type = #tpu.core_type<sc_vector_subcore>, window_params = [{transform_indices = #map}, {transform_indices = #map}, {transform_indices = #map}]} {
    %mul3A = arith.constant 2 : i32
    %mul3A_0 = arith.muli %arg1, %mul3A : i32
    %add3A = arith.addi %mul3A_0, %arg0 : i32
    %mul3A_1 = arith.constant 13 : i32
    %mul3A_2 = arith.muli %add3A, %mul3A_1 : i32
    %add3A_3 = arith.constant 0 : i32
    %add3A_4 = arith.addi %mul3A_2, %add3A_3 : i32
    %jit3A = arith.constant 16 : i32
    %div3A = arith.divsi %add3A_4, %jit3A : i32
    %sign3A = arith.constant 0 : i32
    %sign3A_5 = arith.cmpi sgt, %add3A_4, %sign3A : i32
    %sign3A_6 = arith.extui %sign3A_5 : i1 to i32
    %sign3A_7 = arith.constant 0 : i32
    %sign3A_8 = arith.cmpi slt, %add3A_4, %sign3A_7 : i32
    %sign3A_9 = arith.extui %sign3A_8 : i1 to i32
    %sign3A_10 = arith.subi %sign3A_6, %sign3A_9 : i32
    %sign3A_11 = arith.constant 0 : i32
    %sign3A_12 = arith.cmpi sgt, %jit3A, %sign3A_11 : i32
    %sign3A_13 = arith.extui %sign3A_12 : i1 to i32
    %sign3A_14 = arith.constant 0 : i32
    %sign3A_15 = arith.cmpi slt, %jit3A, %sign3A_14 : i32
    %sign3A_16 = arith.extui %sign3A_15 : i1 to i32
    %sign3A_17 = arith.subi %sign3A_13, %sign3A_16 : i32
    %ne3A = arith.cmpi ne, %sign3A_10, %sign3A_17 : i32
    %rem3A = arith.remsi %add3A_4, %jit3A : i32
    %ne3A_18 = arith.constant 0 : i32
    %ne3A_19 = arith.cmpi ne, %rem3A, %ne3A_18 : i32
    %and3A = arith.andi %ne3A, %ne3A_19 : i1
    %sub3A = arith.constant 1 : i32
    %sub3A_20 = arith.subi %div3A, %sub3A : i32
    %select_n3A = arith.select %and3A, %sub3A_20, %div3A : i32
    "tpu.region"() ({
      %run_scoped3A = tpu.sem_alloc : memref<!tpu.dma_semaphore, #tpu.memory_space<semaphore_mem>>
      %dma_start3A = arith.constant 0 : i32
      %dma_start3A_892 = tpu.memref_slice %arg2[%select_n3A, %dma_start3A] : memref<26x16384xi32, #tpu.memory_space<hbm>> -> memref<1x16384xi32, #tpu.memory_space<hbm>>
      %dma_start3A_893 = tpu.memref_squeeze %dma_start3A_892 : memref<1x16384xi32, #tpu.memory_space<hbm>> -> memref<16384xi32, #tpu.memory_space<hbm>>
      %dma_start3A_894 = arith.constant 0 : i32
      %dma_start3A_895 = tpu.memref_slice %arg2[%select_n3A, %dma_start3A_894] : memref<26x16384xi32, #tpu.memory_space<hbm>> -> memref<1x16384xi32, #tpu.memory_space<hbm>>
      %dma_start3A_896 = tpu.memref_squeeze %dma_start3A_895 : memref<1x16384xi32, #tpu.memory_space<hbm>> -> memref<16384xi32, #tpu.memory_space<hbm>>
      tpu.enqueue_dma source(%dma_start3A_896 : memref<16384xi32, #tpu.memory_space<hbm>>) target(%arg5 : memref<16384xi32, #tpu.memory_space<vmem>>) target_semaphore(%run_scoped3A : memref<!tpu.dma_semaphore, #tpu.memory_space<semaphore_mem>>)
      %dma_wait3A = arith.constant 0 : i32
      %dma_wait3A_897 = tpu.memref_slice %arg2[%select_n3A, %dma_wait3A] : memref<26x16384xi32, #tpu.memory_space<hbm>> -> memref<1x16384xi32, #tpu.memory_space<hbm>>
      %dma_wait3A_898 = tpu.memref_squeeze %dma_wait3A_897 : memref<1x16384xi32, #tpu.memory_space<hbm>> -> memref<16384xi32, #tpu.memory_space<hbm>>
      %dma_wait3A_899 = arith.constant 0 : i32
      %dma_wait3A_900 = tpu.memref_slice %arg2[%select_n3A, %dma_wait3A_899] : memref<26x16384xi32, #tpu.memory_space<hbm>> -> memref<1x16384xi32, #tpu.memory_space<hbm>>
      %dma_wait3A_901 = tpu.memref_squeeze %dma_wait3A_900 : memref<1x16384xi32, #tpu.memory_space<hbm>> -> memref<16384xi32, #tpu.memory_space<hbm>>
      tpu.wait_dma2 semaphore(%run_scoped3A : memref<!tpu.dma_semaphore, #tpu.memory_space<semaphore_mem>>) src(%dma_wait3A_901 : memref<16384xi32, #tpu.memory_space<hbm>>) dst(%arg5 : memref<16384xi32, #tpu.memory_space<vmem>>)
      tpu.yield
    }) : () -> ()
    "tpu.region"() ({
      %run_scoped3A = tpu.sem_alloc : memref<!tpu.dma_semaphore, #tpu.memory_space<semaphore_mem>>
      %dma_start3A = arith.constant 0 : i32
      %dma_start3A_892 = tpu.memref_slice %arg3[%add3A_4, %dma_start3A] : memref<416x100000xf32, #tpu.memory_space<hbm>> -> memref<1x100000xf32, #tpu.memory_space<hbm>>
      %dma_start3A_893 = tpu.memref_squeeze %dma_start3A_892 : memref<1x100000xf32, #tpu.memory_space<hbm>> -> memref<100000xf32, #tpu.memory_space<hbm>>
      %dma_start3A_894 = arith.constant 0 : i32
      %dma_start3A_895 = tpu.memref_slice %arg3[%add3A_4, %dma_start3A_894] : memref<416x100000xf32, #tpu.memory_space<hbm>> -> memref<1x100000xf32, #tpu.memory_space<hbm>>
      %dma_start3A_896 = tpu.memref_squeeze %dma_start3A_895 : memref<1x100000xf32, #tpu.memory_space<hbm>> -> memref<100000xf32, #tpu.memory_space<hbm>>
      tpu.enqueue_dma source(%dma_start3A_896 : memref<100000xf32, #tpu.memory_space<hbm>>) target(%arg6 : memref<100000xf32, #tpu.memory_space<vmem>>) target_semaphore(%run_scoped3A : memref<!tpu.dma_semaphore, #tpu.memory_space<semaphore_mem>>)
      %dma_wait3A = arith.constant 0 : i32
      %dma_wait3A_897 = tpu.memref_slice %arg3[%add3A_4, %dma_wait3A] : memref<416x100000xf32, #tpu.memory_space<hbm>> -> memref<1x100000xf32, #tpu.memory_space<hbm>>
      %dma_wait3A_898 = tpu.memref_squeeze %dma_wait3A_897 : memref<1x100000xf32, #tpu.memory_space<hbm>> -> memref<100000xf32, #tpu.memory_space<hbm>>
      %dma_wait3A_899 = arith.constant 0 : i32
      %dma_wait3A_900 = tpu.memref_slice %arg3[%add3A_4, %dma_wait3A_899] : memref<416x100000xf32, #tpu.memory_space<hbm>> -> memref<1x100000xf32, #tpu.memory_space<hbm>>
      %dma_wait3A_901 = tpu.memref_squeeze %dma_wait3A_900 : memref<1x100000xf32, #tpu.memory_space<hbm>> -> memref<100000xf32, #tpu.memory_space<hbm>>
      tpu.wait_dma2 semaphore(%run_scoped3A : memref<!tpu.dma_semaphore, #tpu.memory_space<semaphore_mem>>) src(%dma_wait3A_901 : memref<100000xf32, #tpu.memory_space<hbm>>) dst(%arg6 : memref<100000xf32, #tpu.memory_space<vmem>>)
      tpu.yield
    }) : () -> ()
    %scan3A = arith.constant 0 : i32
    %scan3A_21 = arith.constant 512 : i32
    %scan3A_22 = arith.addi %scan3A, %scan3A_21 : i32
    %scan3A_23 = arith.constant 1 : i32
    scf.for %scan3A_892 = %scan3A to %scan3A_22 step %scan3A_23  : i32 {
      %mul3A_893 = arith.constant 1 : i32
      %mul3A_894 = arith.muli %scan3A_892, %mul3A_893 : i32
      %add3A_895 = arith.constant 0 : i32
      %add3A_896 = arith.addi %add3A_895, %mul3A_894 : i32
      %mul3A_897 = arith.constant 16 : i32
      %mul3A_898 = arith.muli %add3A_896, %mul3A_897 : i32
      %add3A_899 = arith.constant 0 : i32
      %add3A_900 = arith.addi %add3A_899, %mul3A_898 : i32
      %get3A = arith.index_cast %add3A_900 : i32 to index
      %get3A_901 = tpu.vector_load %arg5[%get3A] {strides = array<i32>} : memref<16384xi32, #tpu.memory_space<vmem>>, vector<16xi32>,
      %gather3A = tpu.vector_load_idx %arg6[%get3A_901] : memref<100000xf32, #tpu.memory_space<vmem>>[vector<16xi32>], vector<16xf32>,
      %mul3A_902 = arith.constant 16 : i32
      %mul3A_903 = arith.muli %add3A_896, %mul3A_902 : i32
      %swap3A = arith.index_cast %mul3A_903 : i32 to index
      %swap3A_904 = tpu.vector_load %arg7[%swap3A] {strides = array<i32>} : memref<8192xf32, #tpu.memory_space<vmem>>, vector<16xf32>,
      tpu.vector_store %arg7[%swap3A], %gather3A {strides = array<i32>} : memref<8192xf32, #tpu.memory_space<vmem>>, vector<16xf32>,
    }
    %scan3A_24 = arith.constant 512 : i32
    "tpu.region"() ({
      %run_scoped3A = tpu.sem_alloc : memref<!tpu.dma_semaphore, #tpu.memory_space<semaphore_mem>>
      %dma_start3A = arith.constant 0 : i32
      %dma_start3A_892 = tpu.memref_slice %arg4[%add3A_4, %dma_start3A] : memref<416x16384xf32, #tpu.memory_space<hbm>> -> memref<1x8192xf32, #tpu.memory_space<hbm>>
      %dma_start3A_893 = tpu.memref_squeeze %dma_start3A_892 : memref<1x8192xf32, #tpu.memory_space<hbm>> -> memref<8192xf32, #tpu.memory_space<hbm>>
      %dma_start3A_894 = arith.constant 0 : i32
      %dma_start3A_895 = tpu.memref_slice %arg4[%add3A_4, %dma_start3A_894] : memref<416x16384xf32, #tpu.memory_space<hbm>> -> memref<1x8192xf32, #tpu.memory_space<hbm>>
      %dma_start3A_896 = tpu.memref_squeeze %dma_start3A_895 : memref<1x8192xf32, #tpu.memory_space<hbm>> -> memref<8192xf32, #tpu.memory_space<hbm>>
      tpu.enqueue_dma source(%arg7 : memref<8192xf32, #tpu.memory_space<vmem>>) target(%dma_start3A_896 : memref<8192xf32, #tpu.memory_space<hbm>>) target_semaphore(%run_scoped3A : memref<!tpu.dma_semaphore, #tpu.memory_space<semaphore_mem>>)
      %dma_wait3A = arith.constant 0 : i32
      %dma_wait3A_897 = tpu.memref_slice %arg4[%add3A_4, %dma_wait3A] : memref<416x16384xf32, #tpu.memory_space<hbm>> -> memref<1x8192xf32, #tpu.memory_space<hbm>>
      %dma_wait3A_898 = tpu.memref_squeeze %dma_wait3A_897 : memref<1x8192xf32, #tpu.memory_space<hbm>> -> memref<8192xf32, #tpu.memory_space<hbm>>
      %dma_wait3A_899 = arith.constant 0 : i32
      %dma_wait3A_900 = tpu.memref_slice %arg4[%add3A_4, %dma_wait3A_899] : memref<416x16384xf32, #tpu.memory_space<hbm>> -> memref<1x8192xf32, #tpu.memory_space<hbm>>
      %dma_wait3A_901 = tpu.memref_squeeze %dma_wait3A_900 : memref<1x8192xf32, #tpu.memory_space<hbm>> -> memref<8192xf32, #tpu.memory_space<hbm>>
      tpu.wait_dma2 semaphore(%run_scoped3A : memref<!tpu.dma_semaphore, #tpu.memory_space<semaphore_mem>>) src(%arg7 : memref<8192xf32, #tpu.memory_space<vmem>>) dst(%dma_wait3A_901 : memref<8192xf32, #tpu.memory_space<hbm>>)
      tpu.yield
    }) : () -> ()
    %scan3A_25 = arith.constant 0 : i32
    %scan3A_26 = arith.constant 512 : i32
    %scan3A_27 = arith.addi %scan3A_25, %scan3A_26 : i32
    %scan3A_28 = arith.constant 1 : i32
    scf.for %scan3A_892 = %scan3A_25 to %scan3A_27 step %scan3A_28  : i32 {
      %mul3A_893 = arith.constant 1 : i32
      %mul3A_894 = arith.muli %scan3A_892, %mul3A_893 : i32
      %add3A_895 = arith.constant 0 : i32
      %add3A_896 = arith.addi %add3A_895, %mul3A_894 : i32
      %mul3A_897 = arith.constant 16 : i32
      %mul3A_898 = arith.muli %add3A_896, %mul3A_897 : i32
      %add3A_899 = arith.constant 8192 : i32
      %add3A_900 = arith.addi %add3A_899, %mul3A_898 : i32
      %get3A = arith.index_cast %add3A_900 : i32 to index
      %get3A_901 = tpu.vector_load %arg5[%get3A] {strides = array<i32>} : memref<16384xi32, #tpu.memory_space<vmem>>, vector<16xi32>,
      %gather3A = tpu.vector_load_idx %arg6[%get3A_901] : memref<100000xf32, #tpu.memory_space<vmem>>[vector<16xi32>], vector<16xf32>,
      %mul3A_902 = arith.constant 16 : i32
      %mul3A_903 = arith.muli %add3A_896, %mul3A_902 : i32
      %swap3A = arith.index_cast %mul3A_903 : i32 to index
      %swap3A_904 = tpu.vector_load %arg7[%swap3A] {strides = array<i32>} : memref<8192xf32, #tpu.memory_space<vmem>>, vector<16xf32>,
      tpu.vector_store %arg7[%swap3A], %gather3A {strides = array<i32>} : memref<8192xf32, #tpu.memory_space<vmem>>, vector<16xf32>,
    }
    %scan3A_29 = arith.constant 512 : i32
    "tpu.region"() ({
      %run_scoped3A = tpu.sem_alloc : memref<!tpu.dma_semaphore, #tpu.memory_space<semaphore_mem>>
      %dma_start3A = arith.constant 8192 : i32
      %dma_start3A_892 = tpu.memref_slice %arg4[%add3A_4, %dma_start3A] : memref<416x16384xf32, #tpu.memory_space<hbm>> -> memref<1x8192xf32, #tpu.memory_space<hbm>>
      %dma_start3A_893 = tpu.memref_squeeze %dma_start3A_892 : memref<1x8192xf32, #tpu.memory_space<hbm>> -> memref<8192xf32, #tpu.memory_space<hbm>>
      %dma_start3A_894 = arith.constant 8192 : i32
      %dma_start3A_895 = tpu.memref_slice %arg4[%add3A_4, %dma_start3A_894] : memref<416x16384xf32, #tpu.memory_space<hbm>> -> memref<1x8192xf32, #tpu.memory_space<hbm>>
      %dma_start3A_896 = tpu.memref_squeeze %dma_start3A_895 : memref<1x8192xf32, #tpu.memory_space<hbm>> -> memref<8192xf32, #tpu.memory_space<hbm>>
      tpu.enqueue_dma source(%arg7 : memref<8192xf32, #tpu.memory_space<vmem>>) target(%dma_start3A_896 : memref<8192xf32, #tpu.memory_space<hbm>>) target_semaphore(%run_scoped3A : memref<!tpu.dma_semaphore, #tpu.memory_space<semaphore_mem>>)
      %dma_wait3A = arith.constant 8192 : i32
      %dma_wait3A_897 = tpu.memref_slice %arg4[%add3A_4, %dma_wait3A] : memref<416x16384xf32, #tpu.memory_space<hbm>> -> memref<1x8192xf32, #tpu.memory_space<hbm>>
      %dma_wait3A_898 = tpu.memref_squeeze %dma_wait3A_897 : memref<1x8192xf32, #tpu.memory_space<hbm>> -> memref<8192xf32, #tpu.memory_space<hbm>>
      %dma_wait3A_899 = arith.constant 8192 : i32
      %dma_wait3A_900 = tpu.memref_slice %arg4[%add3A_4, %dma_wait3A_899] : memref<416x16384xf32, #tpu.memory_space<hbm>> -> memref<1x8192xf32, #tpu.memory_space<hbm>>
      %dma_wait3A_901 = tpu.memref_squeeze %dma_wait3A_900 : memref<1x8192xf32, #tpu.memory_space<hbm>> -> memref<8192xf32, #tpu.memory_space<hbm>>
      tpu.wait_dma2 semaphore(%run_scoped3A : memref<!tpu.dma_semaphore, #tpu.memory_space<semaphore_mem>>) src(%arg7 : memref<8192xf32, #tpu.memory_space<vmem>>) dst(%dma_wait3A_901 : memref<8192xf32, #tpu.memory_space<hbm>>)
      tpu.yield
    }) : () -> ()
    %mul3A_30 = arith.constant 13 : i32
    %mul3A_31 = arith.muli %add3A, %mul3A_30 : i32
    %add3A_32 = arith.constant 1 : i32
    %add3A_33 = arith.addi %mul3A_31, %add3A_32 : i32
    %jit3A_34 = arith.constant 16 : i32
    %div3A_35 = arith.divsi %add3A_33, %jit3A_34 : i32
    %sign3A_36 = arith.constant 0 : i32
    %sign3A_37 = arith.cmpi sgt, %add3A_33, %sign3A_36 : i32
    %sign3A_38 = arith.extui %sign3A_37 : i1 to i32
    %sign3A_39 = arith.constant 0 : i32
    %sign3A_40 = arith.cmpi slt, %add3A_33, %sign3A_39 : i32
    %sign3A_41 = arith.extui %sign3A_40 : i1 to i32
    %sign3A_42 = arith.subi %sign3A_38, %sign3A_41 : i32
    %sign3A_43 = arith.constant 0 : i32
    %sign3A_44 = arith.cmpi sgt, %jit3A_34, %sign3A_43 : i32
    %sign3A_45 = arith.extui %sign3A_44 : i1 to i32
    %sign3A_46 = arith.constant 0 : i32
    %sign3A_47 = arith.cmpi slt, %jit3A_34, %sign3A_46 : i32
    %sign3A_48 = arith.extui %sign3A_47 : i1 to i32
    %sign3A_49 = arith.subi %sign3A_45, %sign3A_48 : i32
    %ne3A_50 = arith.cmpi ne, %sign3A_42, %sign3A_49 : i32
    %rem3A_51 = arith.remsi %add3A_33, %jit3A_34 : i32
    %ne3A_52 = arith.constant 0 : i32
    %ne3A_53 = arith.cmpi ne, %rem3A_51, %ne3A_52 : i32
    %and3A_54 = arith.andi %ne3A_50, %ne3A_53 : i1
    %sub3A_55 = arith.constant 1 : i32
    %sub3A_56 = arith.subi %div3A_35, %sub3A_55 : i32
    %select_n3A_57 = arith.select %and3A_54, %sub3A_56, %div3A_35 : i32
    %mul3A_58 = arith.constant 13 : i32
    %mul3A_59 = arith.muli %add3A, %mul3A_58 : i32
    %add3A_60 = arith.constant 1 : i32
    %add3A_61 = arith.addi %mul3A_59, %add3A_60 : i32
    %sub3A_62 = arith.constant 1 : i32
    %sub3A_63 = arith.subi %add3A_61, %sub3A_62 : i32
    %jit3A_64 = arith.constant 16 : i32
    %div3A_65 = arith.divsi %sub3A_63, %jit3A_64 : i32
    %sign3A_66 = arith.constant 0 : i32
    %sign3A_67 = arith.cmpi sgt, %sub3A_63, %sign3A_66 : i32
    %sign3A_68 = arith.extui %sign3A_67 : i1 to i32
    %sign3A_69 = arith.constant 0 : i32
    %sign3A_70 = arith.cmpi slt, %sub3A_63, %sign3A_69 : i32
    %sign3A_71 = arith.extui %sign3A_70 : i1 to i32
    %sign3A_72 = arith.subi %sign3A_68, %sign3A_71 : i32
    %sign3A_73 = arith.constant 0 : i32
    %sign3A_74 = arith.cmpi sgt, %jit3A_64, %sign3A_73 : i32
    %sign3A_75 = arith.extui %sign3A_74 : i1 to i32
    %sign3A_76 = arith.constant 0 : i32
    %sign3A_77 = arith.cmpi slt, %jit3A_64, %sign3A_76 : i32
    %sign3A_78 = arith.extui %sign3A_77 : i1 to i32
    %sign3A_79 = arith.subi %sign3A_75, %sign3A_78 : i32
    %ne3A_80 = arith.cmpi ne, %sign3A_72, %sign3A_79 : i32
    %rem3A_81 = arith.remsi %sub3A_63, %jit3A_64 : i32
    %ne3A_82 = arith.constant 0 : i32
    %ne3A_83 = arith.cmpi ne, %rem3A_81, %ne3A_82 : i32
    %and3A_84 = arith.andi %ne3A_80, %ne3A_83 : i1
    %sub3A_85 = arith.constant 1 : i32
    %sub3A_86 = arith.subi %div3A_65, %sub3A_85 : i32
    %select_n3A_87 = arith.select %and3A_84, %sub3A_86, %div3A_65 : i32
    %ne3A_88 = arith.cmpi ne, %select_n3A_57, %select_n3A_87 : i32
    %convert_element_type3A = arith.extui %ne3A_88 : i1 to i32
    %cond3A = arith.constant 0 : i32
    %cond3A_89 = arith.cmpi ne, %convert_element_type3A, %cond3A : i32
    scf.if %cond3A_89 {
      "tpu.region"() ({
        %run_scoped3A = tpu.sem_alloc : memref<!tpu.dma_semaphore, #tpu.memory_space<semaphore_mem>>
        %dma_start3A = arith.constant 0 : i32
        %dma_start3A_892 = tpu.memref_slice %arg2[%select_n3A_57, %dma_start3A] : memref<26x16384xi32, #tpu.memory_space<hbm>> -> memref<1x16384xi32, #tpu.memory_space<hbm>>
        %dma_start3A_893 = tpu.memref_squeeze %dma_start3A_892 : memref<1x16384xi32, #tpu.memory_space<hbm>> -> memref<16384xi32, #tpu.memory_space<hbm>>
        %dma_start3A_894 = arith.constant 0 : i32
        %dma_start3A_895 = tpu.memref_slice %arg2[%select_n3A_57, %dma_start3A_894] : memref<26x16384xi32, #tpu.memory_space<hbm>> -> memref<1x16384xi32, #tpu.memory_space<hbm>>
        %dma_start3A_896 = tpu.memref_squeeze %dma_start3A_895 : memref<1x16384xi32, #tpu.memory_space<hbm>> -> memref<16384xi32, #tpu.memory_space<hbm>>
        tpu.enqueue_dma source(%dma_start3A_896 : memref<16384xi32, #tpu.memory_space<hbm>>) target(%arg5 : memref<16384xi32, #tpu.memory_space<vmem>>) target_semaphore(%run_scoped3A : memref<!tpu.dma_semaphore, #tpu.memory_space<semaphore_mem>>)
        %dma_wait3A = arith.constant 0 : i32
        %dma_wait3A_897 = tpu.memref_slice %arg2[%select_n3A_57, %dma_wait3A] : memref<26x16384xi32, #tpu.memory_space<hbm>> -> memref<1x16384xi32, #tpu.memory_space<hbm>>
        %dma_wait3A_898 = tpu.memref_squeeze %dma_wait3A_897 : memref<1x16384xi32, #tpu.memory_space<hbm>> -> memref<16384xi32, #tpu.memory_space<hbm>>
        %dma_wait3A_899 = arith.constant 0 : i32
        %dma_wait3A_900 = tpu.memref_slice %arg2[%select_n3A_57, %dma_wait3A_899] : memref<26x16384xi32, #tpu.memory_space<hbm>> -> memref<1x16384xi32, #tpu.memory_space<hbm>>
        %dma_wait3A_901 = tpu.memref_squeeze %dma_wait3A_900 : memref<1x16384xi32, #tpu.memory_space<hbm>> -> memref<16384xi32, #tpu.memory_space<hbm>>
        tpu.wait_dma2 semaphore(%run_scoped3A : memref<!tpu.dma_semaphore, #tpu.memory_space<semaphore_mem>>) src(%dma_wait3A_901 : memref<16384xi32, #tpu.memory_space<hbm>>) dst(%arg5 : memref<16384xi32, #tpu.memory_space<vmem>>)
        tpu.yield
      }) : () -> ()
    } else {
    }
    "tpu.region"() ({
      %run_scoped3A = tpu.sem_alloc : memref<!tpu.dma_semaphore, #tpu.memory_space<semaphore_mem>>
      %dma_start3A = arith.constant 0 : i32
      %dma_start3A_892 = tpu.memref_slice %arg3[%add3A_33, %dma_start3A] : memref<416x100000xf32, #tpu.memory_space<hbm>> -> memref<1x100000xf32, #tpu.memory_space<hbm>>
      %dma_start3A_893 = tpu.memref_squeeze %dma_start3A_892 : memref<1x100000xf32, #tpu.memory_space<hbm>> -> memref<100000xf32, #tpu.memory_space<hbm>>
      %dma_start3A_894 = arith.constant 0 : i32
      %dma_start3A_895 = tpu.memref_slice %arg3[%add3A_33, %dma_start3A_894] : memref<416x100000xf32, #tpu.memory_space<hbm>> -> memref<1x100000xf32, #tpu.memory_space<hbm>>
      %dma_start3A_896 = tpu.memref_squeeze %dma_start3A_895 : memref<1x100000xf32, #tpu.memory_space<hbm>> -> memref<100000xf32, #tpu.memory_space<hbm>>
      tpu.enqueue_dma source(%dma_start3A_896 : memref<100000xf32, #tpu.memory_space<hbm>>) target(%arg6 : memref<100000xf32, #tpu.memory_space<vmem>>) target_semaphore(%run_scoped3A : memref<!tpu.dma_semaphore, #tpu.memory_space<semaphore_mem>>)
      %dma_wait3A = arith.constant 0 : i32
      %dma_wait3A_897 = tpu.memref_slice %arg3[%add3A_33, %dma_wait3A] : memref<416x100000xf32, #tpu.memory_space<hbm>> -> memref<1x100000xf32, #tpu.memory_space<hbm>>
      %dma_wait3A_898 = tpu.memref_squeeze %dma_wait3A_897 : memref<1x100000xf32, #tpu.memory_space<hbm>> -> memref<100000xf32, #tpu.memory_space<hbm>>
      %dma_wait3A_899 = arith.constant 0 : i32
      %dma_wait3A_900 = tpu.memref_slice %arg3[%add3A_33, %dma_wait3A_899] : memref<416x100000xf32, #tpu.memory_space<hbm>> -> memref<1x100000xf32, #tpu.memory_space<hbm>>
      %dma_wait3A_901 = tpu.memref_squeeze %dma_wait3A_900 : memref<1x100000xf32, #tpu.memory_space<hbm>> -> memref<100000xf32, #tpu.memory_space<hbm>>
      tpu.wait_dma2 semaphore(%run_scoped3A : memref<!tpu.dma_semaphore, #tpu.memory_space<semaphore_mem>>) src(%dma_wait3A_901 : memref<100000xf32, #tpu.memory_space<hbm>>) dst(%arg6 : memref<100000xf32, #tpu.memory_space<vmem>>)
      tpu.yield
    }) : () -> ()
    %scan3A_90 = arith.constant 0 : i32
    %scan3A_91 = arith.constant 512 : i32
    %scan3A_92 = arith.addi %scan3A_90, %scan3A_91 : i32
    %scan3A_93 = arith.constant 1 : i32
    scf.for %scan3A_892 = %scan3A_90 to %scan3A_92 step %scan3A_93  : i32 {
      %mul3A_893 = arith.constant 1 : i32
      %mul3A_894 = arith.muli %scan3A_892, %mul3A_893 : i32
      %add3A_895 = arith.constant 0 : i32
      %add3A_896 = arith.addi %add3A_895, %mul3A_894 : i32
      %mul3A_897 = arith.constant 16 : i32
      %mul3A_898 = arith.muli %add3A_896, %mul3A_897 : i32
      %add3A_899 = arith.constant 0 : i32
      %add3A_900 = arith.addi %add3A_899, %mul3A_898 : i32
      %get3A = arith.index_cast %add3A_900 : i32 to index
      %get3A_901 = tpu.vector_load %arg5[%get3A] {strides = array<i32>} : memref<16384xi32, #tpu.memory_space<vmem>>, vector<16xi32>,
      %gather3A = tpu.vector_load_idx %arg6[%get3A_901] : memref<100000xf32, #tpu.memory_space<vmem>>[vector<16xi32>], vector<16xf32>,
      %mul3A_902 = arith.constant 16 : i32
      %mul3A_903 = arith.muli %add3A_896, %mul3A_902 : i32
      %swap3A = arith.index_cast %mul3A_903 : i32 to index
      %swap3A_904 = tpu.vector_load %arg7[%swap3A] {strides = array<i32>} : memref<8192xf32, #tpu.memory_space<vmem>>, vector<16xf32>,
      tpu.vector_store %arg7[%swap3A], %gather3A {strides = array<i32>} : memref<8192xf32, #tpu.memory_space<vmem>>, vector<16xf32>,
    }
    %scan3A_94 = arith.constant 512 : i32
    "tpu.region"() ({
      %run_scoped3A = tpu.sem_alloc : memref<!tpu.dma_semaphore, #tpu.memory_space<semaphore_mem>>
      %dma_start3A = arith.constant 0 : i32
      %dma_start3A_892 = tpu.memref_slice %arg4[%add3A_33, %dma_start3A] : memref<416x16384xf32, #tpu.memory_space<hbm>> -> memref<1x8192xf32, #tpu.memory_space<hbm>>
      %dma_start3A_893 = tpu.memref_squeeze %dma_start3A_892 : memref<1x8192xf32, #tpu.memory_space<hbm>> -> memref<8192xf32, #tpu.memory_space<hbm>>
      %dma_start3A_894 = arith.constant 0 : i32
      %dma_start3A_895 = tpu.memref_slice %arg4[%add3A_33, %dma_start3A_894] : memref<416x16384xf32, #tpu.memory_space<hbm>> -> memref<1x8192xf32, #tpu.memory_space<hbm>>
      %dma_start3A_896 = tpu.memref_squeeze %dma_start3A_895 : memref<1x8192xf32, #tpu.memory_space<hbm>> -> memref<8192xf32, #tpu.memory_space<hbm>>
      tpu.enqueue_dma source(%arg7 : memref<8192xf32, #tpu.memory_space<vmem>>) target(%dma_start3A_896 : memref<8192xf32, #tpu.memory_space<hbm>>) target_semaphore(%run_scoped3A : memref<!tpu.dma_semaphore, #tpu.memory_space<semaphore_mem>>)
      %dma_wait3A = arith.constant 0 : i32
      %dma_wait3A_897 = tpu.memref_slice %arg4[%add3A_33, %dma_wait3A] : memref<416x16384xf32, #tpu.memory_space<hbm>> -> memref<1x8192xf32, #tpu.memory_space<hbm>>
      %dma_wait3A_898 = tpu.memref_squeeze %dma_wait3A_897 : memref<1x8192xf32, #tpu.memory_space<hbm>> -> memref<8192xf32, #tpu.memory_space<hbm>>
      %dma_wait3A_899 = arith.constant 0 : i32
      %dma_wait3A_900 = tpu.memref_slice %arg4[%add3A_33, %dma_wait3A_899] : memref<416x16384xf32, #tpu.memory_space<hbm>> -> memref<1x8192xf32, #tpu.memory_space<hbm>>
      %dma_wait3A_901 = tpu.memref_squeeze %dma_wait3A_900 : memref<1x8192xf32, #tpu.memory_space<hbm>> -> memref<8192xf32, #tpu.memory_space<hbm>>
      tpu.wait_dma2 semaphore(%run_scoped3A : memref<!tpu.dma_semaphore, #tpu.memory_space<semaphore_mem>>) src(%arg7 : memref<8192xf32, #tpu.memory_space<vmem>>) dst(%dma_wait3A_901 : memref<8192xf32, #tpu.memory_space<hbm>>)
      tpu.yield
    }) : () -> ()
    %scan3A_95 = arith.constant 0 : i32
    %scan3A_96 = arith.constant 512 : i32
    %scan3A_97 = arith.addi %scan3A_95, %scan3A_96 : i32
    %scan3A_98 = arith.constant 1 : i32
    scf.for %scan3A_892 = %scan3A_95 to %scan3A_97 step %scan3A_98  : i32 {
      %mul3A_893 = arith.constant 1 : i32
      %mul3A_894 = arith.muli %scan3A_892, %mul3A_893 : i32
      %add3A_895 = arith.constant 0 : i32
      %add3A_896 = arith.addi %add3A_895, %mul3A_894 : i32
      %mul3A_897 = arith.constant 16 : i32
      %mul3A_898 = arith.muli %add3A_896, %mul3A_897 : i32
      %add3A_899 = arith.constant 8192 : i32
      %add3A_900 = arith.addi %add3A_899, %mul3A_898 : i32
      %get3A = arith.index_cast %add3A_900 : i32 to index
      %get3A_901 = tpu.vector_load %arg5[%get3A] {strides = array<i32>} : memref<16384xi32, #tpu.memory_space<vmem>>, vector<16xi32>,
      %gather3A = tpu.vector_load_idx %arg6[%get3A_901] : memref<100000xf32, #tpu.memory_space<vmem>>[vector<16xi32>], vector<16xf32>,
      %mul3A_902 = arith.constant 16 : i32
      %mul3A_903 = arith.muli %add3A_896, %mul3A_902 : i32
      %swap3A = arith.index_cast %mul3A_903 : i32 to index
      %swap3A_904 = tpu.vector_load %arg7[%swap3A] {strides = array<i32>} : memref<8192xf32, #tpu.memory_space<vmem>>, vector<16xf32>,
      tpu.vector_store %arg7[%swap3A], %gather3A {strides = array<i32>} : memref<8192xf32, #tpu.memory_space<vmem>>, vector<16xf32>,
    }
    %scan3A_99 = arith.constant 512 : i32
    "tpu.region"() ({
      %run_scoped3A = tpu.sem_alloc : memref<!tpu.dma_semaphore, #tpu.memory_space<semaphore_mem>>
      %dma_start3A = arith.constant 8192 : i32
      %dma_start3A_892 = tpu.memref_slice %arg4[%add3A_33, %dma_start3A] : memref<416x16384xf32, #tpu.memory_space<hbm>> -> memref<1x8192xf32, #tpu.memory_space<hbm>>
      %dma_start3A_893 = tpu.memref_squeeze %dma_start3A_892 : memref<1x8192xf32, #tpu.memory_space<hbm>> -> memref<8192xf32, #tpu.memory_space<hbm>>
      %dma_start3A_894 = arith.constant 8192 : i32
      %dma_start3A_895 = tpu.memref_slice %arg4[%add3A_33, %dma_start3A_894] : memref<416x16384xf32, #tpu.memory_space<hbm>> -> memref<1x8192xf32, #tpu.memory_space<hbm>>
      %dma_start3A_896 = tpu.memref_squeeze %dma_start3A_895 : memref<1x8192xf32, #tpu.memory_space<hbm>> -> memref<8192xf32, #tpu.memory_space<hbm>>
      tpu.enqueue_dma source(%arg7 : memref<8192xf32, #tpu.memory_space<vmem>>) target(%dma_start3A_896 : memref<8192xf32, #tpu.memory_space<hbm>>) target_semaphore(%run_scoped3A : memref<!tpu.dma_semaphore, #tpu.memory_space<semaphore_mem>>)
      %dma_wait3A = arith.constant 8192 : i32
      %dma_wait3A_897 = tpu.memref_slice %arg4[%add3A_33, %dma_wait3A] : memref<416x16384xf32, #tpu.memory_space<hbm>> -> memref<1x8192xf32, #tpu.memory_space<hbm>>
      %dma_wait3A_898 = tpu.memref_squeeze %dma_wait3A_897 : memref<1x8192xf32, #tpu.memory_space<hbm>> -> memref<8192xf32, #tpu.memory_space<hbm>>
      %dma_wait3A_899 = arith.constant 8192 : i32
      %dma_wait3A_900 = tpu.memref_slice %arg4[%add3A_33, %dma_wait3A_899] : memref<416x16384xf32, #tpu.memory_space<hbm>> -> memref<1x8192xf32, #tpu.memory_space<hbm>>
      %dma_wait3A_901 = tpu.memref_squeeze %dma_wait3A_900 : memref<1x8192xf32, #tpu.memory_space<hbm>> -> memref<8192xf32, #tpu.memory_space<hbm>>
      tpu.wait_dma2 semaphore(%run_scoped3A : memref<!tpu.dma_semaphore, #tpu.memory_space<semaphore_mem>>) src(%arg7 : memref<8192xf32, #tpu.memory_space<vmem>>) dst(%dma_wait3A_901 : memref<8192xf32, #tpu.memory_space<hbm>>)
      tpu.yield
    }) : () -> ()
    %mul3A_100 = arith.constant 13 : i32
    %mul3A_101 = arith.muli %add3A, %mul3A_100 : i32
    %add3A_102 = arith.constant 2 : i32
    %add3A_103 = arith.addi %mul3A_101, %add3A_102 : i32
    %jit3A_104 = arith.constant 16 : i32
    %div3A_105 = arith.divsi %add3A_103, %jit3A_104 : i32
    %sign3A_106 = arith.constant 0 : i32
    %sign3A_107 = arith.cmpi sgt, %add3A_103, %sign3A_106 : i32
    %sign3A_108 = arith.extui %sign3A_107 : i1 to i32
    %sign3A_109 = arith.constant 0 : i32
    %sign3A_110 = arith.cmpi slt, %add3A_103, %sign3A_109 : i32
    %sign3A_111 = arith.extui %sign3A_110 : i1 to i32
    %sign3A_112 = arith.subi %sign3A_108, %sign3A_111 : i32
    %sign3A_113 = arith.constant 0 : i32
    %sign3A_114 = arith.cmpi sgt, %jit3A_104, %sign3A_113 : i32
    %sign3A_115 = arith.extui %sign3A_114 : i1 to i32
    %sign3A_116 = arith.constant 0 : i32
    %sign3A_117 = arith.cmpi slt, %jit3A_104, %sign3A_116 : i32
    %sign3A_118 = arith.extui %sign3A_117 : i1 to i32
    %sign3A_119 = arith.subi %sign3A_115, %sign3A_118 : i32
    %ne3A_120 = arith.cmpi ne, %sign3A_112, %sign3A_119 : i32
    %rem3A_121 = arith.remsi %add3A_103, %jit3A_104 : i32
    %ne3A_122 = arith.constant 0 : i32
    %ne3A_123 = arith.cmpi ne, %rem3A_121, %ne3A_122 : i32
    %and3A_124 = arith.andi %ne3A_120, %ne3A_123 : i1
    %sub3A_125 = arith.constant 1 : i32
    %sub3A_126 = arith.subi %div3A_105, %sub3A_125 : i32
    %select_n3A_127 = arith.select %and3A_124, %sub3A_126, %div3A_105 : i32
    %mul3A_128 = arith.constant 13 : i32
    %mul3A_129 = arith.muli %add3A, %mul3A_128 : i32
    %add3A_130 = arith.constant 2 : i32
    %add3A_131 = arith.addi %mul3A_129, %add3A_130 : i32
    %sub3A_132 = arith.constant 1 : i32
    %sub3A_133 = arith.subi %add3A_131, %sub3A_132 : i32
    %jit3A_134 = arith.constant 16 : i32
    %div3A_135 = arith.divsi %sub3A_133, %jit3A_134 : i32
    %sign3A_136 = arith.constant 0 : i32
    %sign3A_137 = arith.cmpi sgt, %sub3A_133, %sign3A_136 : i32
    %sign3A_138 = arith.extui %sign3A_137 : i1 to i32
    %sign3A_139 = arith.constant 0 : i32
    %sign3A_140 = arith.cmpi slt, %sub3A_133, %sign3A_139 : i32
    %sign3A_141 = arith.extui %sign3A_140 : i1 to i32
    %sign3A_142 = arith.subi %sign3A_138, %sign3A_141 : i32
    %sign3A_143 = arith.constant 0 : i32
    %sign3A_144 = arith.cmpi sgt, %jit3A_134, %sign3A_143 : i32
    %sign3A_145 = arith.extui %sign3A_144 : i1 to i32
    %sign3A_146 = arith.constant 0 : i32
    %sign3A_147 = arith.cmpi slt, %jit3A_134, %sign3A_146 : i32
    %sign3A_148 = arith.extui %sign3A_147 : i1 to i32
    %sign3A_149 = arith.subi %sign3A_145, %sign3A_148 : i32
    %ne3A_150 = arith.cmpi ne, %sign3A_142, %sign3A_149 : i32
    %rem3A_151 = arith.remsi %sub3A_133, %jit3A_134 : i32
    %ne3A_152 = arith.constant 0 : i32
    %ne3A_153 = arith.cmpi ne, %rem3A_151, %ne3A_152 : i32
    %and3A_154 = arith.andi %ne3A_150, %ne3A_153 : i1
    %sub3A_155 = arith.constant 1 : i32
    %sub3A_156 = arith.subi %div3A_135, %sub3A_155 : i32
    %select_n3A_157 = arith.select %and3A_154, %sub3A_156, %div3A_135 : i32
    %ne3A_158 = arith.cmpi ne, %select_n3A_127, %select_n3A_157 : i32
    %convert_element_type3A_159 = arith.extui %ne3A_158 : i1 to i32
    %cond3A_160 = arith.constant 0 : i32
    %cond3A_161 = arith.cmpi ne, %convert_element_type3A_159, %cond3A_160 : i32
    scf.if %cond3A_161 {
      "tpu.region"() ({
        %run_scoped3A = tpu.sem_alloc : memref<!tpu.dma_semaphore, #tpu.memory_space<semaphore_mem>>
        %dma_start3A = arith.constant 0 : i32
        %dma_start3A_892 = tpu.memref_slice %arg2[%select_n3A_127, %dma_start3A] : memref<26x16384xi32, #tpu.memory_space<hbm>> -> memref<1x16384xi32, #tpu.memory_space<hbm>>
        %dma_start3A_893 = tpu.memref_squeeze %dma_start3A_892 : memref<1x16384xi32, #tpu.memory_space<hbm>> -> memref<16384xi32, #tpu.memory_space<hbm>>
        %dma_start3A_894 = arith.constant 0 : i32
        %dma_start3A_895 = tpu.memref_slice %arg2[%select_n3A_127, %dma_start3A_894] : memref<26x16384xi32, #tpu.memory_space<hbm>> -> memref<1x16384xi32, #tpu.memory_space<hbm>>
        %dma_start3A_896 = tpu.memref_squeeze %dma_start3A_895 : memref<1x16384xi32, #tpu.memory_space<hbm>> -> memref<16384xi32, #tpu.memory_space<hbm>>
        tpu.enqueue_dma source(%dma_start3A_896 : memref<16384xi32, #tpu.memory_space<hbm>>) target(%arg5 : memref<16384xi32, #tpu.memory_space<vmem>>) target_semaphore(%run_scoped3A : memref<!tpu.dma_semaphore, #tpu.memory_space<semaphore_mem>>)
        %dma_wait3A = arith.constant 0 : i32
        %dma_wait3A_897 = tpu.memref_slice %arg2[%select_n3A_127, %dma_wait3A] : memref<26x16384xi32, #tpu.memory_space<hbm>> -> memref<1x16384xi32, #tpu.memory_space<hbm>>
        %dma_wait3A_898 = tpu.memref_squeeze %dma_wait3A_897 : memref<1x16384xi32, #tpu.memory_space<hbm>> -> memref<16384xi32, #tpu.memory_space<hbm>>
        %dma_wait3A_899 = arith.constant 0 : i32
        %dma_wait3A_900 = tpu.memref_slice %arg2[%select_n3A_127, %dma_wait3A_899] : memref<26x16384xi32, #tpu.memory_space<hbm>> -> memref<1x16384xi32, #tpu.memory_space<hbm>>
        %dma_wait3A_901 = tpu.memref_squeeze %dma_wait3A_900 : memref<1x16384xi32, #tpu.memory_space<hbm>> -> memref<16384xi32, #tpu.memory_space<hbm>>
        tpu.wait_dma2 semaphore(%run_scoped3A : memref<!tpu.dma_semaphore, #tpu.memory_space<semaphore_mem>>) src(%dma_wait3A_901 : memref<16384xi32, #tpu.memory_space<hbm>>) dst(%arg5 : memref<16384xi32, #tpu.memory_space<vmem>>)
        tpu.yield
      }) : () -> ()
    } else {
    }
    "tpu.region"() ({
      %run_scoped3A = tpu.sem_alloc : memref<!tpu.dma_semaphore, #tpu.memory_space<semaphore_mem>>
      %dma_start3A = arith.constant 0 : i32
      %dma_start3A_892 = tpu.memref_slice %arg3[%add3A_103, %dma_start3A] : memref<416x100000xf32, #tpu.memory_space<hbm>> -> memref<1x100000xf32, #tpu.memory_space<hbm>>
      %dma_start3A_893 = tpu.memref_squeeze %dma_start3A_892 : memref<1x100000xf32, #tpu.memory_space<hbm>> -> memref<100000xf32, #tpu.memory_space<hbm>>
      %dma_start3A_894 = arith.constant 0 : i32
      %dma_start3A_895 = tpu.memref_slice %arg3[%add3A_103, %dma_start3A_894] : memref<416x100000xf32, #tpu.memory_space<hbm>> -> memref<1x100000xf32, #tpu.memory_space<hbm>>
      %dma_start3A_896 = tpu.memref_squeeze %dma_start3A_895 : memref<1x100000xf32, #tpu.memory_space<hbm>> -> memref<100000xf32, #tpu.memory_space<hbm>>
      tpu.enqueue_dma source(%dma_start3A_896 : memref<100000xf32, #tpu.memory_space<hbm>>) target(%arg6 : memref<100000xf32, #tpu.memory_space<vmem>>) target_semaphore(%run_scoped3A : memref<!tpu.dma_semaphore, #tpu.memory_space<semaphore_mem>>)
      %dma_wait3A = arith.constant 0 : i32
      %dma_wait3A_897 = tpu.memref_slice %arg3[%add3A_103, %dma_wait3A] : memref<416x100000xf32, #tpu.memory_space<hbm>> -> memref<1x100000xf32, #tpu.memory_space<hbm>>
      %dma_wait3A_898 = tpu.memref_squeeze %dma_wait3A_897 : memref<1x100000xf32, #tpu.memory_space<hbm>> -> memref<100000xf32, #tpu.memory_space<hbm>>
      %dma_wait3A_899 = arith.constant 0 : i32
      %dma_wait3A_900 = tpu.memref_slice %arg3[%add3A_103, %dma_wait3A_899] : memref<416x100000xf32, #tpu.memory_space<hbm>> -> memref<1x100000xf32, #tpu.memory_space<hbm>>
      %dma_wait3A_901 = tpu.memref_squeeze %dma_wait3A_900 : memref<1x100000xf32, #tpu.memory_space<hbm>> -> memref<100000xf32, #tpu.memory_space<hbm>>
      tpu.wait_dma2 semaphore(%run_scoped3A : memref<!tpu.dma_semaphore, #tpu.memory_space<semaphore_mem>>) src(%dma_wait3A_901 : memref<100000xf32, #tpu.memory_space<hbm>>) dst(%arg6 : memref<100000xf32, #tpu.memory_space<vmem>>)
      tpu.yield
    }) : () -> ()
    %scan3A_162 = arith.constant 0 : i32
    %scan3A_163 = arith.constant 512 : i32
    %scan3A_164 = arith.addi %scan3A_162, %scan3A_163 : i32
    %scan3A_165 = arith.constant 1 : i32
    scf.for %scan3A_892 = %scan3A_162 to %scan3A_164 step %scan3A_165  : i32 {
      %mul3A_893 = arith.constant 1 : i32
      %mul3A_894 = arith.muli %scan3A_892, %mul3A_893 : i32
      %add3A_895 = arith.constant 0 : i32
      %add3A_896 = arith.addi %add3A_895, %mul3A_894 : i32
      %mul3A_897 = arith.constant 16 : i32
      %mul3A_898 = arith.muli %add3A_896, %mul3A_897 : i32
      %add3A_899 = arith.constant 0 : i32
      %add3A_900 = arith.addi %add3A_899, %mul3A_898 : i32
      %get3A = arith.index_cast %add3A_900 : i32 to index
      %get3A_901 = tpu.vector_load %arg5[%get3A] {strides = array<i32>} : memref<16384xi32, #tpu.memory_space<vmem>>, vector<16xi32>,
      %gather3A = tpu.vector_load_idx %arg6[%get3A_901] : memref<100000xf32, #tpu.memory_space<vmem>>[vector<16xi32>], vector<16xf32>,
      %mul3A_902 = arith.constant 16 : i32
      %mul3A_903 = arith.muli %add3A_896, %mul3A_902 : i32
      %swap3A = arith.index_cast %mul3A_903 : i32 to index
      %swap3A_904 = tpu.vector_load %arg7[%swap3A] {strides = array<i32>} : memref<8192xf32, #tpu.memory_space<vmem>>, vector<16xf32>,
      tpu.vector_store %arg7[%swap3A], %gather3A {strides = array<i32>} : memref<8192xf32, #tpu.memory_space<vmem>>, vector<16xf32>,
    }
    %scan3A_166 = arith.constant 512 : i32
    "tpu.region"() ({
      %run_scoped3A = tpu.sem_alloc : memref<!tpu.dma_semaphore, #tpu.memory_space<semaphore_mem>>
      %dma_start3A = arith.constant 0 : i32
      %dma_start3A_892 = tpu.memref_slice %arg4[%add3A_103, %dma_start3A] : memref<416x16384xf32, #tpu.memory_space<hbm>> -> memref<1x8192xf32, #tpu.memory_space<hbm>>
      %dma_start3A_893 = tpu.memref_squeeze %dma_start3A_892 : memref<1x8192xf32, #tpu.memory_space<hbm>> -> memref<8192xf32, #tpu.memory_space<hbm>>
      %dma_start3A_894 = arith.constant 0 : i32
      %dma_start3A_895 = tpu.memref_slice %arg4[%add3A_103, %dma_start3A_894] : memref<416x16384xf32, #tpu.memory_space<hbm>> -> memref<1x8192xf32, #tpu.memory_space<hbm>>
      %dma_start3A_896 = tpu.memref_squeeze %dma_start3A_895 : memref<1x8192xf32, #tpu.memory_space<hbm>> -> memref<8192xf32, #tpu.memory_space<hbm>>
      tpu.enqueue_dma source(%arg7 : memref<8192xf32, #tpu.memory_space<vmem>>) target(%dma_start3A_896 : memref<8192xf32, #tpu.memory_space<hbm>>) target_semaphore(%run_scoped3A : memref<!tpu.dma_semaphore, #tpu.memory_space<semaphore_mem>>)
      %dma_wait3A = arith.constant 0 : i32
      %dma_wait3A_897 = tpu.memref_slice %arg4[%add3A_103, %dma_wait3A] : memref<416x16384xf32, #tpu.memory_space<hbm>> -> memref<1x8192xf32, #tpu.memory_space<hbm>>
      %dma_wait3A_898 = tpu.memref_squeeze %dma_wait3A_897 : memref<1x8192xf32, #tpu.memory_space<hbm>> -> memref<8192xf32, #tpu.memory_space<hbm>>
      %dma_wait3A_899 = arith.constant 0 : i32
      %dma_wait3A_900 = tpu.memref_slice %arg4[%add3A_103, %dma_wait3A_899] : memref<416x16384xf32, #tpu.memory_space<hbm>> -> memref<1x8192xf32, #tpu.memory_space<hbm>>
      %dma_wait3A_901 = tpu.memref_squeeze %dma_wait3A_900 : memref<1x8192xf32, #tpu.memory_space<hbm>> -> memref<8192xf32, #tpu.memory_space<hbm>>
      tpu.wait_dma2 semaphore(%run_scoped3A : memref<!tpu.dma_semaphore, #tpu.memory_space<semaphore_mem>>) src(%arg7 : memref<8192xf32, #tpu.memory_space<vmem>>) dst(%dma_wait3A_901 : memref<8192xf32, #tpu.memory_space<hbm>>)
      tpu.yield
    }) : () -> ()
    %scan3A_167 = arith.constant 0 : i32
    %scan3A_168 = arith.constant 512 : i32
    %scan3A_169 = arith.addi %scan3A_167, %scan3A_168 : i32
    %scan3A_170 = arith.constant 1 : i32
    scf.for %scan3A_892 = %scan3A_167 to %scan3A_169 step %scan3A_170  : i32 {
      %mul3A_893 = arith.constant 1 : i32
      %mul3A_894 = arith.muli %scan3A_892, %mul3A_893 : i32
      %add3A_895 = arith.constant 0 : i32
      %add3A_896 = arith.addi %add3A_895, %mul3A_894 : i32
      %mul3A_897 = arith.constant 16 : i32
      %mul3A_898 = arith.muli %add3A_896, %mul3A_897 : i32
      %add3A_899 = arith.constant 8192 : i32
      %add3A_900 = arith.addi %add3A_899, %mul3A_898 : i32
      %get3A = arith.index_cast %add3A_900 : i32 to index
      %get3A_901 = tpu.vector_load %arg5[%get3A] {strides = array<i32>} : memref<16384xi32, #tpu.memory_space<vmem>>, vector<16xi32>,
      %gather3A = tpu.vector_load_idx %arg6[%get3A_901] : memref<100000xf32, #tpu.memory_space<vmem>>[vector<16xi32>], vector<16xf32>,
      %mul3A_902 = arith.constant 16 : i32
      %mul3A_903 = arith.muli %add3A_896, %mul3A_902 : i32
      %swap3A = arith.index_cast %mul3A_903 : i32 to index
      %swap3A_904 = tpu.vector_load %arg7[%swap3A] {strides = array<i32>} : memref<8192xf32, #tpu.memory_space<vmem>>, vector<16xf32>,
      tpu.vector_store %arg7[%swap3A], %gather3A {strides = array<i32>} : memref<8192xf32, #tpu.memory_space<vmem>>, vector<16xf32>,
    }
    %scan3A_171 = arith.constant 512 : i32
    "tpu.region"() ({
      %run_scoped3A = tpu.sem_alloc : memref<!tpu.dma_semaphore, #tpu.memory_space<semaphore_mem>>
      %dma_start3A = arith.constant 8192 : i32
      %dma_start3A_892 = tpu.memref_slice %arg4[%add3A_103, %dma_start3A] : memref<416x16384xf32, #tpu.memory_space<hbm>> -> memref<1x8192xf32, #tpu.memory_space<hbm>>
      %dma_start3A_893 = tpu.memref_squeeze %dma_start3A_892 : memref<1x8192xf32, #tpu.memory_space<hbm>> -> memref<8192xf32, #tpu.memory_space<hbm>>
      %dma_start3A_894 = arith.constant 8192 : i32
      %dma_start3A_895 = tpu.memref_slice %arg4[%add3A_103, %dma_start3A_894] : memref<416x16384xf32, #tpu.memory_space<hbm>> -> memref<1x8192xf32, #tpu.memory_space<hbm>>
      %dma_start3A_896 = tpu.memref_squeeze %dma_start3A_895 : memref<1x8192xf32, #tpu.memory_space<hbm>> -> memref<8192xf32, #tpu.memory_space<hbm>>
      tpu.enqueue_dma source(%arg7 : memref<8192xf32, #tpu.memory_space<vmem>>) target(%dma_start3A_896 : memref<8192xf32, #tpu.memory_space<hbm>>) target_semaphore(%run_scoped3A : memref<!tpu.dma_semaphore, #tpu.memory_space<semaphore_mem>>)
      %dma_wait3A = arith.constant 8192 : i32
      %dma_wait3A_897 = tpu.memref_slice %arg4[%add3A_103, %dma_wait3A] : memref<416x16384xf32, #tpu.memory_space<hbm>> -> memref<1x8192xf32, #tpu.memory_space<hbm>>
      %dma_wait3A_898 = tpu.memref_squeeze %dma_wait3A_897 : memref<1x8192xf32, #tpu.memory_space<hbm>> -> memref<8192xf32, #tpu.memory_space<hbm>>
      %dma_wait3A_899 = arith.constant 8192 : i32
      %dma_wait3A_900 = tpu.memref_slice %arg4[%add3A_103, %dma_wait3A_899] : memref<416x16384xf32, #tpu.memory_space<hbm>> -> memref<1x8192xf32, #tpu.memory_space<hbm>>
      %dma_wait3A_901 = tpu.memref_squeeze %dma_wait3A_900 : memref<1x8192xf32, #tpu.memory_space<hbm>> -> memref<8192xf32, #tpu.memory_space<hbm>>
      tpu.wait_dma2 semaphore(%run_scoped3A : memref<!tpu.dma_semaphore, #tpu.memory_space<semaphore_mem>>) src(%arg7 : memref<8192xf32, #tpu.memory_space<vmem>>) dst(%dma_wait3A_901 : memref<8192xf32, #tpu.memory_space<hbm>>)
      tpu.yield
    }) : () -> ()
    %mul3A_172 = arith.constant 13 : i32
    %mul3A_173 = arith.muli %add3A, %mul3A_172 : i32
    %add3A_174 = arith.constant 3 : i32
    %add3A_175 = arith.addi %mul3A_173, %add3A_174 : i32
    %jit3A_176 = arith.constant 16 : i32
    %div3A_177 = arith.divsi %add3A_175, %jit3A_176 : i32
    %sign3A_178 = arith.constant 0 : i32
    %sign3A_179 = arith.cmpi sgt, %add3A_175, %sign3A_178 : i32
    %sign3A_180 = arith.extui %sign3A_179 : i1 to i32
    %sign3A_181 = arith.constant 0 : i32
    %sign3A_182 = arith.cmpi slt, %add3A_175, %sign3A_181 : i32
    %sign3A_183 = arith.extui %sign3A_182 : i1 to i32
    %sign3A_184 = arith.subi %sign3A_180, %sign3A_183 : i32
    %sign3A_185 = arith.constant 0 : i32
    %sign3A_186 = arith.cmpi sgt, %jit3A_176, %sign3A_185 : i32
    %sign3A_187 = arith.extui %sign3A_186 : i1 to i32
    %sign3A_188 = arith.constant 0 : i32
    %sign3A_189 = arith.cmpi slt, %jit3A_176, %sign3A_188 : i32
    %sign3A_190 = arith.extui %sign3A_189 : i1 to i32
    %sign3A_191 = arith.subi %sign3A_187, %sign3A_190 : i32
    %ne3A_192 = arith.cmpi ne, %sign3A_184, %sign3A_191 : i32
    %rem3A_193 = arith.remsi %add3A_175, %jit3A_176 : i32
    %ne3A_194 = arith.constant 0 : i32
    %ne3A_195 = arith.cmpi ne, %rem3A_193, %ne3A_194 : i32
    %and3A_196 = arith.andi %ne3A_192, %ne3A_195 : i1
    %sub3A_197 = arith.constant 1 : i32
    %sub3A_198 = arith.subi %div3A_177, %sub3A_197 : i32
    %select_n3A_199 = arith.select %and3A_196, %sub3A_198, %div3A_177 : i32
    %mul3A_200 = arith.constant 13 : i32
    %mul3A_201 = arith.muli %add3A, %mul3A_200 : i32
    %add3A_202 = arith.constant 3 : i32
    %add3A_203 = arith.addi %mul3A_201, %add3A_202 : i32
    %sub3A_204 = arith.constant 1 : i32
    %sub3A_205 = arith.subi %add3A_203, %sub3A_204 : i32
    %jit3A_206 = arith.constant 16 : i32
    %div3A_207 = arith.divsi %sub3A_205, %jit3A_206 : i32
    %sign3A_208 = arith.constant 0 : i32
    %sign3A_209 = arith.cmpi sgt, %sub3A_205, %sign3A_208 : i32
    %sign3A_210 = arith.extui %sign3A_209 : i1 to i32
    %sign3A_211 = arith.constant 0 : i32
    %sign3A_212 = arith.cmpi slt, %sub3A_205, %sign3A_211 : i32
    %sign3A_213 = arith.extui %sign3A_212 : i1 to i32
    %sign3A_214 = arith.subi %sign3A_210, %sign3A_213 : i32
    %sign3A_215 = arith.constant 0 : i32
    %sign3A_216 = arith.cmpi sgt, %jit3A_206, %sign3A_215 : i32
    %sign3A_217 = arith.extui %sign3A_216 : i1 to i32
    %sign3A_218 = arith.constant 0 : i32
    %sign3A_219 = arith.cmpi slt, %jit3A_206, %sign3A_218 : i32
    %sign3A_220 = arith.extui %sign3A_219 : i1 to i32
    %sign3A_221 = arith.subi %sign3A_217, %sign3A_220 : i32
    %ne3A_222 = arith.cmpi ne, %sign3A_214, %sign3A_221 : i32
    %rem3A_223 = arith.remsi %sub3A_205, %jit3A_206 : i32
    %ne3A_224 = arith.constant 0 : i32
    %ne3A_225 = arith.cmpi ne, %rem3A_223, %ne3A_224 : i32
    %and3A_226 = arith.andi %ne3A_222, %ne3A_225 : i1
    %sub3A_227 = arith.constant 1 : i32
    %sub3A_228 = arith.subi %div3A_207, %sub3A_227 : i32
    %select_n3A_229 = arith.select %and3A_226, %sub3A_228, %div3A_207 : i32
    %ne3A_230 = arith.cmpi ne, %select_n3A_199, %select_n3A_229 : i32
    %convert_element_type3A_231 = arith.extui %ne3A_230 : i1 to i32
    %cond3A_232 = arith.constant 0 : i32
    %cond3A_233 = arith.cmpi ne, %convert_element_type3A_231, %cond3A_232 : i32
    scf.if %cond3A_233 {
      "tpu.region"() ({
        %run_scoped3A = tpu.sem_alloc : memref<!tpu.dma_semaphore, #tpu.memory_space<semaphore_mem>>
        %dma_start3A = arith.constant 0 : i32
        %dma_start3A_892 = tpu.memref_slice %arg2[%select_n3A_199, %dma_start3A] : memref<26x16384xi32, #tpu.memory_space<hbm>> -> memref<1x16384xi32, #tpu.memory_space<hbm>>
        %dma_start3A_893 = tpu.memref_squeeze %dma_start3A_892 : memref<1x16384xi32, #tpu.memory_space<hbm>> -> memref<16384xi32, #tpu.memory_space<hbm>>
        %dma_start3A_894 = arith.constant 0 : i32
        %dma_start3A_895 = tpu.memref_slice %arg2[%select_n3A_199, %dma_start3A_894] : memref<26x16384xi32, #tpu.memory_space<hbm>> -> memref<1x16384xi32, #tpu.memory_space<hbm>>
        %dma_start3A_896 = tpu.memref_squeeze %dma_start3A_895 : memref<1x16384xi32, #tpu.memory_space<hbm>> -> memref<16384xi32, #tpu.memory_space<hbm>>
        tpu.enqueue_dma source(%dma_start3A_896 : memref<16384xi32, #tpu.memory_space<hbm>>) target(%arg5 : memref<16384xi32, #tpu.memory_space<vmem>>) target_semaphore(%run_scoped3A : memref<!tpu.dma_semaphore, #tpu.memory_space<semaphore_mem>>)
        %dma_wait3A = arith.constant 0 : i32
        %dma_wait3A_897 = tpu.memref_slice %arg2[%select_n3A_199, %dma_wait3A] : memref<26x16384xi32, #tpu.memory_space<hbm>> -> memref<1x16384xi32, #tpu.memory_space<hbm>>
        %dma_wait3A_898 = tpu.memref_squeeze %dma_wait3A_897 : memref<1x16384xi32, #tpu.memory_space<hbm>> -> memref<16384xi32, #tpu.memory_space<hbm>>
        %dma_wait3A_899 = arith.constant 0 : i32
        %dma_wait3A_900 = tpu.memref_slice %arg2[%select_n3A_199, %dma_wait3A_899] : memref<26x16384xi32, #tpu.memory_space<hbm>> -> memref<1x16384xi32, #tpu.memory_space<hbm>>
        %dma_wait3A_901 = tpu.memref_squeeze %dma_wait3A_900 : memref<1x16384xi32, #tpu.memory_space<hbm>> -> memref<16384xi32, #tpu.memory_space<hbm>>
        tpu.wait_dma2 semaphore(%run_scoped3A : memref<!tpu.dma_semaphore, #tpu.memory_space<semaphore_mem>>) src(%dma_wait3A_901 : memref<16384xi32, #tpu.memory_space<hbm>>) dst(%arg5 : memref<16384xi32, #tpu.memory_space<vmem>>)
        tpu.yield
      }) : () -> ()
    } else {
    }
    "tpu.region"() ({
      %run_scoped3A = tpu.sem_alloc : memref<!tpu.dma_semaphore, #tpu.memory_space<semaphore_mem>>
      %dma_start3A = arith.constant 0 : i32
      %dma_start3A_892 = tpu.memref_slice %arg3[%add3A_175, %dma_start3A] : memref<416x100000xf32, #tpu.memory_space<hbm>> -> memref<1x100000xf32, #tpu.memory_space<hbm>>
      %dma_start3A_893 = tpu.memref_squeeze %dma_start3A_892 : memref<1x100000xf32, #tpu.memory_space<hbm>> -> memref<100000xf32, #tpu.memory_space<hbm>>
      %dma_start3A_894 = arith.constant 0 : i32
      %dma_start3A_895 = tpu.memref_slice %arg3[%add3A_175, %dma_start3A_894] : memref<416x100000xf32, #tpu.memory_space<hbm>> -> memref<1x100000xf32, #tpu.memory_space<hbm>>
      %dma_start3A_896 = tpu.memref_squeeze %dma_start3A_895 : memref<1x100000xf32, #tpu.memory_space<hbm>> -> memref<100000xf32, #tpu.memory_space<hbm>>
      tpu.enqueue_dma source(%dma_start3A_896 : memref<100000xf32, #tpu.memory_space<hbm>>) target(%arg6 : memref<100000xf32, #tpu.memory_space<vmem>>) target_semaphore(%run_scoped3A : memref<!tpu.dma_semaphore, #tpu.memory_space<semaphore_mem>>)
      %dma_wait3A = arith.constant 0 : i32
      %dma_wait3A_897 = tpu.memref_slice %arg3[%add3A_175, %dma_wait3A] : memref<416x100000xf32, #tpu.memory_space<hbm>> -> memref<1x100000xf32, #tpu.memory_space<hbm>>
      %dma_wait3A_898 = tpu.memref_squeeze %dma_wait3A_897 : memref<1x100000xf32, #tpu.memory_space<hbm>> -> memref<100000xf32, #tpu.memory_space<hbm>>
      %dma_wait3A_899 = arith.constant 0 : i32
      %dma_wait3A_900 = tpu.memref_slice %arg3[%add3A_175, %dma_wait3A_899] : memref<416x100000xf32, #tpu.memory_space<hbm>> -> memref<1x100000xf32, #tpu.memory_space<hbm>>
      %dma_wait3A_901 = tpu.memref_squeeze %dma_wait3A_900 : memref<1x100000xf32, #tpu.memory_space<hbm>> -> memref<100000xf32, #tpu.memory_space<hbm>>
      tpu.wait_dma2 semaphore(%run_scoped3A : memref<!tpu.dma_semaphore, #tpu.memory_space<semaphore_mem>>) src(%dma_wait3A_901 : memref<100000xf32, #tpu.memory_space<hbm>>) dst(%arg6 : memref<100000xf32, #tpu.memory_space<vmem>>)
      tpu.yield
    }) : () -> ()
    %scan3A_234 = arith.constant 0 : i32
    %scan3A_235 = arith.constant 512 : i32
    %scan3A_236 = arith.addi %scan3A_234, %scan3A_235 : i32
    %scan3A_237 = arith.constant 1 : i32
    scf.for %scan3A_892 = %scan3A_234 to %scan3A_236 step %scan3A_237  : i32 {
      %mul3A_893 = arith.constant 1 : i32
      %mul3A_894 = arith.muli %scan3A_892, %mul3A_893 : i32
      %add3A_895 = arith.constant 0 : i32
      %add3A_896 = arith.addi %add3A_895, %mul3A_894 : i32
      %mul3A_897 = arith.constant 16 : i32
      %mul3A_898 = arith.muli %add3A_896, %mul3A_897 : i32
      %add3A_899 = arith.constant 0 : i32
      %add3A_900 = arith.addi %add3A_899, %mul3A_898 : i32
      %get3A = arith.index_cast %add3A_900 : i32 to index
      %get3A_901 = tpu.vector_load %arg5[%get3A] {strides = array<i32>} : memref<16384xi32, #tpu.memory_space<vmem>>, vector<16xi32>,
      %gather3A = tpu.vector_load_idx %arg6[%get3A_901] : memref<100000xf32, #tpu.memory_space<vmem>>[vector<16xi32>], vector<16xf32>,
      %mul3A_902 = arith.constant 16 : i32
      %mul3A_903 = arith.muli %add3A_896, %mul3A_902 : i32
      %swap3A = arith.index_cast %mul3A_903 : i32 to index
      %swap3A_904 = tpu.vector_load %arg7[%swap3A] {strides = array<i32>} : memref<8192xf32, #tpu.memory_space<vmem>>, vector<16xf32>,
      tpu.vector_store %arg7[%swap3A], %gather3A {strides = array<i32>} : memref<8192xf32, #tpu.memory_space<vmem>>, vector<16xf32>,
    }
    %scan3A_238 = arith.constant 512 : i32
    "tpu.region"() ({
      %run_scoped3A = tpu.sem_alloc : memref<!tpu.dma_semaphore, #tpu.memory_space<semaphore_mem>>
      %dma_start3A = arith.constant 0 : i32
      %dma_start3A_892 = tpu.memref_slice %arg4[%add3A_175, %dma_start3A] : memref<416x16384xf32, #tpu.memory_space<hbm>> -> memref<1x8192xf32, #tpu.memory_space<hbm>>
      %dma_start3A_893 = tpu.memref_squeeze %dma_start3A_892 : memref<1x8192xf32, #tpu.memory_space<hbm>> -> memref<8192xf32, #tpu.memory_space<hbm>>
      %dma_start3A_894 = arith.constant 0 : i32
      %dma_start3A_895 = tpu.memref_slice %arg4[%add3A_175, %dma_start3A_894] : memref<416x16384xf32, #tpu.memory_space<hbm>> -> memref<1x8192xf32, #tpu.memory_space<hbm>>
      %dma_start3A_896 = tpu.memref_squeeze %dma_start3A_895 : memref<1x8192xf32, #tpu.memory_space<hbm>> -> memref<8192xf32, #tpu.memory_space<hbm>>
      tpu.enqueue_dma source(%arg7 : memref<8192xf32, #tpu.memory_space<vmem>>) target(%dma_start3A_896 : memref<8192xf32, #tpu.memory_space<hbm>>) target_semaphore(%run_scoped3A : memref<!tpu.dma_semaphore, #tpu.memory_space<semaphore_mem>>)
      %dma_wait3A = arith.constant 0 : i32
      %dma_wait3A_897 = tpu.memref_slice %arg4[%add3A_175, %dma_wait3A] : memref<416x16384xf32, #tpu.memory_space<hbm>> -> memref<1x8192xf32, #tpu.memory_space<hbm>>
      %dma_wait3A_898 = tpu.memref_squeeze %dma_wait3A_897 : memref<1x8192xf32, #tpu.memory_space<hbm>> -> memref<8192xf32, #tpu.memory_space<hbm>>
      %dma_wait3A_899 = arith.constant 0 : i32
      %dma_wait3A_900 = tpu.memref_slice %arg4[%add3A_175, %dma_wait3A_899] : memref<416x16384xf32, #tpu.memory_space<hbm>> -> memref<1x8192xf32, #tpu.memory_space<hbm>>
      %dma_wait3A_901 = tpu.memref_squeeze %dma_wait3A_900 : memref<1x8192xf32, #tpu.memory_space<hbm>> -> memref<8192xf32, #tpu.memory_space<hbm>>
      tpu.wait_dma2 semaphore(%run_scoped3A : memref<!tpu.dma_semaphore, #tpu.memory_space<semaphore_mem>>) src(%arg7 : memref<8192xf32, #tpu.memory_space<vmem>>) dst(%dma_wait3A_901 : memref<8192xf32, #tpu.memory_space<hbm>>)
      tpu.yield
    }) : () -> ()
    %scan3A_239 = arith.constant 0 : i32
    %scan3A_240 = arith.constant 512 : i32
    %scan3A_241 = arith.addi %scan3A_239, %scan3A_240 : i32
    %scan3A_242 = arith.constant 1 : i32
    scf.for %scan3A_892 = %scan3A_239 to %scan3A_241 step %scan3A_242  : i32 {
      %mul3A_893 = arith.constant 1 : i32
      %mul3A_894 = arith.muli %scan3A_892, %mul3A_893 : i32
      %add3A_895 = arith.constant 0 : i32
      %add3A_896 = arith.addi %add3A_895, %mul3A_894 : i32
      %mul3A_897 = arith.constant 16 : i32
      %mul3A_898 = arith.muli %add3A_896, %mul3A_897 : i32
      %add3A_899 = arith.constant 8192 : i32
      %add3A_900 = arith.addi %add3A_899, %mul3A_898 : i32
      %get3A = arith.index_cast %add3A_900 : i32 to index
      %get3A_901 = tpu.vector_load %arg5[%get3A] {strides = array<i32>} : memref<16384xi32, #tpu.memory_space<vmem>>, vector<16xi32>,
      %gather3A = tpu.vector_load_idx %arg6[%get3A_901] : memref<100000xf32, #tpu.memory_space<vmem>>[vector<16xi32>], vector<16xf32>,
      %mul3A_902 = arith.constant 16 : i32
      %mul3A_903 = arith.muli %add3A_896, %mul3A_902 : i32
      %swap3A = arith.index_cast %mul3A_903 : i32 to index
      %swap3A_904 = tpu.vector_load %arg7[%swap3A] {strides = array<i32>} : memref<8192xf32, #tpu.memory_space<vmem>>, vector<16xf32>,
      tpu.vector_store %arg7[%swap3A], %gather3A {strides = array<i32>} : memref<8192xf32, #tpu.memory_space<vmem>>, vector<16xf32>,
    }
    %scan3A_243 = arith.constant 512 : i32
    "tpu.region"() ({
      %run_scoped3A = tpu.sem_alloc : memref<!tpu.dma_semaphore, #tpu.memory_space<semaphore_mem>>
      %dma_start3A = arith.constant 8192 : i32
      %dma_start3A_892 = tpu.memref_slice %arg4[%add3A_175, %dma_start3A] : memref<416x16384xf32, #tpu.memory_space<hbm>> -> memref<1x8192xf32, #tpu.memory_space<hbm>>
      %dma_start3A_893 = tpu.memref_squeeze %dma_start3A_892 : memref<1x8192xf32, #tpu.memory_space<hbm>> -> memref<8192xf32, #tpu.memory_space<hbm>>
      %dma_start3A_894 = arith.constant 8192 : i32
      %dma_start3A_895 = tpu.memref_slice %arg4[%add3A_175, %dma_start3A_894] : memref<416x16384xf32, #tpu.memory_space<hbm>> -> memref<1x8192xf32, #tpu.memory_space<hbm>>
      %dma_start3A_896 = tpu.memref_squeeze %dma_start3A_895 : memref<1x8192xf32, #tpu.memory_space<hbm>> -> memref<8192xf32, #tpu.memory_space<hbm>>
      tpu.enqueue_dma source(%arg7 : memref<8192xf32, #tpu.memory_space<vmem>>) target(%dma_start3A_896 : memref<8192xf32, #tpu.memory_space<hbm>>) target_semaphore(%run_scoped3A : memref<!tpu.dma_semaphore, #tpu.memory_space<semaphore_mem>>)
      %dma_wait3A = arith.constant 8192 : i32
      %dma_wait3A_897 = tpu.memref_slice %arg4[%add3A_175, %dma_wait3A] : memref<416x16384xf32, #tpu.memory_space<hbm>> -> memref<1x8192xf32, #tpu.memory_space<hbm>>
      %dma_wait3A_898 = tpu.memref_squeeze %dma_wait3A_897 : memref<1x8192xf32, #tpu.memory_space<hbm>> -> memref<8192xf32, #tpu.memory_space<hbm>>
      %dma_wait3A_899 = arith.constant 8192 : i32
      %dma_wait3A_900 = tpu.memref_slice %arg4[%add3A_175, %dma_wait3A_899] : memref<416x16384xf32, #tpu.memory_space<hbm>> -> memref<1x8192xf32, #tpu.memory_space<hbm>>
      %dma_wait3A_901 = tpu.memref_squeeze %dma_wait3A_900 : memref<1x8192xf32, #tpu.memory_space<hbm>> -> memref<8192xf32, #tpu.memory_space<hbm>>
      tpu.wait_dma2 semaphore(%run_scoped3A : memref<!tpu.dma_semaphore, #tpu.memory_space<semaphore_mem>>) src(%arg7 : memref<8192xf32, #tpu.memory_space<vmem>>) dst(%dma_wait3A_901 : memref<8192xf32, #tpu.memory_space<hbm>>)
      tpu.yield
    }) : () -> ()
    %mul3A_244 = arith.constant 13 : i32
    %mul3A_245 = arith.muli %add3A, %mul3A_244 : i32
    %add3A_246 = arith.constant 4 : i32
    %add3A_247 = arith.addi %mul3A_245, %add3A_246 : i32
    %jit3A_248 = arith.constant 16 : i32
    %div3A_249 = arith.divsi %add3A_247, %jit3A_248 : i32
    %sign3A_250 = arith.constant 0 : i32
    %sign3A_251 = arith.cmpi sgt, %add3A_247, %sign3A_250 : i32
    %sign3A_252 = arith.extui %sign3A_251 : i1 to i32
    %sign3A_253 = arith.constant 0 : i32
    %sign3A_254 = arith.cmpi slt, %add3A_247, %sign3A_253 : i32
    %sign3A_255 = arith.extui %sign3A_254 : i1 to i32
    %sign3A_256 = arith.subi %sign3A_252, %sign3A_255 : i32
    %sign3A_257 = arith.constant 0 : i32
    %sign3A_258 = arith.cmpi sgt, %jit3A_248, %sign3A_257 : i32
    %sign3A_259 = arith.extui %sign3A_258 : i1 to i32
    %sign3A_260 = arith.constant 0 : i32
    %sign3A_261 = arith.cmpi slt, %jit3A_248, %sign3A_260 : i32
    %sign3A_262 = arith.extui %sign3A_261 : i1 to i32
    %sign3A_263 = arith.subi %sign3A_259, %sign3A_262 : i32
    %ne3A_264 = arith.cmpi ne, %sign3A_256, %sign3A_263 : i32
    %rem3A_265 = arith.remsi %add3A_247, %jit3A_248 : i32
    %ne3A_266 = arith.constant 0 : i32
    %ne3A_267 = arith.cmpi ne, %rem3A_265, %ne3A_266 : i32
    %and3A_268 = arith.andi %ne3A_264, %ne3A_267 : i1
    %sub3A_269 = arith.constant 1 : i32
    %sub3A_270 = arith.subi %div3A_249, %sub3A_269 : i32
    %select_n3A_271 = arith.select %and3A_268, %sub3A_270, %div3A_249 : i32
    %mul3A_272 = arith.constant 13 : i32
    %mul3A_273 = arith.muli %add3A, %mul3A_272 : i32
    %add3A_274 = arith.constant 4 : i32
    %add3A_275 = arith.addi %mul3A_273, %add3A_274 : i32
    %sub3A_276 = arith.constant 1 : i32
    %sub3A_277 = arith.subi %add3A_275, %sub3A_276 : i32
    %jit3A_278 = arith.constant 16 : i32
    %div3A_279 = arith.divsi %sub3A_277, %jit3A_278 : i32
    %sign3A_280 = arith.constant 0 : i32
    %sign3A_281 = arith.cmpi sgt, %sub3A_277, %sign3A_280 : i32
    %sign3A_282 = arith.extui %sign3A_281 : i1 to i32
    %sign3A_283 = arith.constant 0 : i32
    %sign3A_284 = arith.cmpi slt, %sub3A_277, %sign3A_283 : i32
    %sign3A_285 = arith.extui %sign3A_284 : i1 to i32
    %sign3A_286 = arith.subi %sign3A_282, %sign3A_285 : i32
    %sign3A_287 = arith.constant 0 : i32
    %sign3A_288 = arith.cmpi sgt, %jit3A_278, %sign3A_287 : i32
    %sign3A_289 = arith.extui %sign3A_288 : i1 to i32
    %sign3A_290 = arith.constant 0 : i32
    %sign3A_291 = arith.cmpi slt, %jit3A_278, %sign3A_290 : i32
    %sign3A_292 = arith.extui %sign3A_291 : i1 to i32
    %sign3A_293 = arith.subi %sign3A_289, %sign3A_292 : i32
    %ne3A_294 = arith.cmpi ne, %sign3A_286, %sign3A_293 : i32
    %rem3A_295 = arith.remsi %sub3A_277, %jit3A_278 : i32
    %ne3A_296 = arith.constant 0 : i32
    %ne3A_297 = arith.cmpi ne, %rem3A_295, %ne3A_296 : i32
    %and3A_298 = arith.andi %ne3A_294, %ne3A_297 : i1
    %sub3A_299 = arith.constant 1 : i32
    %sub3A_300 = arith.subi %div3A_279, %sub3A_299 : i32
    %select_n3A_301 = arith.select %and3A_298, %sub3A_300, %div3A_279 : i32
    %ne3A_302 = arith.cmpi ne, %select_n3A_271, %select_n3A_301 : i32
    %convert_element_type3A_303 = arith.extui %ne3A_302 : i1 to i32
    %cond3A_304 = arith.constant 0 : i32
    %cond3A_305 = arith.cmpi ne, %convert_element_type3A_303, %cond3A_304 : i32
    scf.if %cond3A_305 {
      "tpu.region"() ({
        %run_scoped3A = tpu.sem_alloc : memref<!tpu.dma_semaphore, #tpu.memory_space<semaphore_mem>>
        %dma_start3A = arith.constant 0 : i32
        %dma_start3A_892 = tpu.memref_slice %arg2[%select_n3A_271, %dma_start3A] : memref<26x16384xi32, #tpu.memory_space<hbm>> -> memref<1x16384xi32, #tpu.memory_space<hbm>>
        %dma_start3A_893 = tpu.memref_squeeze %dma_start3A_892 : memref<1x16384xi32, #tpu.memory_space<hbm>> -> memref<16384xi32, #tpu.memory_space<hbm>>
        %dma_start3A_894 = arith.constant 0 : i32
        %dma_start3A_895 = tpu.memref_slice %arg2[%select_n3A_271, %dma_start3A_894] : memref<26x16384xi32, #tpu.memory_space<hbm>> -> memref<1x16384xi32, #tpu.memory_space<hbm>>
        %dma_start3A_896 = tpu.memref_squeeze %dma_start3A_895 : memref<1x16384xi32, #tpu.memory_space<hbm>> -> memref<16384xi32, #tpu.memory_space<hbm>>
        tpu.enqueue_dma source(%dma_start3A_896 : memref<16384xi32, #tpu.memory_space<hbm>>) target(%arg5 : memref<16384xi32, #tpu.memory_space<vmem>>) target_semaphore(%run_scoped3A : memref<!tpu.dma_semaphore, #tpu.memory_space<semaphore_mem>>)
        %dma_wait3A = arith.constant 0 : i32
        %dma_wait3A_897 = tpu.memref_slice %arg2[%select_n3A_271, %dma_wait3A] : memref<26x16384xi32, #tpu.memory_space<hbm>> -> memref<1x16384xi32, #tpu.memory_space<hbm>>
        %dma_wait3A_898 = tpu.memref_squeeze %dma_wait3A_897 : memref<1x16384xi32, #tpu.memory_space<hbm>> -> memref<16384xi32, #tpu.memory_space<hbm>>
        %dma_wait3A_899 = arith.constant 0 : i32
        %dma_wait3A_900 = tpu.memref_slice %arg2[%select_n3A_271, %dma_wait3A_899] : memref<26x16384xi32, #tpu.memory_space<hbm>> -> memref<1x16384xi32, #tpu.memory_space<hbm>>
        %dma_wait3A_901 = tpu.memref_squeeze %dma_wait3A_900 : memref<1x16384xi32, #tpu.memory_space<hbm>> -> memref<16384xi32, #tpu.memory_space<hbm>>
        tpu.wait_dma2 semaphore(%run_scoped3A : memref<!tpu.dma_semaphore, #tpu.memory_space<semaphore_mem>>) src(%dma_wait3A_901 : memref<16384xi32, #tpu.memory_space<hbm>>) dst(%arg5 : memref<16384xi32, #tpu.memory_space<vmem>>)
        tpu.yield
      }) : () -> ()
    } else {
    }
    "tpu.region"() ({
      %run_scoped3A = tpu.sem_alloc : memref<!tpu.dma_semaphore, #tpu.memory_space<semaphore_mem>>
      %dma_start3A = arith.constant 0 : i32
      %dma_start3A_892 = tpu.memref_slice %arg3[%add3A_247, %dma_start3A] : memref<416x100000xf32, #tpu.memory_space<hbm>> -> memref<1x100000xf32, #tpu.memory_space<hbm>>
      %dma_start3A_893 = tpu.memref_squeeze %dma_start3A_892 : memref<1x100000xf32, #tpu.memory_space<hbm>> -> memref<100000xf32, #tpu.memory_space<hbm>>
      %dma_start3A_894 = arith.constant 0 : i32
      %dma_start3A_895 = tpu.memref_slice %arg3[%add3A_247, %dma_start3A_894] : memref<416x100000xf32, #tpu.memory_space<hbm>> -> memref<1x100000xf32, #tpu.memory_space<hbm>>
      %dma_start3A_896 = tpu.memref_squeeze %dma_start3A_895 : memref<1x100000xf32, #tpu.memory_space<hbm>> -> memref<100000xf32, #tpu.memory_space<hbm>>
      tpu.enqueue_dma source(%dma_start3A_896 : memref<100000xf32, #tpu.memory_space<hbm>>) target(%arg6 : memref<100000xf32, #tpu.memory_space<vmem>>) target_semaphore(%run_scoped3A : memref<!tpu.dma_semaphore, #tpu.memory_space<semaphore_mem>>)
      %dma_wait3A = arith.constant 0 : i32
      %dma_wait3A_897 = tpu.memref_slice %arg3[%add3A_247, %dma_wait3A] : memref<416x100000xf32, #tpu.memory_space<hbm>> -> memref<1x100000xf32, #tpu.memory_space<hbm>>
      %dma_wait3A_898 = tpu.memref_squeeze %dma_wait3A_897 : memref<1x100000xf32, #tpu.memory_space<hbm>> -> memref<100000xf32, #tpu.memory_space<hbm>>
      %dma_wait3A_899 = arith.constant 0 : i32
      %dma_wait3A_900 = tpu.memref_slice %arg3[%add3A_247, %dma_wait3A_899] : memref<416x100000xf32, #tpu.memory_space<hbm>> -> memref<1x100000xf32, #tpu.memory_space<hbm>>
      %dma_wait3A_901 = tpu.memref_squeeze %dma_wait3A_900 : memref<1x100000xf32, #tpu.memory_space<hbm>> -> memref<100000xf32, #tpu.memory_space<hbm>>
      tpu.wait_dma2 semaphore(%run_scoped3A : memref<!tpu.dma_semaphore, #tpu.memory_space<semaphore_mem>>) src(%dma_wait3A_901 : memref<100000xf32, #tpu.memory_space<hbm>>) dst(%arg6 : memref<100000xf32, #tpu.memory_space<vmem>>)
      tpu.yield
    }) : () -> ()
    %scan3A_306 = arith.constant 0 : i32
    %scan3A_307 = arith.constant 512 : i32
    %scan3A_308 = arith.addi %scan3A_306, %scan3A_307 : i32
    %scan3A_309 = arith.constant 1 : i32
    scf.for %scan3A_892 = %scan3A_306 to %scan3A_308 step %scan3A_309  : i32 {
      %mul3A_893 = arith.constant 1 : i32
      %mul3A_894 = arith.muli %scan3A_892, %mul3A_893 : i32
      %add3A_895 = arith.constant 0 : i32
      %add3A_896 = arith.addi %add3A_895, %mul3A_894 : i32
      %mul3A_897 = arith.constant 16 : i32
      %mul3A_898 = arith.muli %add3A_896, %mul3A_897 : i32
      %add3A_899 = arith.constant 0 : i32
      %add3A_900 = arith.addi %add3A_899, %mul3A_898 : i32
      %get3A = arith.index_cast %add3A_900 : i32 to index
      %get3A_901 = tpu.vector_load %arg5[%get3A] {strides = array<i32>} : memref<16384xi32, #tpu.memory_space<vmem>>, vector<16xi32>,
      %gather3A = tpu.vector_load_idx %arg6[%get3A_901] : memref<100000xf32, #tpu.memory_space<vmem>>[vector<16xi32>], vector<16xf32>,
      %mul3A_902 = arith.constant 16 : i32
      %mul3A_903 = arith.muli %add3A_896, %mul3A_902 : i32
      %swap3A = arith.index_cast %mul3A_903 : i32 to index
      %swap3A_904 = tpu.vector_load %arg7[%swap3A] {strides = array<i32>} : memref<8192xf32, #tpu.memory_space<vmem>>, vector<16xf32>,
      tpu.vector_store %arg7[%swap3A], %gather3A {strides = array<i32>} : memref<8192xf32, #tpu.memory_space<vmem>>, vector<16xf32>,
    }
    %scan3A_310 = arith.constant 512 : i32
    "tpu.region"() ({
      %run_scoped3A = tpu.sem_alloc : memref<!tpu.dma_semaphore, #tpu.memory_space<semaphore_mem>>
      %dma_start3A = arith.constant 0 : i32
      %dma_start3A_892 = tpu.memref_slice %arg4[%add3A_247, %dma_start3A] : memref<416x16384xf32, #tpu.memory_space<hbm>> -> memref<1x8192xf32, #tpu.memory_space<hbm>>
      %dma_start3A_893 = tpu.memref_squeeze %dma_start3A_892 : memref<1x8192xf32, #tpu.memory_space<hbm>> -> memref<8192xf32, #tpu.memory_space<hbm>>
      %dma_start3A_894 = arith.constant 0 : i32
      %dma_start3A_895 = tpu.memref_slice %arg4[%add3A_247, %dma_start3A_894] : memref<416x16384xf32, #tpu.memory_space<hbm>> -> memref<1x8192xf32, #tpu.memory_space<hbm>>
      %dma_start3A_896 = tpu.memref_squeeze %dma_start3A_895 : memref<1x8192xf32, #tpu.memory_space<hbm>> -> memref<8192xf32, #tpu.memory_space<hbm>>
      tpu.enqueue_dma source(%arg7 : memref<8192xf32, #tpu.memory_space<vmem>>) target(%dma_start3A_896 : memref<8192xf32, #tpu.memory_space<hbm>>) target_semaphore(%run_scoped3A : memref<!tpu.dma_semaphore, #tpu.memory_space<semaphore_mem>>)
      %dma_wait3A = arith.constant 0 : i32
      %dma_wait3A_897 = tpu.memref_slice %arg4[%add3A_247, %dma_wait3A] : memref<416x16384xf32, #tpu.memory_space<hbm>> -> memref<1x8192xf32, #tpu.memory_space<hbm>>
      %dma_wait3A_898 = tpu.memref_squeeze %dma_wait3A_897 : memref<1x8192xf32, #tpu.memory_space<hbm>> -> memref<8192xf32, #tpu.memory_space<hbm>>
      %dma_wait3A_899 = arith.constant 0 : i32
      %dma_wait3A_900 = tpu.memref_slice %arg4[%add3A_247, %dma_wait3A_899] : memref<416x16384xf32, #tpu.memory_space<hbm>> -> memref<1x8192xf32, #tpu.memory_space<hbm>>
      %dma_wait3A_901 = tpu.memref_squeeze %dma_wait3A_900 : memref<1x8192xf32, #tpu.memory_space<hbm>> -> memref<8192xf32, #tpu.memory_space<hbm>>
      tpu.wait_dma2 semaphore(%run_scoped3A : memref<!tpu.dma_semaphore, #tpu.memory_space<semaphore_mem>>) src(%arg7 : memref<8192xf32, #tpu.memory_space<vmem>>) dst(%dma_wait3A_901 : memref<8192xf32, #tpu.memory_space<hbm>>)
      tpu.yield
    }) : () -> ()
    %scan3A_311 = arith.constant 0 : i32
    %scan3A_312 = arith.constant 512 : i32
    %scan3A_313 = arith.addi %scan3A_311, %scan3A_312 : i32
    %scan3A_314 = arith.constant 1 : i32
    scf.for %scan3A_892 = %scan3A_311 to %scan3A_313 step %scan3A_314  : i32 {
      %mul3A_893 = arith.constant 1 : i32
      %mul3A_894 = arith.muli %scan3A_892, %mul3A_893 : i32
      %add3A_895 = arith.constant 0 : i32
      %add3A_896 = arith.addi %add3A_895, %mul3A_894 : i32
      %mul3A_897 = arith.constant 16 : i32
      %mul3A_898 = arith.muli %add3A_896, %mul3A_897 : i32
      %add3A_899 = arith.constant 8192 : i32
      %add3A_900 = arith.addi %add3A_899, %mul3A_898 : i32
      %get3A = arith.index_cast %add3A_900 : i32 to index
      %get3A_901 = tpu.vector_load %arg5[%get3A] {strides = array<i32>} : memref<16384xi32, #tpu.memory_space<vmem>>, vector<16xi32>,
      %gather3A = tpu.vector_load_idx %arg6[%get3A_901] : memref<100000xf32, #tpu.memory_space<vmem>>[vector<16xi32>], vector<16xf32>,
      %mul3A_902 = arith.constant 16 : i32
      %mul3A_903 = arith.muli %add3A_896, %mul3A_902 : i32
      %swap3A = arith.index_cast %mul3A_903 : i32 to index
      %swap3A_904 = tpu.vector_load %arg7[%swap3A] {strides = array<i32>} : memref<8192xf32, #tpu.memory_space<vmem>>, vector<16xf32>,
      tpu.vector_store %arg7[%swap3A], %gather3A {strides = array<i32>} : memref<8192xf32, #tpu.memory_space<vmem>>, vector<16xf32>,
    }
    %scan3A_315 = arith.constant 512 : i32
    "tpu.region"() ({
      %run_scoped3A = tpu.sem_alloc : memref<!tpu.dma_semaphore, #tpu.memory_space<semaphore_mem>>
      %dma_start3A = arith.constant 8192 : i32
      %dma_start3A_892 = tpu.memref_slice %arg4[%add3A_247, %dma_start3A] : memref<416x16384xf32, #tpu.memory_space<hbm>> -> memref<1x8192xf32, #tpu.memory_space<hbm>>
      %dma_start3A_893 = tpu.memref_squeeze %dma_start3A_892 : memref<1x8192xf32, #tpu.memory_space<hbm>> -> memref<8192xf32, #tpu.memory_space<hbm>>
      %dma_start3A_894 = arith.constant 8192 : i32
      %dma_start3A_895 = tpu.memref_slice %arg4[%add3A_247, %dma_start3A_894] : memref<416x16384xf32, #tpu.memory_space<hbm>> -> memref<1x8192xf32, #tpu.memory_space<hbm>>
      %dma_start3A_896 = tpu.memref_squeeze %dma_start3A_895 : memref<1x8192xf32, #tpu.memory_space<hbm>> -> memref<8192xf32, #tpu.memory_space<hbm>>
      tpu.enqueue_dma source(%arg7 : memref<8192xf32, #tpu.memory_space<vmem>>) target(%dma_start3A_896 : memref<8192xf32, #tpu.memory_space<hbm>>) target_semaphore(%run_scoped3A : memref<!tpu.dma_semaphore, #tpu.memory_space<semaphore_mem>>)
      %dma_wait3A = arith.constant 8192 : i32
      %dma_wait3A_897 = tpu.memref_slice %arg4[%add3A_247, %dma_wait3A] : memref<416x16384xf32, #tpu.memory_space<hbm>> -> memref<1x8192xf32, #tpu.memory_space<hbm>>
      %dma_wait3A_898 = tpu.memref_squeeze %dma_wait3A_897 : memref<1x8192xf32, #tpu.memory_space<hbm>> -> memref<8192xf32, #tpu.memory_space<hbm>>
      %dma_wait3A_899 = arith.constant 8192 : i32
      %dma_wait3A_900 = tpu.memref_slice %arg4[%add3A_247, %dma_wait3A_899] : memref<416x16384xf32, #tpu.memory_space<hbm>> -> memref<1x8192xf32, #tpu.memory_space<hbm>>
      %dma_wait3A_901 = tpu.memref_squeeze %dma_wait3A_900 : memref<1x8192xf32, #tpu.memory_space<hbm>> -> memref<8192xf32, #tpu.memory_space<hbm>>
      tpu.wait_dma2 semaphore(%run_scoped3A : memref<!tpu.dma_semaphore, #tpu.memory_space<semaphore_mem>>) src(%arg7 : memref<8192xf32, #tpu.memory_space<vmem>>) dst(%dma_wait3A_901 : memref<8192xf32, #tpu.memory_space<hbm>>)
      tpu.yield
    }) : () -> ()
    %mul3A_316 = arith.constant 13 : i32
    %mul3A_317 = arith.muli %add3A, %mul3A_316 : i32
    %add3A_318 = arith.constant 5 : i32
    %add3A_319 = arith.addi %mul3A_317, %add3A_318 : i32
    %jit3A_320 = arith.constant 16 : i32
    %div3A_321 = arith.divsi %add3A_319, %jit3A_320 : i32
    %sign3A_322 = arith.constant 0 : i32
    %sign3A_323 = arith.cmpi sgt, %add3A_319, %sign3A_322 : i32
    %sign3A_324 = arith.extui %sign3A_323 : i1 to i32
    %sign3A_325 = arith.constant 0 : i32
    %sign3A_326 = arith.cmpi slt, %add3A_319, %sign3A_325 : i32
    %sign3A_327 = arith.extui %sign3A_326 : i1 to i32
    %sign3A_328 = arith.subi %sign3A_324, %sign3A_327 : i32
    %sign3A_329 = arith.constant 0 : i32
    %sign3A_330 = arith.cmpi sgt, %jit3A_320, %sign3A_329 : i32
    %sign3A_331 = arith.extui %sign3A_330 : i1 to i32
    %sign3A_332 = arith.constant 0 : i32
    %sign3A_333 = arith.cmpi slt, %jit3A_320, %sign3A_332 : i32
    %sign3A_334 = arith.extui %sign3A_333 : i1 to i32
    %sign3A_335 = arith.subi %sign3A_331, %sign3A_334 : i32
    %ne3A_336 = arith.cmpi ne, %sign3A_328, %sign3A_335 : i32
    %rem3A_337 = arith.remsi %add3A_319, %jit3A_320 : i32
    %ne3A_338 = arith.constant 0 : i32
    %ne3A_339 = arith.cmpi ne, %rem3A_337, %ne3A_338 : i32
    %and3A_340 = arith.andi %ne3A_336, %ne3A_339 : i1
    %sub3A_341 = arith.constant 1 : i32
    %sub3A_342 = arith.subi %div3A_321, %sub3A_341 : i32
    %select_n3A_343 = arith.select %and3A_340, %sub3A_342, %div3A_321 : i32
    %mul3A_344 = arith.constant 13 : i32
    %mul3A_345 = arith.muli %add3A, %mul3A_344 : i32
    %add3A_346 = arith.constant 5 : i32
    %add3A_347 = arith.addi %mul3A_345, %add3A_346 : i32
    %sub3A_348 = arith.constant 1 : i32
    %sub3A_349 = arith.subi %add3A_347, %sub3A_348 : i32
    %jit3A_350 = arith.constant 16 : i32
    %div3A_351 = arith.divsi %sub3A_349, %jit3A_350 : i32
    %sign3A_352 = arith.constant 0 : i32
    %sign3A_353 = arith.cmpi sgt, %sub3A_349, %sign3A_352 : i32
    %sign3A_354 = arith.extui %sign3A_353 : i1 to i32
    %sign3A_355 = arith.constant 0 : i32
    %sign3A_356 = arith.cmpi slt, %sub3A_349, %sign3A_355 : i32
    %sign3A_357 = arith.extui %sign3A_356 : i1 to i32
    %sign3A_358 = arith.subi %sign3A_354, %sign3A_357 : i32
    %sign3A_359 = arith.constant 0 : i32
    %sign3A_360 = arith.cmpi sgt, %jit3A_350, %sign3A_359 : i32
    %sign3A_361 = arith.extui %sign3A_360 : i1 to i32
    %sign3A_362 = arith.constant 0 : i32
    %sign3A_363 = arith.cmpi slt, %jit3A_350, %sign3A_362 : i32
    %sign3A_364 = arith.extui %sign3A_363 : i1 to i32
    %sign3A_365 = arith.subi %sign3A_361, %sign3A_364 : i32
    %ne3A_366 = arith.cmpi ne, %sign3A_358, %sign3A_365 : i32
    %rem3A_367 = arith.remsi %sub3A_349, %jit3A_350 : i32
    %ne3A_368 = arith.constant 0 : i32
    %ne3A_369 = arith.cmpi ne, %rem3A_367, %ne3A_368 : i32
    %and3A_370 = arith.andi %ne3A_366, %ne3A_369 : i1
    %sub3A_371 = arith.constant 1 : i32
    %sub3A_372 = arith.subi %div3A_351, %sub3A_371 : i32
    %select_n3A_373 = arith.select %and3A_370, %sub3A_372, %div3A_351 : i32
    %ne3A_374 = arith.cmpi ne, %select_n3A_343, %select_n3A_373 : i32
    %convert_element_type3A_375 = arith.extui %ne3A_374 : i1 to i32
    %cond3A_376 = arith.constant 0 : i32
    %cond3A_377 = arith.cmpi ne, %convert_element_type3A_375, %cond3A_376 : i32
    scf.if %cond3A_377 {
      "tpu.region"() ({
        %run_scoped3A = tpu.sem_alloc : memref<!tpu.dma_semaphore, #tpu.memory_space<semaphore_mem>>
        %dma_start3A = arith.constant 0 : i32
        %dma_start3A_892 = tpu.memref_slice %arg2[%select_n3A_343, %dma_start3A] : memref<26x16384xi32, #tpu.memory_space<hbm>> -> memref<1x16384xi32, #tpu.memory_space<hbm>>
        %dma_start3A_893 = tpu.memref_squeeze %dma_start3A_892 : memref<1x16384xi32, #tpu.memory_space<hbm>> -> memref<16384xi32, #tpu.memory_space<hbm>>
        %dma_start3A_894 = arith.constant 0 : i32
        %dma_start3A_895 = tpu.memref_slice %arg2[%select_n3A_343, %dma_start3A_894] : memref<26x16384xi32, #tpu.memory_space<hbm>> -> memref<1x16384xi32, #tpu.memory_space<hbm>>
        %dma_start3A_896 = tpu.memref_squeeze %dma_start3A_895 : memref<1x16384xi32, #tpu.memory_space<hbm>> -> memref<16384xi32, #tpu.memory_space<hbm>>
        tpu.enqueue_dma source(%dma_start3A_896 : memref<16384xi32, #tpu.memory_space<hbm>>) target(%arg5 : memref<16384xi32, #tpu.memory_space<vmem>>) target_semaphore(%run_scoped3A : memref<!tpu.dma_semaphore, #tpu.memory_space<semaphore_mem>>)
        %dma_wait3A = arith.constant 0 : i32
        %dma_wait3A_897 = tpu.memref_slice %arg2[%select_n3A_343, %dma_wait3A] : memref<26x16384xi32, #tpu.memory_space<hbm>> -> memref<1x16384xi32, #tpu.memory_space<hbm>>
        %dma_wait3A_898 = tpu.memref_squeeze %dma_wait3A_897 : memref<1x16384xi32, #tpu.memory_space<hbm>> -> memref<16384xi32, #tpu.memory_space<hbm>>
        %dma_wait3A_899 = arith.constant 0 : i32
        %dma_wait3A_900 = tpu.memref_slice %arg2[%select_n3A_343, %dma_wait3A_899] : memref<26x16384xi32, #tpu.memory_space<hbm>> -> memref<1x16384xi32, #tpu.memory_space<hbm>>
        %dma_wait3A_901 = tpu.memref_squeeze %dma_wait3A_900 : memref<1x16384xi32, #tpu.memory_space<hbm>> -> memref<16384xi32, #tpu.memory_space<hbm>>
        tpu.wait_dma2 semaphore(%run_scoped3A : memref<!tpu.dma_semaphore, #tpu.memory_space<semaphore_mem>>) src(%dma_wait3A_901 : memref<16384xi32, #tpu.memory_space<hbm>>) dst(%arg5 : memref<16384xi32, #tpu.memory_space<vmem>>)
        tpu.yield
      }) : () -> ()
    } else {
    }
    "tpu.region"() ({
      %run_scoped3A = tpu.sem_alloc : memref<!tpu.dma_semaphore, #tpu.memory_space<semaphore_mem>>
      %dma_start3A = arith.constant 0 : i32
      %dma_start3A_892 = tpu.memref_slice %arg3[%add3A_319, %dma_start3A] : memref<416x100000xf32, #tpu.memory_space<hbm>> -> memref<1x100000xf32, #tpu.memory_space<hbm>>
      %dma_start3A_893 = tpu.memref_squeeze %dma_start3A_892 : memref<1x100000xf32, #tpu.memory_space<hbm>> -> memref<100000xf32, #tpu.memory_space<hbm>>
      %dma_start3A_894 = arith.constant 0 : i32
      %dma_start3A_895 = tpu.memref_slice %arg3[%add3A_319, %dma_start3A_894] : memref<416x100000xf32, #tpu.memory_space<hbm>> -> memref<1x100000xf32, #tpu.memory_space<hbm>>
      %dma_start3A_896 = tpu.memref_squeeze %dma_start3A_895 : memref<1x100000xf32, #tpu.memory_space<hbm>> -> memref<100000xf32, #tpu.memory_space<hbm>>
      tpu.enqueue_dma source(%dma_start3A_896 : memref<100000xf32, #tpu.memory_space<hbm>>) target(%arg6 : memref<100000xf32, #tpu.memory_space<vmem>>) target_semaphore(%run_scoped3A : memref<!tpu.dma_semaphore, #tpu.memory_space<semaphore_mem>>)
      %dma_wait3A = arith.constant 0 : i32
      %dma_wait3A_897 = tpu.memref_slice %arg3[%add3A_319, %dma_wait3A] : memref<416x100000xf32, #tpu.memory_space<hbm>> -> memref<1x100000xf32, #tpu.memory_space<hbm>>
      %dma_wait3A_898 = tpu.memref_squeeze %dma_wait3A_897 : memref<1x100000xf32, #tpu.memory_space<hbm>> -> memref<100000xf32, #tpu.memory_space<hbm>>
      %dma_wait3A_899 = arith.constant 0 : i32
      %dma_wait3A_900 = tpu.memref_slice %arg3[%add3A_319, %dma_wait3A_899] : memref<416x100000xf32, #tpu.memory_space<hbm>> -> memref<1x100000xf32, #tpu.memory_space<hbm>>
      %dma_wait3A_901 = tpu.memref_squeeze %dma_wait3A_900 : memref<1x100000xf32, #tpu.memory_space<hbm>> -> memref<100000xf32, #tpu.memory_space<hbm>>
      tpu.wait_dma2 semaphore(%run_scoped3A : memref<!tpu.dma_semaphore, #tpu.memory_space<semaphore_mem>>) src(%dma_wait3A_901 : memref<100000xf32, #tpu.memory_space<hbm>>) dst(%arg6 : memref<100000xf32, #tpu.memory_space<vmem>>)
      tpu.yield
    }) : () -> ()
    %scan3A_378 = arith.constant 0 : i32
    %scan3A_379 = arith.constant 512 : i32
    %scan3A_380 = arith.addi %scan3A_378, %scan3A_379 : i32
    %scan3A_381 = arith.constant 1 : i32
    scf.for %scan3A_892 = %scan3A_378 to %scan3A_380 step %scan3A_381  : i32 {
      %mul3A_893 = arith.constant 1 : i32
      %mul3A_894 = arith.muli %scan3A_892, %mul3A_893 : i32
      %add3A_895 = arith.constant 0 : i32
      %add3A_896 = arith.addi %add3A_895, %mul3A_894 : i32
      %mul3A_897 = arith.constant 16 : i32
      %mul3A_898 = arith.muli %add3A_896, %mul3A_897 : i32
      %add3A_899 = arith.constant 0 : i32
      %add3A_900 = arith.addi %add3A_899, %mul3A_898 : i32
      %get3A = arith.index_cast %add3A_900 : i32 to index
      %get3A_901 = tpu.vector_load %arg5[%get3A] {strides = array<i32>} : memref<16384xi32, #tpu.memory_space<vmem>>, vector<16xi32>,
      %gather3A = tpu.vector_load_idx %arg6[%get3A_901] : memref<100000xf32, #tpu.memory_space<vmem>>[vector<16xi32>], vector<16xf32>,
      %mul3A_902 = arith.constant 16 : i32
      %mul3A_903 = arith.muli %add3A_896, %mul3A_902 : i32
      %swap3A = arith.index_cast %mul3A_903 : i32 to index
      %swap3A_904 = tpu.vector_load %arg7[%swap3A] {strides = array<i32>} : memref<8192xf32, #tpu.memory_space<vmem>>, vector<16xf32>,
      tpu.vector_store %arg7[%swap3A], %gather3A {strides = array<i32>} : memref<8192xf32, #tpu.memory_space<vmem>>, vector<16xf32>,
    }
    %scan3A_382 = arith.constant 512 : i32
    "tpu.region"() ({
      %run_scoped3A = tpu.sem_alloc : memref<!tpu.dma_semaphore, #tpu.memory_space<semaphore_mem>>
      %dma_start3A = arith.constant 0 : i32
      %dma_start3A_892 = tpu.memref_slice %arg4[%add3A_319, %dma_start3A] : memref<416x16384xf32, #tpu.memory_space<hbm>> -> memref<1x8192xf32, #tpu.memory_space<hbm>>
      %dma_start3A_893 = tpu.memref_squeeze %dma_start3A_892 : memref<1x8192xf32, #tpu.memory_space<hbm>> -> memref<8192xf32, #tpu.memory_space<hbm>>
      %dma_start3A_894 = arith.constant 0 : i32
      %dma_start3A_895 = tpu.memref_slice %arg4[%add3A_319, %dma_start3A_894] : memref<416x16384xf32, #tpu.memory_space<hbm>> -> memref<1x8192xf32, #tpu.memory_space<hbm>>
      %dma_start3A_896 = tpu.memref_squeeze %dma_start3A_895 : memref<1x8192xf32, #tpu.memory_space<hbm>> -> memref<8192xf32, #tpu.memory_space<hbm>>
      tpu.enqueue_dma source(%arg7 : memref<8192xf32, #tpu.memory_space<vmem>>) target(%dma_start3A_896 : memref<8192xf32, #tpu.memory_space<hbm>>) target_semaphore(%run_scoped3A : memref<!tpu.dma_semaphore, #tpu.memory_space<semaphore_mem>>)
      %dma_wait3A = arith.constant 0 : i32
      %dma_wait3A_897 = tpu.memref_slice %arg4[%add3A_319, %dma_wait3A] : memref<416x16384xf32, #tpu.memory_space<hbm>> -> memref<1x8192xf32, #tpu.memory_space<hbm>>
      %dma_wait3A_898 = tpu.memref_squeeze %dma_wait3A_897 : memref<1x8192xf32, #tpu.memory_space<hbm>> -> memref<8192xf32, #tpu.memory_space<hbm>>
      %dma_wait3A_899 = arith.constant 0 : i32
      %dma_wait3A_900 = tpu.memref_slice %arg4[%add3A_319, %dma_wait3A_899] : memref<416x16384xf32, #tpu.memory_space<hbm>> -> memref<1x8192xf32, #tpu.memory_space<hbm>>
      %dma_wait3A_901 = tpu.memref_squeeze %dma_wait3A_900 : memref<1x8192xf32, #tpu.memory_space<hbm>> -> memref<8192xf32, #tpu.memory_space<hbm>>
      tpu.wait_dma2 semaphore(%run_scoped3A : memref<!tpu.dma_semaphore, #tpu.memory_space<semaphore_mem>>) src(%arg7 : memref<8192xf32, #tpu.memory_space<vmem>>) dst(%dma_wait3A_901 : memref<8192xf32, #tpu.memory_space<hbm>>)
      tpu.yield
    }) : () -> ()
    %scan3A_383 = arith.constant 0 : i32
    %scan3A_384 = arith.constant 512 : i32
    %scan3A_385 = arith.addi %scan3A_383, %scan3A_384 : i32
    %scan3A_386 = arith.constant 1 : i32
    scf.for %scan3A_892 = %scan3A_383 to %scan3A_385 step %scan3A_386  : i32 {
      %mul3A_893 = arith.constant 1 : i32
      %mul3A_894 = arith.muli %scan3A_892, %mul3A_893 : i32
      %add3A_895 = arith.constant 0 : i32
      %add3A_896 = arith.addi %add3A_895, %mul3A_894 : i32
      %mul3A_897 = arith.constant 16 : i32
      %mul3A_898 = arith.muli %add3A_896, %mul3A_897 : i32
      %add3A_899 = arith.constant 8192 : i32
      %add3A_900 = arith.addi %add3A_899, %mul3A_898 : i32
      %get3A = arith.index_cast %add3A_900 : i32 to index
      %get3A_901 = tpu.vector_load %arg5[%get3A] {strides = array<i32>} : memref<16384xi32, #tpu.memory_space<vmem>>, vector<16xi32>,
      %gather3A = tpu.vector_load_idx %arg6[%get3A_901] : memref<100000xf32, #tpu.memory_space<vmem>>[vector<16xi32>], vector<16xf32>,
      %mul3A_902 = arith.constant 16 : i32
      %mul3A_903 = arith.muli %add3A_896, %mul3A_902 : i32
      %swap3A = arith.index_cast %mul3A_903 : i32 to index
      %swap3A_904 = tpu.vector_load %arg7[%swap3A] {strides = array<i32>} : memref<8192xf32, #tpu.memory_space<vmem>>, vector<16xf32>,
      tpu.vector_store %arg7[%swap3A], %gather3A {strides = array<i32>} : memref<8192xf32, #tpu.memory_space<vmem>>, vector<16xf32>,
    }
    %scan3A_387 = arith.constant 512 : i32
    "tpu.region"() ({
      %run_scoped3A = tpu.sem_alloc : memref<!tpu.dma_semaphore, #tpu.memory_space<semaphore_mem>>
      %dma_start3A = arith.constant 8192 : i32
      %dma_start3A_892 = tpu.memref_slice %arg4[%add3A_319, %dma_start3A] : memref<416x16384xf32, #tpu.memory_space<hbm>> -> memref<1x8192xf32, #tpu.memory_space<hbm>>
      %dma_start3A_893 = tpu.memref_squeeze %dma_start3A_892 : memref<1x8192xf32, #tpu.memory_space<hbm>> -> memref<8192xf32, #tpu.memory_space<hbm>>
      %dma_start3A_894 = arith.constant 8192 : i32
      %dma_start3A_895 = tpu.memref_slice %arg4[%add3A_319, %dma_start3A_894] : memref<416x16384xf32, #tpu.memory_space<hbm>> -> memref<1x8192xf32, #tpu.memory_space<hbm>>
      %dma_start3A_896 = tpu.memref_squeeze %dma_start3A_895 : memref<1x8192xf32, #tpu.memory_space<hbm>> -> memref<8192xf32, #tpu.memory_space<hbm>>
      tpu.enqueue_dma source(%arg7 : memref<8192xf32, #tpu.memory_space<vmem>>) target(%dma_start3A_896 : memref<8192xf32, #tpu.memory_space<hbm>>) target_semaphore(%run_scoped3A : memref<!tpu.dma_semaphore, #tpu.memory_space<semaphore_mem>>)
      %dma_wait3A = arith.constant 8192 : i32
      %dma_wait3A_897 = tpu.memref_slice %arg4[%add3A_319, %dma_wait3A] : memref<416x16384xf32, #tpu.memory_space<hbm>> -> memref<1x8192xf32, #tpu.memory_space<hbm>>
      %dma_wait3A_898 = tpu.memref_squeeze %dma_wait3A_897 : memref<1x8192xf32, #tpu.memory_space<hbm>> -> memref<8192xf32, #tpu.memory_space<hbm>>
      %dma_wait3A_899 = arith.constant 8192 : i32
      %dma_wait3A_900 = tpu.memref_slice %arg4[%add3A_319, %dma_wait3A_899] : memref<416x16384xf32, #tpu.memory_space<hbm>> -> memref<1x8192xf32, #tpu.memory_space<hbm>>
      %dma_wait3A_901 = tpu.memref_squeeze %dma_wait3A_900 : memref<1x8192xf32, #tpu.memory_space<hbm>> -> memref<8192xf32, #tpu.memory_space<hbm>>
      tpu.wait_dma2 semaphore(%run_scoped3A : memref<!tpu.dma_semaphore, #tpu.memory_space<semaphore_mem>>) src(%arg7 : memref<8192xf32, #tpu.memory_space<vmem>>) dst(%dma_wait3A_901 : memref<8192xf32, #tpu.memory_space<hbm>>)
      tpu.yield
    }) : () -> ()
    %mul3A_388 = arith.constant 13 : i32
    %mul3A_389 = arith.muli %add3A, %mul3A_388 : i32
    %add3A_390 = arith.constant 6 : i32
    %add3A_391 = arith.addi %mul3A_389, %add3A_390 : i32
    %jit3A_392 = arith.constant 16 : i32
    %div3A_393 = arith.divsi %add3A_391, %jit3A_392 : i32
    %sign3A_394 = arith.constant 0 : i32
    %sign3A_395 = arith.cmpi sgt, %add3A_391, %sign3A_394 : i32
    %sign3A_396 = arith.extui %sign3A_395 : i1 to i32
    %sign3A_397 = arith.constant 0 : i32
    %sign3A_398 = arith.cmpi slt, %add3A_391, %sign3A_397 : i32
    %sign3A_399 = arith.extui %sign3A_398 : i1 to i32
    %sign3A_400 = arith.subi %sign3A_396, %sign3A_399 : i32
    %sign3A_401 = arith.constant 0 : i32
    %sign3A_402 = arith.cmpi sgt, %jit3A_392, %sign3A_401 : i32
    %sign3A_403 = arith.extui %sign3A_402 : i1 to i32
    %sign3A_404 = arith.constant 0 : i32
    %sign3A_405 = arith.cmpi slt, %jit3A_392, %sign3A_404 : i32
    %sign3A_406 = arith.extui %sign3A_405 : i1 to i32
    %sign3A_407 = arith.subi %sign3A_403, %sign3A_406 : i32
    %ne3A_408 = arith.cmpi ne, %sign3A_400, %sign3A_407 : i32
    %rem3A_409 = arith.remsi %add3A_391, %jit3A_392 : i32
    %ne3A_410 = arith.constant 0 : i32
    %ne3A_411 = arith.cmpi ne, %rem3A_409, %ne3A_410 : i32
    %and3A_412 = arith.andi %ne3A_408, %ne3A_411 : i1
    %sub3A_413 = arith.constant 1 : i32
    %sub3A_414 = arith.subi %div3A_393, %sub3A_413 : i32
    %select_n3A_415 = arith.select %and3A_412, %sub3A_414, %div3A_393 : i32
    %mul3A_416 = arith.constant 13 : i32
    %mul3A_417 = arith.muli %add3A, %mul3A_416 : i32
    %add3A_418 = arith.constant 6 : i32
    %add3A_419 = arith.addi %mul3A_417, %add3A_418 : i32
    %sub3A_420 = arith.constant 1 : i32
    %sub3A_421 = arith.subi %add3A_419, %sub3A_420 : i32
    %jit3A_422 = arith.constant 16 : i32
    %div3A_423 = arith.divsi %sub3A_421, %jit3A_422 : i32
    %sign3A_424 = arith.constant 0 : i32
    %sign3A_425 = arith.cmpi sgt, %sub3A_421, %sign3A_424 : i32
    %sign3A_426 = arith.extui %sign3A_425 : i1 to i32
    %sign3A_427 = arith.constant 0 : i32
    %sign3A_428 = arith.cmpi slt, %sub3A_421, %sign3A_427 : i32
    %sign3A_429 = arith.extui %sign3A_428 : i1 to i32
    %sign3A_430 = arith.subi %sign3A_426, %sign3A_429 : i32
    %sign3A_431 = arith.constant 0 : i32
    %sign3A_432 = arith.cmpi sgt, %jit3A_422, %sign3A_431 : i32
    %sign3A_433 = arith.extui %sign3A_432 : i1 to i32
    %sign3A_434 = arith.constant 0 : i32
    %sign3A_435 = arith.cmpi slt, %jit3A_422, %sign3A_434 : i32
    %sign3A_436 = arith.extui %sign3A_435 : i1 to i32
    %sign3A_437 = arith.subi %sign3A_433, %sign3A_436 : i32
    %ne3A_438 = arith.cmpi ne, %sign3A_430, %sign3A_437 : i32
    %rem3A_439 = arith.remsi %sub3A_421, %jit3A_422 : i32
    %ne3A_440 = arith.constant 0 : i32
    %ne3A_441 = arith.cmpi ne, %rem3A_439, %ne3A_440 : i32
    %and3A_442 = arith.andi %ne3A_438, %ne3A_441 : i1
    %sub3A_443 = arith.constant 1 : i32
    %sub3A_444 = arith.subi %div3A_423, %sub3A_443 : i32
    %select_n3A_445 = arith.select %and3A_442, %sub3A_444, %div3A_423 : i32
    %ne3A_446 = arith.cmpi ne, %select_n3A_415, %select_n3A_445 : i32
    %convert_element_type3A_447 = arith.extui %ne3A_446 : i1 to i32
    %cond3A_448 = arith.constant 0 : i32
    %cond3A_449 = arith.cmpi ne, %convert_element_type3A_447, %cond3A_448 : i32
    scf.if %cond3A_449 {
      "tpu.region"() ({
        %run_scoped3A = tpu.sem_alloc : memref<!tpu.dma_semaphore, #tpu.memory_space<semaphore_mem>>
        %dma_start3A = arith.constant 0 : i32
        %dma_start3A_892 = tpu.memref_slice %arg2[%select_n3A_415, %dma_start3A] : memref<26x16384xi32, #tpu.memory_space<hbm>> -> memref<1x16384xi32, #tpu.memory_space<hbm>>
        %dma_start3A_893 = tpu.memref_squeeze %dma_start3A_892 : memref<1x16384xi32, #tpu.memory_space<hbm>> -> memref<16384xi32, #tpu.memory_space<hbm>>
        %dma_start3A_894 = arith.constant 0 : i32
        %dma_start3A_895 = tpu.memref_slice %arg2[%select_n3A_415, %dma_start3A_894] : memref<26x16384xi32, #tpu.memory_space<hbm>> -> memref<1x16384xi32, #tpu.memory_space<hbm>>
        %dma_start3A_896 = tpu.memref_squeeze %dma_start3A_895 : memref<1x16384xi32, #tpu.memory_space<hbm>> -> memref<16384xi32, #tpu.memory_space<hbm>>
        tpu.enqueue_dma source(%dma_start3A_896 : memref<16384xi32, #tpu.memory_space<hbm>>) target(%arg5 : memref<16384xi32, #tpu.memory_space<vmem>>) target_semaphore(%run_scoped3A : memref<!tpu.dma_semaphore, #tpu.memory_space<semaphore_mem>>)
        %dma_wait3A = arith.constant 0 : i32
        %dma_wait3A_897 = tpu.memref_slice %arg2[%select_n3A_415, %dma_wait3A] : memref<26x16384xi32, #tpu.memory_space<hbm>> -> memref<1x16384xi32, #tpu.memory_space<hbm>>
        %dma_wait3A_898 = tpu.memref_squeeze %dma_wait3A_897 : memref<1x16384xi32, #tpu.memory_space<hbm>> -> memref<16384xi32, #tpu.memory_space<hbm>>
        %dma_wait3A_899 = arith.constant 0 : i32
        %dma_wait3A_900 = tpu.memref_slice %arg2[%select_n3A_415, %dma_wait3A_899] : memref<26x16384xi32, #tpu.memory_space<hbm>> -> memref<1x16384xi32, #tpu.memory_space<hbm>>
        %dma_wait3A_901 = tpu.memref_squeeze %dma_wait3A_900 : memref<1x16384xi32, #tpu.memory_space<hbm>> -> memref<16384xi32, #tpu.memory_space<hbm>>
        tpu.wait_dma2 semaphore(%run_scoped3A : memref<!tpu.dma_semaphore, #tpu.memory_space<semaphore_mem>>) src(%dma_wait3A_901 : memref<16384xi32, #tpu.memory_space<hbm>>) dst(%arg5 : memref<16384xi32, #tpu.memory_space<vmem>>)
        tpu.yield
      }) : () -> ()
    } else {
    }
    "tpu.region"() ({
      %run_scoped3A = tpu.sem_alloc : memref<!tpu.dma_semaphore, #tpu.memory_space<semaphore_mem>>
      %dma_start3A = arith.constant 0 : i32
      %dma_start3A_892 = tpu.memref_slice %arg3[%add3A_391, %dma_start3A] : memref<416x100000xf32, #tpu.memory_space<hbm>> -> memref<1x100000xf32, #tpu.memory_space<hbm>>
      %dma_start3A_893 = tpu.memref_squeeze %dma_start3A_892 : memref<1x100000xf32, #tpu.memory_space<hbm>> -> memref<100000xf32, #tpu.memory_space<hbm>>
      %dma_start3A_894 = arith.constant 0 : i32
      %dma_start3A_895 = tpu.memref_slice %arg3[%add3A_391, %dma_start3A_894] : memref<416x100000xf32, #tpu.memory_space<hbm>> -> memref<1x100000xf32, #tpu.memory_space<hbm>>
      %dma_start3A_896 = tpu.memref_squeeze %dma_start3A_895 : memref<1x100000xf32, #tpu.memory_space<hbm>> -> memref<100000xf32, #tpu.memory_space<hbm>>
      tpu.enqueue_dma source(%dma_start3A_896 : memref<100000xf32, #tpu.memory_space<hbm>>) target(%arg6 : memref<100000xf32, #tpu.memory_space<vmem>>) target_semaphore(%run_scoped3A : memref<!tpu.dma_semaphore, #tpu.memory_space<semaphore_mem>>)
      %dma_wait3A = arith.constant 0 : i32
      %dma_wait3A_897 = tpu.memref_slice %arg3[%add3A_391, %dma_wait3A] : memref<416x100000xf32, #tpu.memory_space<hbm>> -> memref<1x100000xf32, #tpu.memory_space<hbm>>
      %dma_wait3A_898 = tpu.memref_squeeze %dma_wait3A_897 : memref<1x100000xf32, #tpu.memory_space<hbm>> -> memref<100000xf32, #tpu.memory_space<hbm>>
      %dma_wait3A_899 = arith.constant 0 : i32
      %dma_wait3A_900 = tpu.memref_slice %arg3[%add3A_391, %dma_wait3A_899] : memref<416x100000xf32, #tpu.memory_space<hbm>> -> memref<1x100000xf32, #tpu.memory_space<hbm>>
      %dma_wait3A_901 = tpu.memref_squeeze %dma_wait3A_900 : memref<1x100000xf32, #tpu.memory_space<hbm>> -> memref<100000xf32, #tpu.memory_space<hbm>>
      tpu.wait_dma2 semaphore(%run_scoped3A : memref<!tpu.dma_semaphore, #tpu.memory_space<semaphore_mem>>) src(%dma_wait3A_901 : memref<100000xf32, #tpu.memory_space<hbm>>) dst(%arg6 : memref<100000xf32, #tpu.memory_space<vmem>>)
      tpu.yield
    }) : () -> ()
    %scan3A_450 = arith.constant 0 : i32
    %scan3A_451 = arith.constant 512 : i32
    %scan3A_452 = arith.addi %scan3A_450, %scan3A_451 : i32
    %scan3A_453 = arith.constant 1 : i32
    scf.for %scan3A_892 = %scan3A_450 to %scan3A_452 step %scan3A_453  : i32 {
      %mul3A_893 = arith.constant 1 : i32
      %mul3A_894 = arith.muli %scan3A_892, %mul3A_893 : i32
      %add3A_895 = arith.constant 0 : i32
      %add3A_896 = arith.addi %add3A_895, %mul3A_894 : i32
      %mul3A_897 = arith.constant 16 : i32
      %mul3A_898 = arith.muli %add3A_896, %mul3A_897 : i32
      %add3A_899 = arith.constant 0 : i32
      %add3A_900 = arith.addi %add3A_899, %mul3A_898 : i32
      %get3A = arith.index_cast %add3A_900 : i32 to index
      %get3A_901 = tpu.vector_load %arg5[%get3A] {strides = array<i32>} : memref<16384xi32, #tpu.memory_space<vmem>>, vector<16xi32>,
      %gather3A = tpu.vector_load_idx %arg6[%get3A_901] : memref<100000xf32, #tpu.memory_space<vmem>>[vector<16xi32>], vector<16xf32>,
      %mul3A_902 = arith.constant 16 : i32
      %mul3A_903 = arith.muli %add3A_896, %mul3A_902 : i32
      %swap3A = arith.index_cast %mul3A_903 : i32 to index
      %swap3A_904 = tpu.vector_load %arg7[%swap3A] {strides = array<i32>} : memref<8192xf32, #tpu.memory_space<vmem>>, vector<16xf32>,
      tpu.vector_store %arg7[%swap3A], %gather3A {strides = array<i32>} : memref<8192xf32, #tpu.memory_space<vmem>>, vector<16xf32>,
    }
    %scan3A_454 = arith.constant 512 : i32
    "tpu.region"() ({
      %run_scoped3A = tpu.sem_alloc : memref<!tpu.dma_semaphore, #tpu.memory_space<semaphore_mem>>
      %dma_start3A = arith.constant 0 : i32
      %dma_start3A_892 = tpu.memref_slice %arg4[%add3A_391, %dma_start3A] : memref<416x16384xf32, #tpu.memory_space<hbm>> -> memref<1x8192xf32, #tpu.memory_space<hbm>>
      %dma_start3A_893 = tpu.memref_squeeze %dma_start3A_892 : memref<1x8192xf32, #tpu.memory_space<hbm>> -> memref<8192xf32, #tpu.memory_space<hbm>>
      %dma_start3A_894 = arith.constant 0 : i32
      %dma_start3A_895 = tpu.memref_slice %arg4[%add3A_391, %dma_start3A_894] : memref<416x16384xf32, #tpu.memory_space<hbm>> -> memref<1x8192xf32, #tpu.memory_space<hbm>>
      %dma_start3A_896 = tpu.memref_squeeze %dma_start3A_895 : memref<1x8192xf32, #tpu.memory_space<hbm>> -> memref<8192xf32, #tpu.memory_space<hbm>>
      tpu.enqueue_dma source(%arg7 : memref<8192xf32, #tpu.memory_space<vmem>>) target(%dma_start3A_896 : memref<8192xf32, #tpu.memory_space<hbm>>) target_semaphore(%run_scoped3A : memref<!tpu.dma_semaphore, #tpu.memory_space<semaphore_mem>>)
      %dma_wait3A = arith.constant 0 : i32
      %dma_wait3A_897 = tpu.memref_slice %arg4[%add3A_391, %dma_wait3A] : memref<416x16384xf32, #tpu.memory_space<hbm>> -> memref<1x8192xf32, #tpu.memory_space<hbm>>
      %dma_wait3A_898 = tpu.memref_squeeze %dma_wait3A_897 : memref<1x8192xf32, #tpu.memory_space<hbm>> -> memref<8192xf32, #tpu.memory_space<hbm>>
      %dma_wait3A_899 = arith.constant 0 : i32
      %dma_wait3A_900 = tpu.memref_slice %arg4[%add3A_391, %dma_wait3A_899] : memref<416x16384xf32, #tpu.memory_space<hbm>> -> memref<1x8192xf32, #tpu.memory_space<hbm>>
      %dma_wait3A_901 = tpu.memref_squeeze %dma_wait3A_900 : memref<1x8192xf32, #tpu.memory_space<hbm>> -> memref<8192xf32, #tpu.memory_space<hbm>>
      tpu.wait_dma2 semaphore(%run_scoped3A : memref<!tpu.dma_semaphore, #tpu.memory_space<semaphore_mem>>) src(%arg7 : memref<8192xf32, #tpu.memory_space<vmem>>) dst(%dma_wait3A_901 : memref<8192xf32, #tpu.memory_space<hbm>>)
      tpu.yield
    }) : () -> ()
    %scan3A_455 = arith.constant 0 : i32
    %scan3A_456 = arith.constant 512 : i32
    %scan3A_457 = arith.addi %scan3A_455, %scan3A_456 : i32
    %scan3A_458 = arith.constant 1 : i32
    scf.for %scan3A_892 = %scan3A_455 to %scan3A_457 step %scan3A_458  : i32 {
      %mul3A_893 = arith.constant 1 : i32
      %mul3A_894 = arith.muli %scan3A_892, %mul3A_893 : i32
      %add3A_895 = arith.constant 0 : i32
      %add3A_896 = arith.addi %add3A_895, %mul3A_894 : i32
      %mul3A_897 = arith.constant 16 : i32
      %mul3A_898 = arith.muli %add3A_896, %mul3A_897 : i32
      %add3A_899 = arith.constant 8192 : i32
      %add3A_900 = arith.addi %add3A_899, %mul3A_898 : i32
      %get3A = arith.index_cast %add3A_900 : i32 to index
      %get3A_901 = tpu.vector_load %arg5[%get3A] {strides = array<i32>} : memref<16384xi32, #tpu.memory_space<vmem>>, vector<16xi32>,
      %gather3A = tpu.vector_load_idx %arg6[%get3A_901] : memref<100000xf32, #tpu.memory_space<vmem>>[vector<16xi32>], vector<16xf32>,
      %mul3A_902 = arith.constant 16 : i32
      %mul3A_903 = arith.muli %add3A_896, %mul3A_902 : i32
      %swap3A = arith.index_cast %mul3A_903 : i32 to index
      %swap3A_904 = tpu.vector_load %arg7[%swap3A] {strides = array<i32>} : memref<8192xf32, #tpu.memory_space<vmem>>, vector<16xf32>,
      tpu.vector_store %arg7[%swap3A], %gather3A {strides = array<i32>} : memref<8192xf32, #tpu.memory_space<vmem>>, vector<16xf32>,
    }
    %scan3A_459 = arith.constant 512 : i32
    "tpu.region"() ({
      %run_scoped3A = tpu.sem_alloc : memref<!tpu.dma_semaphore, #tpu.memory_space<semaphore_mem>>
      %dma_start3A = arith.constant 8192 : i32
      %dma_start3A_892 = tpu.memref_slice %arg4[%add3A_391, %dma_start3A] : memref<416x16384xf32, #tpu.memory_space<hbm>> -> memref<1x8192xf32, #tpu.memory_space<hbm>>
      %dma_start3A_893 = tpu.memref_squeeze %dma_start3A_892 : memref<1x8192xf32, #tpu.memory_space<hbm>> -> memref<8192xf32, #tpu.memory_space<hbm>>
      %dma_start3A_894 = arith.constant 8192 : i32
      %dma_start3A_895 = tpu.memref_slice %arg4[%add3A_391, %dma_start3A_894] : memref<416x16384xf32, #tpu.memory_space<hbm>> -> memref<1x8192xf32, #tpu.memory_space<hbm>>
      %dma_start3A_896 = tpu.memref_squeeze %dma_start3A_895 : memref<1x8192xf32, #tpu.memory_space<hbm>> -> memref<8192xf32, #tpu.memory_space<hbm>>
      tpu.enqueue_dma source(%arg7 : memref<8192xf32, #tpu.memory_space<vmem>>) target(%dma_start3A_896 : memref<8192xf32, #tpu.memory_space<hbm>>) target_semaphore(%run_scoped3A : memref<!tpu.dma_semaphore, #tpu.memory_space<semaphore_mem>>)
      %dma_wait3A = arith.constant 8192 : i32
      %dma_wait3A_897 = tpu.memref_slice %arg4[%add3A_391, %dma_wait3A] : memref<416x16384xf32, #tpu.memory_space<hbm>> -> memref<1x8192xf32, #tpu.memory_space<hbm>>
      %dma_wait3A_898 = tpu.memref_squeeze %dma_wait3A_897 : memref<1x8192xf32, #tpu.memory_space<hbm>> -> memref<8192xf32, #tpu.memory_space<hbm>>
      %dma_wait3A_899 = arith.constant 8192 : i32
      %dma_wait3A_900 = tpu.memref_slice %arg4[%add3A_391, %dma_wait3A_899] : memref<416x16384xf32, #tpu.memory_space<hbm>> -> memref<1x8192xf32, #tpu.memory_space<hbm>>
      %dma_wait3A_901 = tpu.memref_squeeze %dma_wait3A_900 : memref<1x8192xf32, #tpu.memory_space<hbm>> -> memref<8192xf32, #tpu.memory_space<hbm>>
      tpu.wait_dma2 semaphore(%run_scoped3A : memref<!tpu.dma_semaphore, #tpu.memory_space<semaphore_mem>>) src(%arg7 : memref<8192xf32, #tpu.memory_space<vmem>>) dst(%dma_wait3A_901 : memref<8192xf32, #tpu.memory_space<hbm>>)
      tpu.yield
    }) : () -> ()
    %mul3A_460 = arith.constant 13 : i32
    %mul3A_461 = arith.muli %add3A, %mul3A_460 : i32
    %add3A_462 = arith.constant 7 : i32
    %add3A_463 = arith.addi %mul3A_461, %add3A_462 : i32
    %jit3A_464 = arith.constant 16 : i32
    %div3A_465 = arith.divsi %add3A_463, %jit3A_464 : i32
    %sign3A_466 = arith.constant 0 : i32
    %sign3A_467 = arith.cmpi sgt, %add3A_463, %sign3A_466 : i32
    %sign3A_468 = arith.extui %sign3A_467 : i1 to i32
    %sign3A_469 = arith.constant 0 : i32
    %sign3A_470 = arith.cmpi slt, %add3A_463, %sign3A_469 : i32
    %sign3A_471 = arith.extui %sign3A_470 : i1 to i32
    %sign3A_472 = arith.subi %sign3A_468, %sign3A_471 : i32
    %sign3A_473 = arith.constant 0 : i32
    %sign3A_474 = arith.cmpi sgt, %jit3A_464, %sign3A_473 : i32
    %sign3A_475 = arith.extui %sign3A_474 : i1 to i32
    %sign3A_476 = arith.constant 0 : i32
    %sign3A_477 = arith.cmpi slt, %jit3A_464, %sign3A_476 : i32
    %sign3A_478 = arith.extui %sign3A_477 : i1 to i32
    %sign3A_479 = arith.subi %sign3A_475, %sign3A_478 : i32
    %ne3A_480 = arith.cmpi ne, %sign3A_472, %sign3A_479 : i32
    %rem3A_481 = arith.remsi %add3A_463, %jit3A_464 : i32
    %ne3A_482 = arith.constant 0 : i32
    %ne3A_483 = arith.cmpi ne, %rem3A_481, %ne3A_482 : i32
    %and3A_484 = arith.andi %ne3A_480, %ne3A_483 : i1
    %sub3A_485 = arith.constant 1 : i32
    %sub3A_486 = arith.subi %div3A_465, %sub3A_485 : i32
    %select_n3A_487 = arith.select %and3A_484, %sub3A_486, %div3A_465 : i32
    %mul3A_488 = arith.constant 13 : i32
    %mul3A_489 = arith.muli %add3A, %mul3A_488 : i32
    %add3A_490 = arith.constant 7 : i32
    %add3A_491 = arith.addi %mul3A_489, %add3A_490 : i32
    %sub3A_492 = arith.constant 1 : i32
    %sub3A_493 = arith.subi %add3A_491, %sub3A_492 : i32
    %jit3A_494 = arith.constant 16 : i32
    %div3A_495 = arith.divsi %sub3A_493, %jit3A_494 : i32
    %sign3A_496 = arith.constant 0 : i32
    %sign3A_497 = arith.cmpi sgt, %sub3A_493, %sign3A_496 : i32
    %sign3A_498 = arith.extui %sign3A_497 : i1 to i32
    %sign3A_499 = arith.constant 0 : i32
    %sign3A_500 = arith.cmpi slt, %sub3A_493, %sign3A_499 : i32
    %sign3A_501 = arith.extui %sign3A_500 : i1 to i32
    %sign3A_502 = arith.subi %sign3A_498, %sign3A_501 : i32
    %sign3A_503 = arith.constant 0 : i32
    %sign3A_504 = arith.cmpi sgt, %jit3A_494, %sign3A_503 : i32
    %sign3A_505 = arith.extui %sign3A_504 : i1 to i32
    %sign3A_506 = arith.constant 0 : i32
    %sign3A_507 = arith.cmpi slt, %jit3A_494, %sign3A_506 : i32
    %sign3A_508 = arith.extui %sign3A_507 : i1 to i32
    %sign3A_509 = arith.subi %sign3A_505, %sign3A_508 : i32
    %ne3A_510 = arith.cmpi ne, %sign3A_502, %sign3A_509 : i32
    %rem3A_511 = arith.remsi %sub3A_493, %jit3A_494 : i32
    %ne3A_512 = arith.constant 0 : i32
    %ne3A_513 = arith.cmpi ne, %rem3A_511, %ne3A_512 : i32
    %and3A_514 = arith.andi %ne3A_510, %ne3A_513 : i1
    %sub3A_515 = arith.constant 1 : i32
    %sub3A_516 = arith.subi %div3A_495, %sub3A_515 : i32
    %select_n3A_517 = arith.select %and3A_514, %sub3A_516, %div3A_495 : i32
    %ne3A_518 = arith.cmpi ne, %select_n3A_487, %select_n3A_517 : i32
    %convert_element_type3A_519 = arith.extui %ne3A_518 : i1 to i32
    %cond3A_520 = arith.constant 0 : i32
    %cond3A_521 = arith.cmpi ne, %convert_element_type3A_519, %cond3A_520 : i32
    scf.if %cond3A_521 {
      "tpu.region"() ({
        %run_scoped3A = tpu.sem_alloc : memref<!tpu.dma_semaphore, #tpu.memory_space<semaphore_mem>>
        %dma_start3A = arith.constant 0 : i32
        %dma_start3A_892 = tpu.memref_slice %arg2[%select_n3A_487, %dma_start3A] : memref<26x16384xi32, #tpu.memory_space<hbm>> -> memref<1x16384xi32, #tpu.memory_space<hbm>>
        %dma_start3A_893 = tpu.memref_squeeze %dma_start3A_892 : memref<1x16384xi32, #tpu.memory_space<hbm>> -> memref<16384xi32, #tpu.memory_space<hbm>>
        %dma_start3A_894 = arith.constant 0 : i32
        %dma_start3A_895 = tpu.memref_slice %arg2[%select_n3A_487, %dma_start3A_894] : memref<26x16384xi32, #tpu.memory_space<hbm>> -> memref<1x16384xi32, #tpu.memory_space<hbm>>
        %dma_start3A_896 = tpu.memref_squeeze %dma_start3A_895 : memref<1x16384xi32, #tpu.memory_space<hbm>> -> memref<16384xi32, #tpu.memory_space<hbm>>
        tpu.enqueue_dma source(%dma_start3A_896 : memref<16384xi32, #tpu.memory_space<hbm>>) target(%arg5 : memref<16384xi32, #tpu.memory_space<vmem>>) target_semaphore(%run_scoped3A : memref<!tpu.dma_semaphore, #tpu.memory_space<semaphore_mem>>)
        %dma_wait3A = arith.constant 0 : i32
        %dma_wait3A_897 = tpu.memref_slice %arg2[%select_n3A_487, %dma_wait3A] : memref<26x16384xi32, #tpu.memory_space<hbm>> -> memref<1x16384xi32, #tpu.memory_space<hbm>>
        %dma_wait3A_898 = tpu.memref_squeeze %dma_wait3A_897 : memref<1x16384xi32, #tpu.memory_space<hbm>> -> memref<16384xi32, #tpu.memory_space<hbm>>
        %dma_wait3A_899 = arith.constant 0 : i32
        %dma_wait3A_900 = tpu.memref_slice %arg2[%select_n3A_487, %dma_wait3A_899] : memref<26x16384xi32, #tpu.memory_space<hbm>> -> memref<1x16384xi32, #tpu.memory_space<hbm>>
        %dma_wait3A_901 = tpu.memref_squeeze %dma_wait3A_900 : memref<1x16384xi32, #tpu.memory_space<hbm>> -> memref<16384xi32, #tpu.memory_space<hbm>>
        tpu.wait_dma2 semaphore(%run_scoped3A : memref<!tpu.dma_semaphore, #tpu.memory_space<semaphore_mem>>) src(%dma_wait3A_901 : memref<16384xi32, #tpu.memory_space<hbm>>) dst(%arg5 : memref<16384xi32, #tpu.memory_space<vmem>>)
        tpu.yield
      }) : () -> ()
    } else {
    }
    "tpu.region"() ({
      %run_scoped3A = tpu.sem_alloc : memref<!tpu.dma_semaphore, #tpu.memory_space<semaphore_mem>>
      %dma_start3A = arith.constant 0 : i32
      %dma_start3A_892 = tpu.memref_slice %arg3[%add3A_463, %dma_start3A] : memref<416x100000xf32, #tpu.memory_space<hbm>> -> memref<1x100000xf32, #tpu.memory_space<hbm>>
      %dma_start3A_893 = tpu.memref_squeeze %dma_start3A_892 : memref<1x100000xf32, #tpu.memory_space<hbm>> -> memref<100000xf32, #tpu.memory_space<hbm>>
      %dma_start3A_894 = arith.constant 0 : i32
      %dma_start3A_895 = tpu.memref_slice %arg3[%add3A_463, %dma_start3A_894] : memref<416x100000xf32, #tpu.memory_space<hbm>> -> memref<1x100000xf32, #tpu.memory_space<hbm>>
      %dma_start3A_896 = tpu.memref_squeeze %dma_start3A_895 : memref<1x100000xf32, #tpu.memory_space<hbm>> -> memref<100000xf32, #tpu.memory_space<hbm>>
      tpu.enqueue_dma source(%dma_start3A_896 : memref<100000xf32, #tpu.memory_space<hbm>>) target(%arg6 : memref<100000xf32, #tpu.memory_space<vmem>>) target_semaphore(%run_scoped3A : memref<!tpu.dma_semaphore, #tpu.memory_space<semaphore_mem>>)
      %dma_wait3A = arith.constant 0 : i32
      %dma_wait3A_897 = tpu.memref_slice %arg3[%add3A_463, %dma_wait3A] : memref<416x100000xf32, #tpu.memory_space<hbm>> -> memref<1x100000xf32, #tpu.memory_space<hbm>>
      %dma_wait3A_898 = tpu.memref_squeeze %dma_wait3A_897 : memref<1x100000xf32, #tpu.memory_space<hbm>> -> memref<100000xf32, #tpu.memory_space<hbm>>
      %dma_wait3A_899 = arith.constant 0 : i32
      %dma_wait3A_900 = tpu.memref_slice %arg3[%add3A_463, %dma_wait3A_899] : memref<416x100000xf32, #tpu.memory_space<hbm>> -> memref<1x100000xf32, #tpu.memory_space<hbm>>
      %dma_wait3A_901 = tpu.memref_squeeze %dma_wait3A_900 : memref<1x100000xf32, #tpu.memory_space<hbm>> -> memref<100000xf32, #tpu.memory_space<hbm>>
      tpu.wait_dma2 semaphore(%run_scoped3A : memref<!tpu.dma_semaphore, #tpu.memory_space<semaphore_mem>>) src(%dma_wait3A_901 : memref<100000xf32, #tpu.memory_space<hbm>>) dst(%arg6 : memref<100000xf32, #tpu.memory_space<vmem>>)
      tpu.yield
    }) : () -> ()
    %scan3A_522 = arith.constant 0 : i32
    %scan3A_523 = arith.constant 512 : i32
    %scan3A_524 = arith.addi %scan3A_522, %scan3A_523 : i32
    %scan3A_525 = arith.constant 1 : i32
    scf.for %scan3A_892 = %scan3A_522 to %scan3A_524 step %scan3A_525  : i32 {
      %mul3A_893 = arith.constant 1 : i32
      %mul3A_894 = arith.muli %scan3A_892, %mul3A_893 : i32
      %add3A_895 = arith.constant 0 : i32
      %add3A_896 = arith.addi %add3A_895, %mul3A_894 : i32
      %mul3A_897 = arith.constant 16 : i32
      %mul3A_898 = arith.muli %add3A_896, %mul3A_897 : i32
      %add3A_899 = arith.constant 0 : i32
      %add3A_900 = arith.addi %add3A_899, %mul3A_898 : i32
      %get3A = arith.index_cast %add3A_900 : i32 to index
      %get3A_901 = tpu.vector_load %arg5[%get3A] {strides = array<i32>} : memref<16384xi32, #tpu.memory_space<vmem>>, vector<16xi32>,
      %gather3A = tpu.vector_load_idx %arg6[%get3A_901] : memref<100000xf32, #tpu.memory_space<vmem>>[vector<16xi32>], vector<16xf32>,
      %mul3A_902 = arith.constant 16 : i32
      %mul3A_903 = arith.muli %add3A_896, %mul3A_902 : i32
      %swap3A = arith.index_cast %mul3A_903 : i32 to index
      %swap3A_904 = tpu.vector_load %arg7[%swap3A] {strides = array<i32>} : memref<8192xf32, #tpu.memory_space<vmem>>, vector<16xf32>,
      tpu.vector_store %arg7[%swap3A], %gather3A {strides = array<i32>} : memref<8192xf32, #tpu.memory_space<vmem>>, vector<16xf32>,
    }
    %scan3A_526 = arith.constant 512 : i32
    "tpu.region"() ({
      %run_scoped3A = tpu.sem_alloc : memref<!tpu.dma_semaphore, #tpu.memory_space<semaphore_mem>>
      %dma_start3A = arith.constant 0 : i32
      %dma_start3A_892 = tpu.memref_slice %arg4[%add3A_463, %dma_start3A] : memref<416x16384xf32, #tpu.memory_space<hbm>> -> memref<1x8192xf32, #tpu.memory_space<hbm>>
      %dma_start3A_893 = tpu.memref_squeeze %dma_start3A_892 : memref<1x8192xf32, #tpu.memory_space<hbm>> -> memref<8192xf32, #tpu.memory_space<hbm>>
      %dma_start3A_894 = arith.constant 0 : i32
      %dma_start3A_895 = tpu.memref_slice %arg4[%add3A_463, %dma_start3A_894] : memref<416x16384xf32, #tpu.memory_space<hbm>> -> memref<1x8192xf32, #tpu.memory_space<hbm>>
      %dma_start3A_896 = tpu.memref_squeeze %dma_start3A_895 : memref<1x8192xf32, #tpu.memory_space<hbm>> -> memref<8192xf32, #tpu.memory_space<hbm>>
      tpu.enqueue_dma source(%arg7 : memref<8192xf32, #tpu.memory_space<vmem>>) target(%dma_start3A_896 : memref<8192xf32, #tpu.memory_space<hbm>>) target_semaphore(%run_scoped3A : memref<!tpu.dma_semaphore, #tpu.memory_space<semaphore_mem>>)
      %dma_wait3A = arith.constant 0 : i32
      %dma_wait3A_897 = tpu.memref_slice %arg4[%add3A_463, %dma_wait3A] : memref<416x16384xf32, #tpu.memory_space<hbm>> -> memref<1x8192xf32, #tpu.memory_space<hbm>>
      %dma_wait3A_898 = tpu.memref_squeeze %dma_wait3A_897 : memref<1x8192xf32, #tpu.memory_space<hbm>> -> memref<8192xf32, #tpu.memory_space<hbm>>
      %dma_wait3A_899 = arith.constant 0 : i32
      %dma_wait3A_900 = tpu.memref_slice %arg4[%add3A_463, %dma_wait3A_899] : memref<416x16384xf32, #tpu.memory_space<hbm>> -> memref<1x8192xf32, #tpu.memory_space<hbm>>
      %dma_wait3A_901 = tpu.memref_squeeze %dma_wait3A_900 : memref<1x8192xf32, #tpu.memory_space<hbm>> -> memref<8192xf32, #tpu.memory_space<hbm>>
      tpu.wait_dma2 semaphore(%run_scoped3A : memref<!tpu.dma_semaphore, #tpu.memory_space<semaphore_mem>>) src(%arg7 : memref<8192xf32, #tpu.memory_space<vmem>>) dst(%dma_wait3A_901 : memref<8192xf32, #tpu.memory_space<hbm>>)
      tpu.yield
    }) : () -> ()
    %scan3A_527 = arith.constant 0 : i32
    %scan3A_528 = arith.constant 512 : i32
    %scan3A_529 = arith.addi %scan3A_527, %scan3A_528 : i32
    %scan3A_530 = arith.constant 1 : i32
    scf.for %scan3A_892 = %scan3A_527 to %scan3A_529 step %scan3A_530  : i32 {
      %mul3A_893 = arith.constant 1 : i32
      %mul3A_894 = arith.muli %scan3A_892, %mul3A_893 : i32
      %add3A_895 = arith.constant 0 : i32
      %add3A_896 = arith.addi %add3A_895, %mul3A_894 : i32
      %mul3A_897 = arith.constant 16 : i32
      %mul3A_898 = arith.muli %add3A_896, %mul3A_897 : i32
      %add3A_899 = arith.constant 8192 : i32
      %add3A_900 = arith.addi %add3A_899, %mul3A_898 : i32
      %get3A = arith.index_cast %add3A_900 : i32 to index
      %get3A_901 = tpu.vector_load %arg5[%get3A] {strides = array<i32>} : memref<16384xi32, #tpu.memory_space<vmem>>, vector<16xi32>,
      %gather3A = tpu.vector_load_idx %arg6[%get3A_901] : memref<100000xf32, #tpu.memory_space<vmem>>[vector<16xi32>], vector<16xf32>,
      %mul3A_902 = arith.constant 16 : i32
      %mul3A_903 = arith.muli %add3A_896, %mul3A_902 : i32
      %swap3A = arith.index_cast %mul3A_903 : i32 to index
      %swap3A_904 = tpu.vector_load %arg7[%swap3A] {strides = array<i32>} : memref<8192xf32, #tpu.memory_space<vmem>>, vector<16xf32>,
      tpu.vector_store %arg7[%swap3A], %gather3A {strides = array<i32>} : memref<8192xf32, #tpu.memory_space<vmem>>, vector<16xf32>,
    }
    %scan3A_531 = arith.constant 512 : i32
    "tpu.region"() ({
      %run_scoped3A = tpu.sem_alloc : memref<!tpu.dma_semaphore, #tpu.memory_space<semaphore_mem>>
      %dma_start3A = arith.constant 8192 : i32
      %dma_start3A_892 = tpu.memref_slice %arg4[%add3A_463, %dma_start3A] : memref<416x16384xf32, #tpu.memory_space<hbm>> -> memref<1x8192xf32, #tpu.memory_space<hbm>>
      %dma_start3A_893 = tpu.memref_squeeze %dma_start3A_892 : memref<1x8192xf32, #tpu.memory_space<hbm>> -> memref<8192xf32, #tpu.memory_space<hbm>>
      %dma_start3A_894 = arith.constant 8192 : i32
      %dma_start3A_895 = tpu.memref_slice %arg4[%add3A_463, %dma_start3A_894] : memref<416x16384xf32, #tpu.memory_space<hbm>> -> memref<1x8192xf32, #tpu.memory_space<hbm>>
      %dma_start3A_896 = tpu.memref_squeeze %dma_start3A_895 : memref<1x8192xf32, #tpu.memory_space<hbm>> -> memref<8192xf32, #tpu.memory_space<hbm>>
      tpu.enqueue_dma source(%arg7 : memref<8192xf32, #tpu.memory_space<vmem>>) target(%dma_start3A_896 : memref<8192xf32, #tpu.memory_space<hbm>>) target_semaphore(%run_scoped3A : memref<!tpu.dma_semaphore, #tpu.memory_space<semaphore_mem>>)
      %dma_wait3A = arith.constant 8192 : i32
      %dma_wait3A_897 = tpu.memref_slice %arg4[%add3A_463, %dma_wait3A] : memref<416x16384xf32, #tpu.memory_space<hbm>> -> memref<1x8192xf32, #tpu.memory_space<hbm>>
      %dma_wait3A_898 = tpu.memref_squeeze %dma_wait3A_897 : memref<1x8192xf32, #tpu.memory_space<hbm>> -> memref<8192xf32, #tpu.memory_space<hbm>>
      %dma_wait3A_899 = arith.constant 8192 : i32
      %dma_wait3A_900 = tpu.memref_slice %arg4[%add3A_463, %dma_wait3A_899] : memref<416x16384xf32, #tpu.memory_space<hbm>> -> memref<1x8192xf32, #tpu.memory_space<hbm>>
      %dma_wait3A_901 = tpu.memref_squeeze %dma_wait3A_900 : memref<1x8192xf32, #tpu.memory_space<hbm>> -> memref<8192xf32, #tpu.memory_space<hbm>>
      tpu.wait_dma2 semaphore(%run_scoped3A : memref<!tpu.dma_semaphore, #tpu.memory_space<semaphore_mem>>) src(%arg7 : memref<8192xf32, #tpu.memory_space<vmem>>) dst(%dma_wait3A_901 : memref<8192xf32, #tpu.memory_space<hbm>>)
      tpu.yield
    }) : () -> ()
    %mul3A_532 = arith.constant 13 : i32
    %mul3A_533 = arith.muli %add3A, %mul3A_532 : i32
    %add3A_534 = arith.constant 8 : i32
    %add3A_535 = arith.addi %mul3A_533, %add3A_534 : i32
    %jit3A_536 = arith.constant 16 : i32
    %div3A_537 = arith.divsi %add3A_535, %jit3A_536 : i32
    %sign3A_538 = arith.constant 0 : i32
    %sign3A_539 = arith.cmpi sgt, %add3A_535, %sign3A_538 : i32
    %sign3A_540 = arith.extui %sign3A_539 : i1 to i32
    %sign3A_541 = arith.constant 0 : i32
    %sign3A_542 = arith.cmpi slt, %add3A_535, %sign3A_541 : i32
    %sign3A_543 = arith.extui %sign3A_542 : i1 to i32
    %sign3A_544 = arith.subi %sign3A_540, %sign3A_543 : i32
    %sign3A_545 = arith.constant 0 : i32
    %sign3A_546 = arith.cmpi sgt, %jit3A_536, %sign3A_545 : i32
    %sign3A_547 = arith.extui %sign3A_546 : i1 to i32
    %sign3A_548 = arith.constant 0 : i32
    %sign3A_549 = arith.cmpi slt, %jit3A_536, %sign3A_548 : i32
    %sign3A_550 = arith.extui %sign3A_549 : i1 to i32
    %sign3A_551 = arith.subi %sign3A_547, %sign3A_550 : i32
    %ne3A_552 = arith.cmpi ne, %sign3A_544, %sign3A_551 : i32
    %rem3A_553 = arith.remsi %add3A_535, %jit3A_536 : i32
    %ne3A_554 = arith.constant 0 : i32
    %ne3A_555 = arith.cmpi ne, %rem3A_553, %ne3A_554 : i32
    %and3A_556 = arith.andi %ne3A_552, %ne3A_555 : i1
    %sub3A_557 = arith.constant 1 : i32
    %sub3A_558 = arith.subi %div3A_537, %sub3A_557 : i32
    %select_n3A_559 = arith.select %and3A_556, %sub3A_558, %div3A_537 : i32
    %mul3A_560 = arith.constant 13 : i32
    %mul3A_561 = arith.muli %add3A, %mul3A_560 : i32
    %add3A_562 = arith.constant 8 : i32
    %add3A_563 = arith.addi %mul3A_561, %add3A_562 : i32
    %sub3A_564 = arith.constant 1 : i32
    %sub3A_565 = arith.subi %add3A_563, %sub3A_564 : i32
    %jit3A_566 = arith.constant 16 : i32
    %div3A_567 = arith.divsi %sub3A_565, %jit3A_566 : i32
    %sign3A_568 = arith.constant 0 : i32
    %sign3A_569 = arith.cmpi sgt, %sub3A_565, %sign3A_568 : i32
    %sign3A_570 = arith.extui %sign3A_569 : i1 to i32
    %sign3A_571 = arith.constant 0 : i32
    %sign3A_572 = arith.cmpi slt, %sub3A_565, %sign3A_571 : i32
    %sign3A_573 = arith.extui %sign3A_572 : i1 to i32
    %sign3A_574 = arith.subi %sign3A_570, %sign3A_573 : i32
    %sign3A_575 = arith.constant 0 : i32
    %sign3A_576 = arith.cmpi sgt, %jit3A_566, %sign3A_575 : i32
    %sign3A_577 = arith.extui %sign3A_576 : i1 to i32
    %sign3A_578 = arith.constant 0 : i32
    %sign3A_579 = arith.cmpi slt, %jit3A_566, %sign3A_578 : i32
    %sign3A_580 = arith.extui %sign3A_579 : i1 to i32
    %sign3A_581 = arith.subi %sign3A_577, %sign3A_580 : i32
    %ne3A_582 = arith.cmpi ne, %sign3A_574, %sign3A_581 : i32
    %rem3A_583 = arith.remsi %sub3A_565, %jit3A_566 : i32
    %ne3A_584 = arith.constant 0 : i32
    %ne3A_585 = arith.cmpi ne, %rem3A_583, %ne3A_584 : i32
    %and3A_586 = arith.andi %ne3A_582, %ne3A_585 : i1
    %sub3A_587 = arith.constant 1 : i32
    %sub3A_588 = arith.subi %div3A_567, %sub3A_587 : i32
    %select_n3A_589 = arith.select %and3A_586, %sub3A_588, %div3A_567 : i32
    %ne3A_590 = arith.cmpi ne, %select_n3A_559, %select_n3A_589 : i32
    %convert_element_type3A_591 = arith.extui %ne3A_590 : i1 to i32
    %cond3A_592 = arith.constant 0 : i32
    %cond3A_593 = arith.cmpi ne, %convert_element_type3A_591, %cond3A_592 : i32
    scf.if %cond3A_593 {
      "tpu.region"() ({
        %run_scoped3A = tpu.sem_alloc : memref<!tpu.dma_semaphore, #tpu.memory_space<semaphore_mem>>
        %dma_start3A = arith.constant 0 : i32
        %dma_start3A_892 = tpu.memref_slice %arg2[%select_n3A_559, %dma_start3A] : memref<26x16384xi32, #tpu.memory_space<hbm>> -> memref<1x16384xi32, #tpu.memory_space<hbm>>
        %dma_start3A_893 = tpu.memref_squeeze %dma_start3A_892 : memref<1x16384xi32, #tpu.memory_space<hbm>> -> memref<16384xi32, #tpu.memory_space<hbm>>
        %dma_start3A_894 = arith.constant 0 : i32
        %dma_start3A_895 = tpu.memref_slice %arg2[%select_n3A_559, %dma_start3A_894] : memref<26x16384xi32, #tpu.memory_space<hbm>> -> memref<1x16384xi32, #tpu.memory_space<hbm>>
        %dma_start3A_896 = tpu.memref_squeeze %dma_start3A_895 : memref<1x16384xi32, #tpu.memory_space<hbm>> -> memref<16384xi32, #tpu.memory_space<hbm>>
        tpu.enqueue_dma source(%dma_start3A_896 : memref<16384xi32, #tpu.memory_space<hbm>>) target(%arg5 : memref<16384xi32, #tpu.memory_space<vmem>>) target_semaphore(%run_scoped3A : memref<!tpu.dma_semaphore, #tpu.memory_space<semaphore_mem>>)
        %dma_wait3A = arith.constant 0 : i32
        %dma_wait3A_897 = tpu.memref_slice %arg2[%select_n3A_559, %dma_wait3A] : memref<26x16384xi32, #tpu.memory_space<hbm>> -> memref<1x16384xi32, #tpu.memory_space<hbm>>
        %dma_wait3A_898 = tpu.memref_squeeze %dma_wait3A_897 : memref<1x16384xi32, #tpu.memory_space<hbm>> -> memref<16384xi32, #tpu.memory_space<hbm>>
        %dma_wait3A_899 = arith.constant 0 : i32
        %dma_wait3A_900 = tpu.memref_slice %arg2[%select_n3A_559, %dma_wait3A_899] : memref<26x16384xi32, #tpu.memory_space<hbm>> -> memref<1x16384xi32, #tpu.memory_space<hbm>>
        %dma_wait3A_901 = tpu.memref_squeeze %dma_wait3A_900 : memref<1x16384xi32, #tpu.memory_space<hbm>> -> memref<16384xi32, #tpu.memory_space<hbm>>
        tpu.wait_dma2 semaphore(%run_scoped3A : memref<!tpu.dma_semaphore, #tpu.memory_space<semaphore_mem>>) src(%dma_wait3A_901 : memref<16384xi32, #tpu.memory_space<hbm>>) dst(%arg5 : memref<16384xi32, #tpu.memory_space<vmem>>)
        tpu.yield
      }) : () -> ()
    } else {
    }
    "tpu.region"() ({
      %run_scoped3A = tpu.sem_alloc : memref<!tpu.dma_semaphore, #tpu.memory_space<semaphore_mem>>
      %dma_start3A = arith.constant 0 : i32
      %dma_start3A_892 = tpu.memref_slice %arg3[%add3A_535, %dma_start3A] : memref<416x100000xf32, #tpu.memory_space<hbm>> -> memref<1x100000xf32, #tpu.memory_space<hbm>>
      %dma_start3A_893 = tpu.memref_squeeze %dma_start3A_892 : memref<1x100000xf32, #tpu.memory_space<hbm>> -> memref<100000xf32, #tpu.memory_space<hbm>>
      %dma_start3A_894 = arith.constant 0 : i32
      %dma_start3A_895 = tpu.memref_slice %arg3[%add3A_535, %dma_start3A_894] : memref<416x100000xf32, #tpu.memory_space<hbm>> -> memref<1x100000xf32, #tpu.memory_space<hbm>>
      %dma_start3A_896 = tpu.memref_squeeze %dma_start3A_895 : memref<1x100000xf32, #tpu.memory_space<hbm>> -> memref<100000xf32, #tpu.memory_space<hbm>>
      tpu.enqueue_dma source(%dma_start3A_896 : memref<100000xf32, #tpu.memory_space<hbm>>) target(%arg6 : memref<100000xf32, #tpu.memory_space<vmem>>) target_semaphore(%run_scoped3A : memref<!tpu.dma_semaphore, #tpu.memory_space<semaphore_mem>>)
      %dma_wait3A = arith.constant 0 : i32
      %dma_wait3A_897 = tpu.memref_slice %arg3[%add3A_535, %dma_wait3A] : memref<416x100000xf32, #tpu.memory_space<hbm>> -> memref<1x100000xf32, #tpu.memory_space<hbm>>
      %dma_wait3A_898 = tpu.memref_squeeze %dma_wait3A_897 : memref<1x100000xf32, #tpu.memory_space<hbm>> -> memref<100000xf32, #tpu.memory_space<hbm>>
      %dma_wait3A_899 = arith.constant 0 : i32
      %dma_wait3A_900 = tpu.memref_slice %arg3[%add3A_535, %dma_wait3A_899] : memref<416x100000xf32, #tpu.memory_space<hbm>> -> memref<1x100000xf32, #tpu.memory_space<hbm>>
      %dma_wait3A_901 = tpu.memref_squeeze %dma_wait3A_900 : memref<1x100000xf32, #tpu.memory_space<hbm>> -> memref<100000xf32, #tpu.memory_space<hbm>>
      tpu.wait_dma2 semaphore(%run_scoped3A : memref<!tpu.dma_semaphore, #tpu.memory_space<semaphore_mem>>) src(%dma_wait3A_901 : memref<100000xf32, #tpu.memory_space<hbm>>) dst(%arg6 : memref<100000xf32, #tpu.memory_space<vmem>>)
      tpu.yield
    }) : () -> ()
    %scan3A_594 = arith.constant 0 : i32
    %scan3A_595 = arith.constant 512 : i32
    %scan3A_596 = arith.addi %scan3A_594, %scan3A_595 : i32
    %scan3A_597 = arith.constant 1 : i32
    scf.for %scan3A_892 = %scan3A_594 to %scan3A_596 step %scan3A_597  : i32 {
      %mul3A_893 = arith.constant 1 : i32
      %mul3A_894 = arith.muli %scan3A_892, %mul3A_893 : i32
      %add3A_895 = arith.constant 0 : i32
      %add3A_896 = arith.addi %add3A_895, %mul3A_894 : i32
      %mul3A_897 = arith.constant 16 : i32
      %mul3A_898 = arith.muli %add3A_896, %mul3A_897 : i32
      %add3A_899 = arith.constant 0 : i32
      %add3A_900 = arith.addi %add3A_899, %mul3A_898 : i32
      %get3A = arith.index_cast %add3A_900 : i32 to index
      %get3A_901 = tpu.vector_load %arg5[%get3A] {strides = array<i32>} : memref<16384xi32, #tpu.memory_space<vmem>>, vector<16xi32>,
      %gather3A = tpu.vector_load_idx %arg6[%get3A_901] : memref<100000xf32, #tpu.memory_space<vmem>>[vector<16xi32>], vector<16xf32>,
      %mul3A_902 = arith.constant 16 : i32
      %mul3A_903 = arith.muli %add3A_896, %mul3A_902 : i32
      %swap3A = arith.index_cast %mul3A_903 : i32 to index
      %swap3A_904 = tpu.vector_load %arg7[%swap3A] {strides = array<i32>} : memref<8192xf32, #tpu.memory_space<vmem>>, vector<16xf32>,
      tpu.vector_store %arg7[%swap3A], %gather3A {strides = array<i32>} : memref<8192xf32, #tpu.memory_space<vmem>>, vector<16xf32>,
    }
    %scan3A_598 = arith.constant 512 : i32
    "tpu.region"() ({
      %run_scoped3A = tpu.sem_alloc : memref<!tpu.dma_semaphore, #tpu.memory_space<semaphore_mem>>
      %dma_start3A = arith.constant 0 : i32
      %dma_start3A_892 = tpu.memref_slice %arg4[%add3A_535, %dma_start3A] : memref<416x16384xf32, #tpu.memory_space<hbm>> -> memref<1x8192xf32, #tpu.memory_space<hbm>>
      %dma_start3A_893 = tpu.memref_squeeze %dma_start3A_892 : memref<1x8192xf32, #tpu.memory_space<hbm>> -> memref<8192xf32, #tpu.memory_space<hbm>>
      %dma_start3A_894 = arith.constant 0 : i32
      %dma_start3A_895 = tpu.memref_slice %arg4[%add3A_535, %dma_start3A_894] : memref<416x16384xf32, #tpu.memory_space<hbm>> -> memref<1x8192xf32, #tpu.memory_space<hbm>>
      %dma_start3A_896 = tpu.memref_squeeze %dma_start3A_895 : memref<1x8192xf32, #tpu.memory_space<hbm>> -> memref<8192xf32, #tpu.memory_space<hbm>>
      tpu.enqueue_dma source(%arg7 : memref<8192xf32, #tpu.memory_space<vmem>>) target(%dma_start3A_896 : memref<8192xf32, #tpu.memory_space<hbm>>) target_semaphore(%run_scoped3A : memref<!tpu.dma_semaphore, #tpu.memory_space<semaphore_mem>>)
      %dma_wait3A = arith.constant 0 : i32
      %dma_wait3A_897 = tpu.memref_slice %arg4[%add3A_535, %dma_wait3A] : memref<416x16384xf32, #tpu.memory_space<hbm>> -> memref<1x8192xf32, #tpu.memory_space<hbm>>
      %dma_wait3A_898 = tpu.memref_squeeze %dma_wait3A_897 : memref<1x8192xf32, #tpu.memory_space<hbm>> -> memref<8192xf32, #tpu.memory_space<hbm>>
      %dma_wait3A_899 = arith.constant 0 : i32
      %dma_wait3A_900 = tpu.memref_slice %arg4[%add3A_535, %dma_wait3A_899] : memref<416x16384xf32, #tpu.memory_space<hbm>> -> memref<1x8192xf32, #tpu.memory_space<hbm>>
      %dma_wait3A_901 = tpu.memref_squeeze %dma_wait3A_900 : memref<1x8192xf32, #tpu.memory_space<hbm>> -> memref<8192xf32, #tpu.memory_space<hbm>>
      tpu.wait_dma2 semaphore(%run_scoped3A : memref<!tpu.dma_semaphore, #tpu.memory_space<semaphore_mem>>) src(%arg7 : memref<8192xf32, #tpu.memory_space<vmem>>) dst(%dma_wait3A_901 : memref<8192xf32, #tpu.memory_space<hbm>>)
      tpu.yield
    }) : () -> ()
    %scan3A_599 = arith.constant 0 : i32
    %scan3A_600 = arith.constant 512 : i32
    %scan3A_601 = arith.addi %scan3A_599, %scan3A_600 : i32
    %scan3A_602 = arith.constant 1 : i32
    scf.for %scan3A_892 = %scan3A_599 to %scan3A_601 step %scan3A_602  : i32 {
      %mul3A_893 = arith.constant 1 : i32
      %mul3A_894 = arith.muli %scan3A_892, %mul3A_893 : i32
      %add3A_895 = arith.constant 0 : i32
      %add3A_896 = arith.addi %add3A_895, %mul3A_894 : i32
      %mul3A_897 = arith.constant 16 : i32
      %mul3A_898 = arith.muli %add3A_896, %mul3A_897 : i32
      %add3A_899 = arith.constant 8192 : i32
      %add3A_900 = arith.addi %add3A_899, %mul3A_898 : i32
      %get3A = arith.index_cast %add3A_900 : i32 to index
      %get3A_901 = tpu.vector_load %arg5[%get3A] {strides = array<i32>} : memref<16384xi32, #tpu.memory_space<vmem>>, vector<16xi32>,
      %gather3A = tpu.vector_load_idx %arg6[%get3A_901] : memref<100000xf32, #tpu.memory_space<vmem>>[vector<16xi32>], vector<16xf32>,
      %mul3A_902 = arith.constant 16 : i32
      %mul3A_903 = arith.muli %add3A_896, %mul3A_902 : i32
      %swap3A = arith.index_cast %mul3A_903 : i32 to index
      %swap3A_904 = tpu.vector_load %arg7[%swap3A] {strides = array<i32>} : memref<8192xf32, #tpu.memory_space<vmem>>, vector<16xf32>,
      tpu.vector_store %arg7[%swap3A], %gather3A {strides = array<i32>} : memref<8192xf32, #tpu.memory_space<vmem>>, vector<16xf32>,
    }
    %scan3A_603 = arith.constant 512 : i32
    "tpu.region"() ({
      %run_scoped3A = tpu.sem_alloc : memref<!tpu.dma_semaphore, #tpu.memory_space<semaphore_mem>>
      %dma_start3A = arith.constant 8192 : i32
      %dma_start3A_892 = tpu.memref_slice %arg4[%add3A_535, %dma_start3A] : memref<416x16384xf32, #tpu.memory_space<hbm>> -> memref<1x8192xf32, #tpu.memory_space<hbm>>
      %dma_start3A_893 = tpu.memref_squeeze %dma_start3A_892 : memref<1x8192xf32, #tpu.memory_space<hbm>> -> memref<8192xf32, #tpu.memory_space<hbm>>
      %dma_start3A_894 = arith.constant 8192 : i32
      %dma_start3A_895 = tpu.memref_slice %arg4[%add3A_535, %dma_start3A_894] : memref<416x16384xf32, #tpu.memory_space<hbm>> -> memref<1x8192xf32, #tpu.memory_space<hbm>>
      %dma_start3A_896 = tpu.memref_squeeze %dma_start3A_895 : memref<1x8192xf32, #tpu.memory_space<hbm>> -> memref<8192xf32, #tpu.memory_space<hbm>>
      tpu.enqueue_dma source(%arg7 : memref<8192xf32, #tpu.memory_space<vmem>>) target(%dma_start3A_896 : memref<8192xf32, #tpu.memory_space<hbm>>) target_semaphore(%run_scoped3A : memref<!tpu.dma_semaphore, #tpu.memory_space<semaphore_mem>>)
      %dma_wait3A = arith.constant 8192 : i32
      %dma_wait3A_897 = tpu.memref_slice %arg4[%add3A_535, %dma_wait3A] : memref<416x16384xf32, #tpu.memory_space<hbm>> -> memref<1x8192xf32, #tpu.memory_space<hbm>>
      %dma_wait3A_898 = tpu.memref_squeeze %dma_wait3A_897 : memref<1x8192xf32, #tpu.memory_space<hbm>> -> memref<8192xf32, #tpu.memory_space<hbm>>
      %dma_wait3A_899 = arith.constant 8192 : i32
      %dma_wait3A_900 = tpu.memref_slice %arg4[%add3A_535, %dma_wait3A_899] : memref<416x16384xf32, #tpu.memory_space<hbm>> -> memref<1x8192xf32, #tpu.memory_space<hbm>>
      %dma_wait3A_901 = tpu.memref_squeeze %dma_wait3A_900 : memref<1x8192xf32, #tpu.memory_space<hbm>> -> memref<8192xf32, #tpu.memory_space<hbm>>
      tpu.wait_dma2 semaphore(%run_scoped3A : memref<!tpu.dma_semaphore, #tpu.memory_space<semaphore_mem>>) src(%arg7 : memref<8192xf32, #tpu.memory_space<vmem>>) dst(%dma_wait3A_901 : memref<8192xf32, #tpu.memory_space<hbm>>)
      tpu.yield
    }) : () -> ()
    %mul3A_604 = arith.constant 13 : i32
    %mul3A_605 = arith.muli %add3A, %mul3A_604 : i32
    %add3A_606 = arith.constant 9 : i32
    %add3A_607 = arith.addi %mul3A_605, %add3A_606 : i32
    %jit3A_608 = arith.constant 16 : i32
    %div3A_609 = arith.divsi %add3A_607, %jit3A_608 : i32
    %sign3A_610 = arith.constant 0 : i32
    %sign3A_611 = arith.cmpi sgt, %add3A_607, %sign3A_610 : i32
    %sign3A_612 = arith.extui %sign3A_611 : i1 to i32
    %sign3A_613 = arith.constant 0 : i32
    %sign3A_614 = arith.cmpi slt, %add3A_607, %sign3A_613 : i32
    %sign3A_615 = arith.extui %sign3A_614 : i1 to i32
    %sign3A_616 = arith.subi %sign3A_612, %sign3A_615 : i32
    %sign3A_617 = arith.constant 0 : i32
    %sign3A_618 = arith.cmpi sgt, %jit3A_608, %sign3A_617 : i32
    %sign3A_619 = arith.extui %sign3A_618 : i1 to i32
    %sign3A_620 = arith.constant 0 : i32
    %sign3A_621 = arith.cmpi slt, %jit3A_608, %sign3A_620 : i32
    %sign3A_622 = arith.extui %sign3A_621 : i1 to i32
    %sign3A_623 = arith.subi %sign3A_619, %sign3A_622 : i32
    %ne3A_624 = arith.cmpi ne, %sign3A_616, %sign3A_623 : i32
    %rem3A_625 = arith.remsi %add3A_607, %jit3A_608 : i32
    %ne3A_626 = arith.constant 0 : i32
    %ne3A_627 = arith.cmpi ne, %rem3A_625, %ne3A_626 : i32
    %and3A_628 = arith.andi %ne3A_624, %ne3A_627 : i1
    %sub3A_629 = arith.constant 1 : i32
    %sub3A_630 = arith.subi %div3A_609, %sub3A_629 : i32
    %select_n3A_631 = arith.select %and3A_628, %sub3A_630, %div3A_609 : i32
    %mul3A_632 = arith.constant 13 : i32
    %mul3A_633 = arith.muli %add3A, %mul3A_632 : i32
    %add3A_634 = arith.constant 9 : i32
    %add3A_635 = arith.addi %mul3A_633, %add3A_634 : i32
    %sub3A_636 = arith.constant 1 : i32
    %sub3A_637 = arith.subi %add3A_635, %sub3A_636 : i32
    %jit3A_638 = arith.constant 16 : i32
    %div3A_639 = arith.divsi %sub3A_637, %jit3A_638 : i32
    %sign3A_640 = arith.constant 0 : i32
    %sign3A_641 = arith.cmpi sgt, %sub3A_637, %sign3A_640 : i32
    %sign3A_642 = arith.extui %sign3A_641 : i1 to i32
    %sign3A_643 = arith.constant 0 : i32
    %sign3A_644 = arith.cmpi slt, %sub3A_637, %sign3A_643 : i32
    %sign3A_645 = arith.extui %sign3A_644 : i1 to i32
    %sign3A_646 = arith.subi %sign3A_642, %sign3A_645 : i32
    %sign3A_647 = arith.constant 0 : i32
    %sign3A_648 = arith.cmpi sgt, %jit3A_638, %sign3A_647 : i32
    %sign3A_649 = arith.extui %sign3A_648 : i1 to i32
    %sign3A_650 = arith.constant 0 : i32
    %sign3A_651 = arith.cmpi slt, %jit3A_638, %sign3A_650 : i32
    %sign3A_652 = arith.extui %sign3A_651 : i1 to i32
    %sign3A_653 = arith.subi %sign3A_649, %sign3A_652 : i32
    %ne3A_654 = arith.cmpi ne, %sign3A_646, %sign3A_653 : i32
    %rem3A_655 = arith.remsi %sub3A_637, %jit3A_638 : i32
    %ne3A_656 = arith.constant 0 : i32
    %ne3A_657 = arith.cmpi ne, %rem3A_655, %ne3A_656 : i32
    %and3A_658 = arith.andi %ne3A_654, %ne3A_657 : i1
    %sub3A_659 = arith.constant 1 : i32
    %sub3A_660 = arith.subi %div3A_639, %sub3A_659 : i32
    %select_n3A_661 = arith.select %and3A_658, %sub3A_660, %div3A_639 : i32
    %ne3A_662 = arith.cmpi ne, %select_n3A_631, %select_n3A_661 : i32
    %convert_element_type3A_663 = arith.extui %ne3A_662 : i1 to i32
    %cond3A_664 = arith.constant 0 : i32
    %cond3A_665 = arith.cmpi ne, %convert_element_type3A_663, %cond3A_664 : i32
    scf.if %cond3A_665 {
      "tpu.region"() ({
        %run_scoped3A = tpu.sem_alloc : memref<!tpu.dma_semaphore, #tpu.memory_space<semaphore_mem>>
        %dma_start3A = arith.constant 0 : i32
        %dma_start3A_892 = tpu.memref_slice %arg2[%select_n3A_631, %dma_start3A] : memref<26x16384xi32, #tpu.memory_space<hbm>> -> memref<1x16384xi32, #tpu.memory_space<hbm>>
        %dma_start3A_893 = tpu.memref_squeeze %dma_start3A_892 : memref<1x16384xi32, #tpu.memory_space<hbm>> -> memref<16384xi32, #tpu.memory_space<hbm>>
        %dma_start3A_894 = arith.constant 0 : i32
        %dma_start3A_895 = tpu.memref_slice %arg2[%select_n3A_631, %dma_start3A_894] : memref<26x16384xi32, #tpu.memory_space<hbm>> -> memref<1x16384xi32, #tpu.memory_space<hbm>>
        %dma_start3A_896 = tpu.memref_squeeze %dma_start3A_895 : memref<1x16384xi32, #tpu.memory_space<hbm>> -> memref<16384xi32, #tpu.memory_space<hbm>>
        tpu.enqueue_dma source(%dma_start3A_896 : memref<16384xi32, #tpu.memory_space<hbm>>) target(%arg5 : memref<16384xi32, #tpu.memory_space<vmem>>) target_semaphore(%run_scoped3A : memref<!tpu.dma_semaphore, #tpu.memory_space<semaphore_mem>>)
        %dma_wait3A = arith.constant 0 : i32
        %dma_wait3A_897 = tpu.memref_slice %arg2[%select_n3A_631, %dma_wait3A] : memref<26x16384xi32, #tpu.memory_space<hbm>> -> memref<1x16384xi32, #tpu.memory_space<hbm>>
        %dma_wait3A_898 = tpu.memref_squeeze %dma_wait3A_897 : memref<1x16384xi32, #tpu.memory_space<hbm>> -> memref<16384xi32, #tpu.memory_space<hbm>>
        %dma_wait3A_899 = arith.constant 0 : i32
        %dma_wait3A_900 = tpu.memref_slice %arg2[%select_n3A_631, %dma_wait3A_899] : memref<26x16384xi32, #tpu.memory_space<hbm>> -> memref<1x16384xi32, #tpu.memory_space<hbm>>
        %dma_wait3A_901 = tpu.memref_squeeze %dma_wait3A_900 : memref<1x16384xi32, #tpu.memory_space<hbm>> -> memref<16384xi32, #tpu.memory_space<hbm>>
        tpu.wait_dma2 semaphore(%run_scoped3A : memref<!tpu.dma_semaphore, #tpu.memory_space<semaphore_mem>>) src(%dma_wait3A_901 : memref<16384xi32, #tpu.memory_space<hbm>>) dst(%arg5 : memref<16384xi32, #tpu.memory_space<vmem>>)
        tpu.yield
      }) : () -> ()
    } else {
    }
    "tpu.region"() ({
      %run_scoped3A = tpu.sem_alloc : memref<!tpu.dma_semaphore, #tpu.memory_space<semaphore_mem>>
      %dma_start3A = arith.constant 0 : i32
      %dma_start3A_892 = tpu.memref_slice %arg3[%add3A_607, %dma_start3A] : memref<416x100000xf32, #tpu.memory_space<hbm>> -> memref<1x100000xf32, #tpu.memory_space<hbm>>
      %dma_start3A_893 = tpu.memref_squeeze %dma_start3A_892 : memref<1x100000xf32, #tpu.memory_space<hbm>> -> memref<100000xf32, #tpu.memory_space<hbm>>
      %dma_start3A_894 = arith.constant 0 : i32
      %dma_start3A_895 = tpu.memref_slice %arg3[%add3A_607, %dma_start3A_894] : memref<416x100000xf32, #tpu.memory_space<hbm>> -> memref<1x100000xf32, #tpu.memory_space<hbm>>
      %dma_start3A_896 = tpu.memref_squeeze %dma_start3A_895 : memref<1x100000xf32, #tpu.memory_space<hbm>> -> memref<100000xf32, #tpu.memory_space<hbm>>
      tpu.enqueue_dma source(%dma_start3A_896 : memref<100000xf32, #tpu.memory_space<hbm>>) target(%arg6 : memref<100000xf32, #tpu.memory_space<vmem>>) target_semaphore(%run_scoped3A : memref<!tpu.dma_semaphore, #tpu.memory_space<semaphore_mem>>)
      %dma_wait3A = arith.constant 0 : i32
      %dma_wait3A_897 = tpu.memref_slice %arg3[%add3A_607, %dma_wait3A] : memref<416x100000xf32, #tpu.memory_space<hbm>> -> memref<1x100000xf32, #tpu.memory_space<hbm>>
      %dma_wait3A_898 = tpu.memref_squeeze %dma_wait3A_897 : memref<1x100000xf32, #tpu.memory_space<hbm>> -> memref<100000xf32, #tpu.memory_space<hbm>>
      %dma_wait3A_899 = arith.constant 0 : i32
      %dma_wait3A_900 = tpu.memref_slice %arg3[%add3A_607, %dma_wait3A_899] : memref<416x100000xf32, #tpu.memory_space<hbm>> -> memref<1x100000xf32, #tpu.memory_space<hbm>>
      %dma_wait3A_901 = tpu.memref_squeeze %dma_wait3A_900 : memref<1x100000xf32, #tpu.memory_space<hbm>> -> memref<100000xf32, #tpu.memory_space<hbm>>
      tpu.wait_dma2 semaphore(%run_scoped3A : memref<!tpu.dma_semaphore, #tpu.memory_space<semaphore_mem>>) src(%dma_wait3A_901 : memref<100000xf32, #tpu.memory_space<hbm>>) dst(%arg6 : memref<100000xf32, #tpu.memory_space<vmem>>)
      tpu.yield
    }) : () -> ()
    %scan3A_666 = arith.constant 0 : i32
    %scan3A_667 = arith.constant 512 : i32
    %scan3A_668 = arith.addi %scan3A_666, %scan3A_667 : i32
    %scan3A_669 = arith.constant 1 : i32
    scf.for %scan3A_892 = %scan3A_666 to %scan3A_668 step %scan3A_669  : i32 {
      %mul3A_893 = arith.constant 1 : i32
      %mul3A_894 = arith.muli %scan3A_892, %mul3A_893 : i32
      %add3A_895 = arith.constant 0 : i32
      %add3A_896 = arith.addi %add3A_895, %mul3A_894 : i32
      %mul3A_897 = arith.constant 16 : i32
      %mul3A_898 = arith.muli %add3A_896, %mul3A_897 : i32
      %add3A_899 = arith.constant 0 : i32
      %add3A_900 = arith.addi %add3A_899, %mul3A_898 : i32
      %get3A = arith.index_cast %add3A_900 : i32 to index
      %get3A_901 = tpu.vector_load %arg5[%get3A] {strides = array<i32>} : memref<16384xi32, #tpu.memory_space<vmem>>, vector<16xi32>,
      %gather3A = tpu.vector_load_idx %arg6[%get3A_901] : memref<100000xf32, #tpu.memory_space<vmem>>[vector<16xi32>], vector<16xf32>,
      %mul3A_902 = arith.constant 16 : i32
      %mul3A_903 = arith.muli %add3A_896, %mul3A_902 : i32
      %swap3A = arith.index_cast %mul3A_903 : i32 to index
      %swap3A_904 = tpu.vector_load %arg7[%swap3A] {strides = array<i32>} : memref<8192xf32, #tpu.memory_space<vmem>>, vector<16xf32>,
      tpu.vector_store %arg7[%swap3A], %gather3A {strides = array<i32>} : memref<8192xf32, #tpu.memory_space<vmem>>, vector<16xf32>,
    }
    %scan3A_670 = arith.constant 512 : i32
    "tpu.region"() ({
      %run_scoped3A = tpu.sem_alloc : memref<!tpu.dma_semaphore, #tpu.memory_space<semaphore_mem>>
      %dma_start3A = arith.constant 0 : i32
      %dma_start3A_892 = tpu.memref_slice %arg4[%add3A_607, %dma_start3A] : memref<416x16384xf32, #tpu.memory_space<hbm>> -> memref<1x8192xf32, #tpu.memory_space<hbm>>
      %dma_start3A_893 = tpu.memref_squeeze %dma_start3A_892 : memref<1x8192xf32, #tpu.memory_space<hbm>> -> memref<8192xf32, #tpu.memory_space<hbm>>
      %dma_start3A_894 = arith.constant 0 : i32
      %dma_start3A_895 = tpu.memref_slice %arg4[%add3A_607, %dma_start3A_894] : memref<416x16384xf32, #tpu.memory_space<hbm>> -> memref<1x8192xf32, #tpu.memory_space<hbm>>
      %dma_start3A_896 = tpu.memref_squeeze %dma_start3A_895 : memref<1x8192xf32, #tpu.memory_space<hbm>> -> memref<8192xf32, #tpu.memory_space<hbm>>
      tpu.enqueue_dma source(%arg7 : memref<8192xf32, #tpu.memory_space<vmem>>) target(%dma_start3A_896 : memref<8192xf32, #tpu.memory_space<hbm>>) target_semaphore(%run_scoped3A : memref<!tpu.dma_semaphore, #tpu.memory_space<semaphore_mem>>)
      %dma_wait3A = arith.constant 0 : i32
      %dma_wait3A_897 = tpu.memref_slice %arg4[%add3A_607, %dma_wait3A] : memref<416x16384xf32, #tpu.memory_space<hbm>> -> memref<1x8192xf32, #tpu.memory_space<hbm>>
      %dma_wait3A_898 = tpu.memref_squeeze %dma_wait3A_897 : memref<1x8192xf32, #tpu.memory_space<hbm>> -> memref<8192xf32, #tpu.memory_space<hbm>>
      %dma_wait3A_899 = arith.constant 0 : i32
      %dma_wait3A_900 = tpu.memref_slice %arg4[%add3A_607, %dma_wait3A_899] : memref<416x16384xf32, #tpu.memory_space<hbm>> -> memref<1x8192xf32, #tpu.memory_space<hbm>>
      %dma_wait3A_901 = tpu.memref_squeeze %dma_wait3A_900 : memref<1x8192xf32, #tpu.memory_space<hbm>> -> memref<8192xf32, #tpu.memory_space<hbm>>
      tpu.wait_dma2 semaphore(%run_scoped3A : memref<!tpu.dma_semaphore, #tpu.memory_space<semaphore_mem>>) src(%arg7 : memref<8192xf32, #tpu.memory_space<vmem>>) dst(%dma_wait3A_901 : memref<8192xf32, #tpu.memory_space<hbm>>)
      tpu.yield
    }) : () -> ()
    %scan3A_671 = arith.constant 0 : i32
    %scan3A_672 = arith.constant 512 : i32
    %scan3A_673 = arith.addi %scan3A_671, %scan3A_672 : i32
    %scan3A_674 = arith.constant 1 : i32
    scf.for %scan3A_892 = %scan3A_671 to %scan3A_673 step %scan3A_674  : i32 {
      %mul3A_893 = arith.constant 1 : i32
      %mul3A_894 = arith.muli %scan3A_892, %mul3A_893 : i32
      %add3A_895 = arith.constant 0 : i32
      %add3A_896 = arith.addi %add3A_895, %mul3A_894 : i32
      %mul3A_897 = arith.constant 16 : i32
      %mul3A_898 = arith.muli %add3A_896, %mul3A_897 : i32
      %add3A_899 = arith.constant 8192 : i32
      %add3A_900 = arith.addi %add3A_899, %mul3A_898 : i32
      %get3A = arith.index_cast %add3A_900 : i32 to index
      %get3A_901 = tpu.vector_load %arg5[%get3A] {strides = array<i32>} : memref<16384xi32, #tpu.memory_space<vmem>>, vector<16xi32>,
      %gather3A = tpu.vector_load_idx %arg6[%get3A_901] : memref<100000xf32, #tpu.memory_space<vmem>>[vector<16xi32>], vector<16xf32>,
      %mul3A_902 = arith.constant 16 : i32
      %mul3A_903 = arith.muli %add3A_896, %mul3A_902 : i32
      %swap3A = arith.index_cast %mul3A_903 : i32 to index
      %swap3A_904 = tpu.vector_load %arg7[%swap3A] {strides = array<i32>} : memref<8192xf32, #tpu.memory_space<vmem>>, vector<16xf32>,
      tpu.vector_store %arg7[%swap3A], %gather3A {strides = array<i32>} : memref<8192xf32, #tpu.memory_space<vmem>>, vector<16xf32>,
    }
    %scan3A_675 = arith.constant 512 : i32
    "tpu.region"() ({
      %run_scoped3A = tpu.sem_alloc : memref<!tpu.dma_semaphore, #tpu.memory_space<semaphore_mem>>
      %dma_start3A = arith.constant 8192 : i32
      %dma_start3A_892 = tpu.memref_slice %arg4[%add3A_607, %dma_start3A] : memref<416x16384xf32, #tpu.memory_space<hbm>> -> memref<1x8192xf32, #tpu.memory_space<hbm>>
      %dma_start3A_893 = tpu.memref_squeeze %dma_start3A_892 : memref<1x8192xf32, #tpu.memory_space<hbm>> -> memref<8192xf32, #tpu.memory_space<hbm>>
      %dma_start3A_894 = arith.constant 8192 : i32
      %dma_start3A_895 = tpu.memref_slice %arg4[%add3A_607, %dma_start3A_894] : memref<416x16384xf32, #tpu.memory_space<hbm>> -> memref<1x8192xf32, #tpu.memory_space<hbm>>
      %dma_start3A_896 = tpu.memref_squeeze %dma_start3A_895 : memref<1x8192xf32, #tpu.memory_space<hbm>> -> memref<8192xf32, #tpu.memory_space<hbm>>
      tpu.enqueue_dma source(%arg7 : memref<8192xf32, #tpu.memory_space<vmem>>) target(%dma_start3A_896 : memref<8192xf32, #tpu.memory_space<hbm>>) target_semaphore(%run_scoped3A : memref<!tpu.dma_semaphore, #tpu.memory_space<semaphore_mem>>)
      %dma_wait3A = arith.constant 8192 : i32
      %dma_wait3A_897 = tpu.memref_slice %arg4[%add3A_607, %dma_wait3A] : memref<416x16384xf32, #tpu.memory_space<hbm>> -> memref<1x8192xf32, #tpu.memory_space<hbm>>
      %dma_wait3A_898 = tpu.memref_squeeze %dma_wait3A_897 : memref<1x8192xf32, #tpu.memory_space<hbm>> -> memref<8192xf32, #tpu.memory_space<hbm>>
      %dma_wait3A_899 = arith.constant 8192 : i32
      %dma_wait3A_900 = tpu.memref_slice %arg4[%add3A_607, %dma_wait3A_899] : memref<416x16384xf32, #tpu.memory_space<hbm>> -> memref<1x8192xf32, #tpu.memory_space<hbm>>
      %dma_wait3A_901 = tpu.memref_squeeze %dma_wait3A_900 : memref<1x8192xf32, #tpu.memory_space<hbm>> -> memref<8192xf32, #tpu.memory_space<hbm>>
      tpu.wait_dma2 semaphore(%run_scoped3A : memref<!tpu.dma_semaphore, #tpu.memory_space<semaphore_mem>>) src(%arg7 : memref<8192xf32, #tpu.memory_space<vmem>>) dst(%dma_wait3A_901 : memref<8192xf32, #tpu.memory_space<hbm>>)
      tpu.yield
    }) : () -> ()
    %mul3A_676 = arith.constant 13 : i32
    %mul3A_677 = arith.muli %add3A, %mul3A_676 : i32
    %add3A_678 = arith.constant 10 : i32
    %add3A_679 = arith.addi %mul3A_677, %add3A_678 : i32
    %jit3A_680 = arith.constant 16 : i32
    %div3A_681 = arith.divsi %add3A_679, %jit3A_680 : i32
    %sign3A_682 = arith.constant 0 : i32
    %sign3A_683 = arith.cmpi sgt, %add3A_679, %sign3A_682 : i32
    %sign3A_684 = arith.extui %sign3A_683 : i1 to i32
    %sign3A_685 = arith.constant 0 : i32
    %sign3A_686 = arith.cmpi slt, %add3A_679, %sign3A_685 : i32
    %sign3A_687 = arith.extui %sign3A_686 : i1 to i32
    %sign3A_688 = arith.subi %sign3A_684, %sign3A_687 : i32
    %sign3A_689 = arith.constant 0 : i32
    %sign3A_690 = arith.cmpi sgt, %jit3A_680, %sign3A_689 : i32
    %sign3A_691 = arith.extui %sign3A_690 : i1 to i32
    %sign3A_692 = arith.constant 0 : i32
    %sign3A_693 = arith.cmpi slt, %jit3A_680, %sign3A_692 : i32
    %sign3A_694 = arith.extui %sign3A_693 : i1 to i32
    %sign3A_695 = arith.subi %sign3A_691, %sign3A_694 : i32
    %ne3A_696 = arith.cmpi ne, %sign3A_688, %sign3A_695 : i32
    %rem3A_697 = arith.remsi %add3A_679, %jit3A_680 : i32
    %ne3A_698 = arith.constant 0 : i32
    %ne3A_699 = arith.cmpi ne, %rem3A_697, %ne3A_698 : i32
    %and3A_700 = arith.andi %ne3A_696, %ne3A_699 : i1
    %sub3A_701 = arith.constant 1 : i32
    %sub3A_702 = arith.subi %div3A_681, %sub3A_701 : i32
    %select_n3A_703 = arith.select %and3A_700, %sub3A_702, %div3A_681 : i32
    %mul3A_704 = arith.constant 13 : i32
    %mul3A_705 = arith.muli %add3A, %mul3A_704 : i32
    %add3A_706 = arith.constant 10 : i32
    %add3A_707 = arith.addi %mul3A_705, %add3A_706 : i32
    %sub3A_708 = arith.constant 1 : i32
    %sub3A_709 = arith.subi %add3A_707, %sub3A_708 : i32
    %jit3A_710 = arith.constant 16 : i32
    %div3A_711 = arith.divsi %sub3A_709, %jit3A_710 : i32
    %sign3A_712 = arith.constant 0 : i32
    %sign3A_713 = arith.cmpi sgt, %sub3A_709, %sign3A_712 : i32
    %sign3A_714 = arith.extui %sign3A_713 : i1 to i32
    %sign3A_715 = arith.constant 0 : i32
    %sign3A_716 = arith.cmpi slt, %sub3A_709, %sign3A_715 : i32
    %sign3A_717 = arith.extui %sign3A_716 : i1 to i32
    %sign3A_718 = arith.subi %sign3A_714, %sign3A_717 : i32
    %sign3A_719 = arith.constant 0 : i32
    %sign3A_720 = arith.cmpi sgt, %jit3A_710, %sign3A_719 : i32
    %sign3A_721 = arith.extui %sign3A_720 : i1 to i32
    %sign3A_722 = arith.constant 0 : i32
    %sign3A_723 = arith.cmpi slt, %jit3A_710, %sign3A_722 : i32
    %sign3A_724 = arith.extui %sign3A_723 : i1 to i32
    %sign3A_725 = arith.subi %sign3A_721, %sign3A_724 : i32
    %ne3A_726 = arith.cmpi ne, %sign3A_718, %sign3A_725 : i32
    %rem3A_727 = arith.remsi %sub3A_709, %jit3A_710 : i32
    %ne3A_728 = arith.constant 0 : i32
    %ne3A_729 = arith.cmpi ne, %rem3A_727, %ne3A_728 : i32
    %and3A_730 = arith.andi %ne3A_726, %ne3A_729 : i1
    %sub3A_731 = arith.constant 1 : i32
    %sub3A_732 = arith.subi %div3A_711, %sub3A_731 : i32
    %select_n3A_733 = arith.select %and3A_730, %sub3A_732, %div3A_711 : i32
    %ne3A_734 = arith.cmpi ne, %select_n3A_703, %select_n3A_733 : i32
    %convert_element_type3A_735 = arith.extui %ne3A_734 : i1 to i32
    %cond3A_736 = arith.constant 0 : i32
    %cond3A_737 = arith.cmpi ne, %convert_element_type3A_735, %cond3A_736 : i32
    scf.if %cond3A_737 {
      "tpu.region"() ({
        %run_scoped3A = tpu.sem_alloc : memref<!tpu.dma_semaphore, #tpu.memory_space<semaphore_mem>>
        %dma_start3A = arith.constant 0 : i32
        %dma_start3A_892 = tpu.memref_slice %arg2[%select_n3A_703, %dma_start3A] : memref<26x16384xi32, #tpu.memory_space<hbm>> -> memref<1x16384xi32, #tpu.memory_space<hbm>>
        %dma_start3A_893 = tpu.memref_squeeze %dma_start3A_892 : memref<1x16384xi32, #tpu.memory_space<hbm>> -> memref<16384xi32, #tpu.memory_space<hbm>>
        %dma_start3A_894 = arith.constant 0 : i32
        %dma_start3A_895 = tpu.memref_slice %arg2[%select_n3A_703, %dma_start3A_894] : memref<26x16384xi32, #tpu.memory_space<hbm>> -> memref<1x16384xi32, #tpu.memory_space<hbm>>
        %dma_start3A_896 = tpu.memref_squeeze %dma_start3A_895 : memref<1x16384xi32, #tpu.memory_space<hbm>> -> memref<16384xi32, #tpu.memory_space<hbm>>
        tpu.enqueue_dma source(%dma_start3A_896 : memref<16384xi32, #tpu.memory_space<hbm>>) target(%arg5 : memref<16384xi32, #tpu.memory_space<vmem>>) target_semaphore(%run_scoped3A : memref<!tpu.dma_semaphore, #tpu.memory_space<semaphore_mem>>)
        %dma_wait3A = arith.constant 0 : i32
        %dma_wait3A_897 = tpu.memref_slice %arg2[%select_n3A_703, %dma_wait3A] : memref<26x16384xi32, #tpu.memory_space<hbm>> -> memref<1x16384xi32, #tpu.memory_space<hbm>>
        %dma_wait3A_898 = tpu.memref_squeeze %dma_wait3A_897 : memref<1x16384xi32, #tpu.memory_space<hbm>> -> memref<16384xi32, #tpu.memory_space<hbm>>
        %dma_wait3A_899 = arith.constant 0 : i32
        %dma_wait3A_900 = tpu.memref_slice %arg2[%select_n3A_703, %dma_wait3A_899] : memref<26x16384xi32, #tpu.memory_space<hbm>> -> memref<1x16384xi32, #tpu.memory_space<hbm>>
        %dma_wait3A_901 = tpu.memref_squeeze %dma_wait3A_900 : memref<1x16384xi32, #tpu.memory_space<hbm>> -> memref<16384xi32, #tpu.memory_space<hbm>>
        tpu.wait_dma2 semaphore(%run_scoped3A : memref<!tpu.dma_semaphore, #tpu.memory_space<semaphore_mem>>) src(%dma_wait3A_901 : memref<16384xi32, #tpu.memory_space<hbm>>) dst(%arg5 : memref<16384xi32, #tpu.memory_space<vmem>>)
        tpu.yield
      }) : () -> ()
    } else {
    }
    "tpu.region"() ({
      %run_scoped3A = tpu.sem_alloc : memref<!tpu.dma_semaphore, #tpu.memory_space<semaphore_mem>>
      %dma_start3A = arith.constant 0 : i32
      %dma_start3A_892 = tpu.memref_slice %arg3[%add3A_679, %dma_start3A] : memref<416x100000xf32, #tpu.memory_space<hbm>> -> memref<1x100000xf32, #tpu.memory_space<hbm>>
      %dma_start3A_893 = tpu.memref_squeeze %dma_start3A_892 : memref<1x100000xf32, #tpu.memory_space<hbm>> -> memref<100000xf32, #tpu.memory_space<hbm>>
      %dma_start3A_894 = arith.constant 0 : i32
      %dma_start3A_895 = tpu.memref_slice %arg3[%add3A_679, %dma_start3A_894] : memref<416x100000xf32, #tpu.memory_space<hbm>> -> memref<1x100000xf32, #tpu.memory_space<hbm>>
      %dma_start3A_896 = tpu.memref_squeeze %dma_start3A_895 : memref<1x100000xf32, #tpu.memory_space<hbm>> -> memref<100000xf32, #tpu.memory_space<hbm>>
      tpu.enqueue_dma source(%dma_start3A_896 : memref<100000xf32, #tpu.memory_space<hbm>>) target(%arg6 : memref<100000xf32, #tpu.memory_space<vmem>>) target_semaphore(%run_scoped3A : memref<!tpu.dma_semaphore, #tpu.memory_space<semaphore_mem>>)
      %dma_wait3A = arith.constant 0 : i32
      %dma_wait3A_897 = tpu.memref_slice %arg3[%add3A_679, %dma_wait3A] : memref<416x100000xf32, #tpu.memory_space<hbm>> -> memref<1x100000xf32, #tpu.memory_space<hbm>>
      %dma_wait3A_898 = tpu.memref_squeeze %dma_wait3A_897 : memref<1x100000xf32, #tpu.memory_space<hbm>> -> memref<100000xf32, #tpu.memory_space<hbm>>
      %dma_wait3A_899 = arith.constant 0 : i32
      %dma_wait3A_900 = tpu.memref_slice %arg3[%add3A_679, %dma_wait3A_899] : memref<416x100000xf32, #tpu.memory_space<hbm>> -> memref<1x100000xf32, #tpu.memory_space<hbm>>
      %dma_wait3A_901 = tpu.memref_squeeze %dma_wait3A_900 : memref<1x100000xf32, #tpu.memory_space<hbm>> -> memref<100000xf32, #tpu.memory_space<hbm>>
      tpu.wait_dma2 semaphore(%run_scoped3A : memref<!tpu.dma_semaphore, #tpu.memory_space<semaphore_mem>>) src(%dma_wait3A_901 : memref<100000xf32, #tpu.memory_space<hbm>>) dst(%arg6 : memref<100000xf32, #tpu.memory_space<vmem>>)
      tpu.yield
    }) : () -> ()
    %scan3A_738 = arith.constant 0 : i32
    %scan3A_739 = arith.constant 512 : i32
    %scan3A_740 = arith.addi %scan3A_738, %scan3A_739 : i32
    %scan3A_741 = arith.constant 1 : i32
    scf.for %scan3A_892 = %scan3A_738 to %scan3A_740 step %scan3A_741  : i32 {
      %mul3A_893 = arith.constant 1 : i32
      %mul3A_894 = arith.muli %scan3A_892, %mul3A_893 : i32
      %add3A_895 = arith.constant 0 : i32
      %add3A_896 = arith.addi %add3A_895, %mul3A_894 : i32
      %mul3A_897 = arith.constant 16 : i32
      %mul3A_898 = arith.muli %add3A_896, %mul3A_897 : i32
      %add3A_899 = arith.constant 0 : i32
      %add3A_900 = arith.addi %add3A_899, %mul3A_898 : i32
      %get3A = arith.index_cast %add3A_900 : i32 to index
      %get3A_901 = tpu.vector_load %arg5[%get3A] {strides = array<i32>} : memref<16384xi32, #tpu.memory_space<vmem>>, vector<16xi32>,
      %gather3A = tpu.vector_load_idx %arg6[%get3A_901] : memref<100000xf32, #tpu.memory_space<vmem>>[vector<16xi32>], vector<16xf32>,
      %mul3A_902 = arith.constant 16 : i32
      %mul3A_903 = arith.muli %add3A_896, %mul3A_902 : i32
      %swap3A = arith.index_cast %mul3A_903 : i32 to index
      %swap3A_904 = tpu.vector_load %arg7[%swap3A] {strides = array<i32>} : memref<8192xf32, #tpu.memory_space<vmem>>, vector<16xf32>,
      tpu.vector_store %arg7[%swap3A], %gather3A {strides = array<i32>} : memref<8192xf32, #tpu.memory_space<vmem>>, vector<16xf32>,
    }
    %scan3A_742 = arith.constant 512 : i32
    "tpu.region"() ({
      %run_scoped3A = tpu.sem_alloc : memref<!tpu.dma_semaphore, #tpu.memory_space<semaphore_mem>>
      %dma_start3A = arith.constant 0 : i32
      %dma_start3A_892 = tpu.memref_slice %arg4[%add3A_679, %dma_start3A] : memref<416x16384xf32, #tpu.memory_space<hbm>> -> memref<1x8192xf32, #tpu.memory_space<hbm>>
      %dma_start3A_893 = tpu.memref_squeeze %dma_start3A_892 : memref<1x8192xf32, #tpu.memory_space<hbm>> -> memref<8192xf32, #tpu.memory_space<hbm>>
      %dma_start3A_894 = arith.constant 0 : i32
      %dma_start3A_895 = tpu.memref_slice %arg4[%add3A_679, %dma_start3A_894] : memref<416x16384xf32, #tpu.memory_space<hbm>> -> memref<1x8192xf32, #tpu.memory_space<hbm>>
      %dma_start3A_896 = tpu.memref_squeeze %dma_start3A_895 : memref<1x8192xf32, #tpu.memory_space<hbm>> -> memref<8192xf32, #tpu.memory_space<hbm>>
      tpu.enqueue_dma source(%arg7 : memref<8192xf32, #tpu.memory_space<vmem>>) target(%dma_start3A_896 : memref<8192xf32, #tpu.memory_space<hbm>>) target_semaphore(%run_scoped3A : memref<!tpu.dma_semaphore, #tpu.memory_space<semaphore_mem>>)
      %dma_wait3A = arith.constant 0 : i32
      %dma_wait3A_897 = tpu.memref_slice %arg4[%add3A_679, %dma_wait3A] : memref<416x16384xf32, #tpu.memory_space<hbm>> -> memref<1x8192xf32, #tpu.memory_space<hbm>>
      %dma_wait3A_898 = tpu.memref_squeeze %dma_wait3A_897 : memref<1x8192xf32, #tpu.memory_space<hbm>> -> memref<8192xf32, #tpu.memory_space<hbm>>
      %dma_wait3A_899 = arith.constant 0 : i32
      %dma_wait3A_900 = tpu.memref_slice %arg4[%add3A_679, %dma_wait3A_899] : memref<416x16384xf32, #tpu.memory_space<hbm>> -> memref<1x8192xf32, #tpu.memory_space<hbm>>
      %dma_wait3A_901 = tpu.memref_squeeze %dma_wait3A_900 : memref<1x8192xf32, #tpu.memory_space<hbm>> -> memref<8192xf32, #tpu.memory_space<hbm>>
      tpu.wait_dma2 semaphore(%run_scoped3A : memref<!tpu.dma_semaphore, #tpu.memory_space<semaphore_mem>>) src(%arg7 : memref<8192xf32, #tpu.memory_space<vmem>>) dst(%dma_wait3A_901 : memref<8192xf32, #tpu.memory_space<hbm>>)
      tpu.yield
    }) : () -> ()
    %scan3A_743 = arith.constant 0 : i32
    %scan3A_744 = arith.constant 512 : i32
    %scan3A_745 = arith.addi %scan3A_743, %scan3A_744 : i32
    %scan3A_746 = arith.constant 1 : i32
    scf.for %scan3A_892 = %scan3A_743 to %scan3A_745 step %scan3A_746  : i32 {
      %mul3A_893 = arith.constant 1 : i32
      %mul3A_894 = arith.muli %scan3A_892, %mul3A_893 : i32
      %add3A_895 = arith.constant 0 : i32
      %add3A_896 = arith.addi %add3A_895, %mul3A_894 : i32
      %mul3A_897 = arith.constant 16 : i32
      %mul3A_898 = arith.muli %add3A_896, %mul3A_897 : i32
      %add3A_899 = arith.constant 8192 : i32
      %add3A_900 = arith.addi %add3A_899, %mul3A_898 : i32
      %get3A = arith.index_cast %add3A_900 : i32 to index
      %get3A_901 = tpu.vector_load %arg5[%get3A] {strides = array<i32>} : memref<16384xi32, #tpu.memory_space<vmem>>, vector<16xi32>,
      %gather3A = tpu.vector_load_idx %arg6[%get3A_901] : memref<100000xf32, #tpu.memory_space<vmem>>[vector<16xi32>], vector<16xf32>,
      %mul3A_902 = arith.constant 16 : i32
      %mul3A_903 = arith.muli %add3A_896, %mul3A_902 : i32
      %swap3A = arith.index_cast %mul3A_903 : i32 to index
      %swap3A_904 = tpu.vector_load %arg7[%swap3A] {strides = array<i32>} : memref<8192xf32, #tpu.memory_space<vmem>>, vector<16xf32>,
      tpu.vector_store %arg7[%swap3A], %gather3A {strides = array<i32>} : memref<8192xf32, #tpu.memory_space<vmem>>, vector<16xf32>,
    }
    %scan3A_747 = arith.constant 512 : i32
    "tpu.region"() ({
      %run_scoped3A = tpu.sem_alloc : memref<!tpu.dma_semaphore, #tpu.memory_space<semaphore_mem>>
      %dma_start3A = arith.constant 8192 : i32
      %dma_start3A_892 = tpu.memref_slice %arg4[%add3A_679, %dma_start3A] : memref<416x16384xf32, #tpu.memory_space<hbm>> -> memref<1x8192xf32, #tpu.memory_space<hbm>>
      %dma_start3A_893 = tpu.memref_squeeze %dma_start3A_892 : memref<1x8192xf32, #tpu.memory_space<hbm>> -> memref<8192xf32, #tpu.memory_space<hbm>>
      %dma_start3A_894 = arith.constant 8192 : i32
      %dma_start3A_895 = tpu.memref_slice %arg4[%add3A_679, %dma_start3A_894] : memref<416x16384xf32, #tpu.memory_space<hbm>> -> memref<1x8192xf32, #tpu.memory_space<hbm>>
      %dma_start3A_896 = tpu.memref_squeeze %dma_start3A_895 : memref<1x8192xf32, #tpu.memory_space<hbm>> -> memref<8192xf32, #tpu.memory_space<hbm>>
      tpu.enqueue_dma source(%arg7 : memref<8192xf32, #tpu.memory_space<vmem>>) target(%dma_start3A_896 : memref<8192xf32, #tpu.memory_space<hbm>>) target_semaphore(%run_scoped3A : memref<!tpu.dma_semaphore, #tpu.memory_space<semaphore_mem>>)
      %dma_wait3A = arith.constant 8192 : i32
      %dma_wait3A_897 = tpu.memref_slice %arg4[%add3A_679, %dma_wait3A] : memref<416x16384xf32, #tpu.memory_space<hbm>> -> memref<1x8192xf32, #tpu.memory_space<hbm>>
      %dma_wait3A_898 = tpu.memref_squeeze %dma_wait3A_897 : memref<1x8192xf32, #tpu.memory_space<hbm>> -> memref<8192xf32, #tpu.memory_space<hbm>>
      %dma_wait3A_899 = arith.constant 8192 : i32
      %dma_wait3A_900 = tpu.memref_slice %arg4[%add3A_679, %dma_wait3A_899] : memref<416x16384xf32, #tpu.memory_space<hbm>> -> memref<1x8192xf32, #tpu.memory_space<hbm>>
      %dma_wait3A_901 = tpu.memref_squeeze %dma_wait3A_900 : memref<1x8192xf32, #tpu.memory_space<hbm>> -> memref<8192xf32, #tpu.memory_space<hbm>>
      tpu.wait_dma2 semaphore(%run_scoped3A : memref<!tpu.dma_semaphore, #tpu.memory_space<semaphore_mem>>) src(%arg7 : memref<8192xf32, #tpu.memory_space<vmem>>) dst(%dma_wait3A_901 : memref<8192xf32, #tpu.memory_space<hbm>>)
      tpu.yield
    }) : () -> ()
    %mul3A_748 = arith.constant 13 : i32
    %mul3A_749 = arith.muli %add3A, %mul3A_748 : i32
    %add3A_750 = arith.constant 11 : i32
    %add3A_751 = arith.addi %mul3A_749, %add3A_750 : i32
    %jit3A_752 = arith.constant 16 : i32
    %div3A_753 = arith.divsi %add3A_751, %jit3A_752 : i32
    %sign3A_754 = arith.constant 0 : i32
    %sign3A_755 = arith.cmpi sgt, %add3A_751, %sign3A_754 : i32
    %sign3A_756 = arith.extui %sign3A_755 : i1 to i32
    %sign3A_757 = arith.constant 0 : i32
    %sign3A_758 = arith.cmpi slt, %add3A_751, %sign3A_757 : i32
    %sign3A_759 = arith.extui %sign3A_758 : i1 to i32
    %sign3A_760 = arith.subi %sign3A_756, %sign3A_759 : i32
    %sign3A_761 = arith.constant 0 : i32
    %sign3A_762 = arith.cmpi sgt, %jit3A_752, %sign3A_761 : i32
    %sign3A_763 = arith.extui %sign3A_762 : i1 to i32
    %sign3A_764 = arith.constant 0 : i32
    %sign3A_765 = arith.cmpi slt, %jit3A_752, %sign3A_764 : i32
    %sign3A_766 = arith.extui %sign3A_765 : i1 to i32
    %sign3A_767 = arith.subi %sign3A_763, %sign3A_766 : i32
    %ne3A_768 = arith.cmpi ne, %sign3A_760, %sign3A_767 : i32
    %rem3A_769 = arith.remsi %add3A_751, %jit3A_752 : i32
    %ne3A_770 = arith.constant 0 : i32
    %ne3A_771 = arith.cmpi ne, %rem3A_769, %ne3A_770 : i32
    %and3A_772 = arith.andi %ne3A_768, %ne3A_771 : i1
    %sub3A_773 = arith.constant 1 : i32
    %sub3A_774 = arith.subi %div3A_753, %sub3A_773 : i32
    %select_n3A_775 = arith.select %and3A_772, %sub3A_774, %div3A_753 : i32
    %mul3A_776 = arith.constant 13 : i32
    %mul3A_777 = arith.muli %add3A, %mul3A_776 : i32
    %add3A_778 = arith.constant 11 : i32
    %add3A_779 = arith.addi %mul3A_777, %add3A_778 : i32
    %sub3A_780 = arith.constant 1 : i32
    %sub3A_781 = arith.subi %add3A_779, %sub3A_780 : i32
    %jit3A_782 = arith.constant 16 : i32
    %div3A_783 = arith.divsi %sub3A_781, %jit3A_782 : i32
    %sign3A_784 = arith.constant 0 : i32
    %sign3A_785 = arith.cmpi sgt, %sub3A_781, %sign3A_784 : i32
    %sign3A_786 = arith.extui %sign3A_785 : i1 to i32
    %sign3A_787 = arith.constant 0 : i32
    %sign3A_788 = arith.cmpi slt, %sub3A_781, %sign3A_787 : i32
    %sign3A_789 = arith.extui %sign3A_788 : i1 to i32
    %sign3A_790 = arith.subi %sign3A_786, %sign3A_789 : i32
    %sign3A_791 = arith.constant 0 : i32
    %sign3A_792 = arith.cmpi sgt, %jit3A_782, %sign3A_791 : i32
    %sign3A_793 = arith.extui %sign3A_792 : i1 to i32
    %sign3A_794 = arith.constant 0 : i32
    %sign3A_795 = arith.cmpi slt, %jit3A_782, %sign3A_794 : i32
    %sign3A_796 = arith.extui %sign3A_795 : i1 to i32
    %sign3A_797 = arith.subi %sign3A_793, %sign3A_796 : i32
    %ne3A_798 = arith.cmpi ne, %sign3A_790, %sign3A_797 : i32
    %rem3A_799 = arith.remsi %sub3A_781, %jit3A_782 : i32
    %ne3A_800 = arith.constant 0 : i32
    %ne3A_801 = arith.cmpi ne, %rem3A_799, %ne3A_800 : i32
    %and3A_802 = arith.andi %ne3A_798, %ne3A_801 : i1
    %sub3A_803 = arith.constant 1 : i32
    %sub3A_804 = arith.subi %div3A_783, %sub3A_803 : i32
    %select_n3A_805 = arith.select %and3A_802, %sub3A_804, %div3A_783 : i32
    %ne3A_806 = arith.cmpi ne, %select_n3A_775, %select_n3A_805 : i32
    %convert_element_type3A_807 = arith.extui %ne3A_806 : i1 to i32
    %cond3A_808 = arith.constant 0 : i32
    %cond3A_809 = arith.cmpi ne, %convert_element_type3A_807, %cond3A_808 : i32
    scf.if %cond3A_809 {
      "tpu.region"() ({
        %run_scoped3A = tpu.sem_alloc : memref<!tpu.dma_semaphore, #tpu.memory_space<semaphore_mem>>
        %dma_start3A = arith.constant 0 : i32
        %dma_start3A_892 = tpu.memref_slice %arg2[%select_n3A_775, %dma_start3A] : memref<26x16384xi32, #tpu.memory_space<hbm>> -> memref<1x16384xi32, #tpu.memory_space<hbm>>
        %dma_start3A_893 = tpu.memref_squeeze %dma_start3A_892 : memref<1x16384xi32, #tpu.memory_space<hbm>> -> memref<16384xi32, #tpu.memory_space<hbm>>
        %dma_start3A_894 = arith.constant 0 : i32
        %dma_start3A_895 = tpu.memref_slice %arg2[%select_n3A_775, %dma_start3A_894] : memref<26x16384xi32, #tpu.memory_space<hbm>> -> memref<1x16384xi32, #tpu.memory_space<hbm>>
        %dma_start3A_896 = tpu.memref_squeeze %dma_start3A_895 : memref<1x16384xi32, #tpu.memory_space<hbm>> -> memref<16384xi32, #tpu.memory_space<hbm>>
        tpu.enqueue_dma source(%dma_start3A_896 : memref<16384xi32, #tpu.memory_space<hbm>>) target(%arg5 : memref<16384xi32, #tpu.memory_space<vmem>>) target_semaphore(%run_scoped3A : memref<!tpu.dma_semaphore, #tpu.memory_space<semaphore_mem>>)
        %dma_wait3A = arith.constant 0 : i32
        %dma_wait3A_897 = tpu.memref_slice %arg2[%select_n3A_775, %dma_wait3A] : memref<26x16384xi32, #tpu.memory_space<hbm>> -> memref<1x16384xi32, #tpu.memory_space<hbm>>
        %dma_wait3A_898 = tpu.memref_squeeze %dma_wait3A_897 : memref<1x16384xi32, #tpu.memory_space<hbm>> -> memref<16384xi32, #tpu.memory_space<hbm>>
        %dma_wait3A_899 = arith.constant 0 : i32
        %dma_wait3A_900 = tpu.memref_slice %arg2[%select_n3A_775, %dma_wait3A_899] : memref<26x16384xi32, #tpu.memory_space<hbm>> -> memref<1x16384xi32, #tpu.memory_space<hbm>>
        %dma_wait3A_901 = tpu.memref_squeeze %dma_wait3A_900 : memref<1x16384xi32, #tpu.memory_space<hbm>> -> memref<16384xi32, #tpu.memory_space<hbm>>
        tpu.wait_dma2 semaphore(%run_scoped3A : memref<!tpu.dma_semaphore, #tpu.memory_space<semaphore_mem>>) src(%dma_wait3A_901 : memref<16384xi32, #tpu.memory_space<hbm>>) dst(%arg5 : memref<16384xi32, #tpu.memory_space<vmem>>)
        tpu.yield
      }) : () -> ()
    } else {
    }
    "tpu.region"() ({
      %run_scoped3A = tpu.sem_alloc : memref<!tpu.dma_semaphore, #tpu.memory_space<semaphore_mem>>
      %dma_start3A = arith.constant 0 : i32
      %dma_start3A_892 = tpu.memref_slice %arg3[%add3A_751, %dma_start3A] : memref<416x100000xf32, #tpu.memory_space<hbm>> -> memref<1x100000xf32, #tpu.memory_space<hbm>>
      %dma_start3A_893 = tpu.memref_squeeze %dma_start3A_892 : memref<1x100000xf32, #tpu.memory_space<hbm>> -> memref<100000xf32, #tpu.memory_space<hbm>>
      %dma_start3A_894 = arith.constant 0 : i32
      %dma_start3A_895 = tpu.memref_slice %arg3[%add3A_751, %dma_start3A_894] : memref<416x100000xf32, #tpu.memory_space<hbm>> -> memref<1x100000xf32, #tpu.memory_space<hbm>>
      %dma_start3A_896 = tpu.memref_squeeze %dma_start3A_895 : memref<1x100000xf32, #tpu.memory_space<hbm>> -> memref<100000xf32, #tpu.memory_space<hbm>>
      tpu.enqueue_dma source(%dma_start3A_896 : memref<100000xf32, #tpu.memory_space<hbm>>) target(%arg6 : memref<100000xf32, #tpu.memory_space<vmem>>) target_semaphore(%run_scoped3A : memref<!tpu.dma_semaphore, #tpu.memory_space<semaphore_mem>>)
      %dma_wait3A = arith.constant 0 : i32
      %dma_wait3A_897 = tpu.memref_slice %arg3[%add3A_751, %dma_wait3A] : memref<416x100000xf32, #tpu.memory_space<hbm>> -> memref<1x100000xf32, #tpu.memory_space<hbm>>
      %dma_wait3A_898 = tpu.memref_squeeze %dma_wait3A_897 : memref<1x100000xf32, #tpu.memory_space<hbm>> -> memref<100000xf32, #tpu.memory_space<hbm>>
      %dma_wait3A_899 = arith.constant 0 : i32
      %dma_wait3A_900 = tpu.memref_slice %arg3[%add3A_751, %dma_wait3A_899] : memref<416x100000xf32, #tpu.memory_space<hbm>> -> memref<1x100000xf32, #tpu.memory_space<hbm>>
      %dma_wait3A_901 = tpu.memref_squeeze %dma_wait3A_900 : memref<1x100000xf32, #tpu.memory_space<hbm>> -> memref<100000xf32, #tpu.memory_space<hbm>>
      tpu.wait_dma2 semaphore(%run_scoped3A : memref<!tpu.dma_semaphore, #tpu.memory_space<semaphore_mem>>) src(%dma_wait3A_901 : memref<100000xf32, #tpu.memory_space<hbm>>) dst(%arg6 : memref<100000xf32, #tpu.memory_space<vmem>>)
      tpu.yield
    }) : () -> ()
    %scan3A_810 = arith.constant 0 : i32
    %scan3A_811 = arith.constant 512 : i32
    %scan3A_812 = arith.addi %scan3A_810, %scan3A_811 : i32
    %scan3A_813 = arith.constant 1 : i32
    scf.for %scan3A_892 = %scan3A_810 to %scan3A_812 step %scan3A_813  : i32 {
      %mul3A_893 = arith.constant 1 : i32
      %mul3A_894 = arith.muli %scan3A_892, %mul3A_893 : i32
      %add3A_895 = arith.constant 0 : i32
      %add3A_896 = arith.addi %add3A_895, %mul3A_894 : i32
      %mul3A_897 = arith.constant 16 : i32
      %mul3A_898 = arith.muli %add3A_896, %mul3A_897 : i32
      %add3A_899 = arith.constant 0 : i32
      %add3A_900 = arith.addi %add3A_899, %mul3A_898 : i32
      %get3A = arith.index_cast %add3A_900 : i32 to index
      %get3A_901 = tpu.vector_load %arg5[%get3A] {strides = array<i32>} : memref<16384xi32, #tpu.memory_space<vmem>>, vector<16xi32>,
      %gather3A = tpu.vector_load_idx %arg6[%get3A_901] : memref<100000xf32, #tpu.memory_space<vmem>>[vector<16xi32>], vector<16xf32>,
      %mul3A_902 = arith.constant 16 : i32
      %mul3A_903 = arith.muli %add3A_896, %mul3A_902 : i32
      %swap3A = arith.index_cast %mul3A_903 : i32 to index
      %swap3A_904 = tpu.vector_load %arg7[%swap3A] {strides = array<i32>} : memref<8192xf32, #tpu.memory_space<vmem>>, vector<16xf32>,
      tpu.vector_store %arg7[%swap3A], %gather3A {strides = array<i32>} : memref<8192xf32, #tpu.memory_space<vmem>>, vector<16xf32>,
    }
    %scan3A_814 = arith.constant 512 : i32
    "tpu.region"() ({
      %run_scoped3A = tpu.sem_alloc : memref<!tpu.dma_semaphore, #tpu.memory_space<semaphore_mem>>
      %dma_start3A = arith.constant 0 : i32
      %dma_start3A_892 = tpu.memref_slice %arg4[%add3A_751, %dma_start3A] : memref<416x16384xf32, #tpu.memory_space<hbm>> -> memref<1x8192xf32, #tpu.memory_space<hbm>>
      %dma_start3A_893 = tpu.memref_squeeze %dma_start3A_892 : memref<1x8192xf32, #tpu.memory_space<hbm>> -> memref<8192xf32, #tpu.memory_space<hbm>>
      %dma_start3A_894 = arith.constant 0 : i32
      %dma_start3A_895 = tpu.memref_slice %arg4[%add3A_751, %dma_start3A_894] : memref<416x16384xf32, #tpu.memory_space<hbm>> -> memref<1x8192xf32, #tpu.memory_space<hbm>>
      %dma_start3A_896 = tpu.memref_squeeze %dma_start3A_895 : memref<1x8192xf32, #tpu.memory_space<hbm>> -> memref<8192xf32, #tpu.memory_space<hbm>>
      tpu.enqueue_dma source(%arg7 : memref<8192xf32, #tpu.memory_space<vmem>>) target(%dma_start3A_896 : memref<8192xf32, #tpu.memory_space<hbm>>) target_semaphore(%run_scoped3A : memref<!tpu.dma_semaphore, #tpu.memory_space<semaphore_mem>>)
      %dma_wait3A = arith.constant 0 : i32
      %dma_wait3A_897 = tpu.memref_slice %arg4[%add3A_751, %dma_wait3A] : memref<416x16384xf32, #tpu.memory_space<hbm>> -> memref<1x8192xf32, #tpu.memory_space<hbm>>
      %dma_wait3A_898 = tpu.memref_squeeze %dma_wait3A_897 : memref<1x8192xf32, #tpu.memory_space<hbm>> -> memref<8192xf32, #tpu.memory_space<hbm>>
      %dma_wait3A_899 = arith.constant 0 : i32
      %dma_wait3A_900 = tpu.memref_slice %arg4[%add3A_751, %dma_wait3A_899] : memref<416x16384xf32, #tpu.memory_space<hbm>> -> memref<1x8192xf32, #tpu.memory_space<hbm>>
      %dma_wait3A_901 = tpu.memref_squeeze %dma_wait3A_900 : memref<1x8192xf32, #tpu.memory_space<hbm>> -> memref<8192xf32, #tpu.memory_space<hbm>>
      tpu.wait_dma2 semaphore(%run_scoped3A : memref<!tpu.dma_semaphore, #tpu.memory_space<semaphore_mem>>) src(%arg7 : memref<8192xf32, #tpu.memory_space<vmem>>) dst(%dma_wait3A_901 : memref<8192xf32, #tpu.memory_space<hbm>>)
      tpu.yield
    }) : () -> ()
    %scan3A_815 = arith.constant 0 : i32
    %scan3A_816 = arith.constant 512 : i32
    %scan3A_817 = arith.addi %scan3A_815, %scan3A_816 : i32
    %scan3A_818 = arith.constant 1 : i32
    scf.for %scan3A_892 = %scan3A_815 to %scan3A_817 step %scan3A_818  : i32 {
      %mul3A_893 = arith.constant 1 : i32
      %mul3A_894 = arith.muli %scan3A_892, %mul3A_893 : i32
      %add3A_895 = arith.constant 0 : i32
      %add3A_896 = arith.addi %add3A_895, %mul3A_894 : i32
      %mul3A_897 = arith.constant 16 : i32
      %mul3A_898 = arith.muli %add3A_896, %mul3A_897 : i32
      %add3A_899 = arith.constant 8192 : i32
      %add3A_900 = arith.addi %add3A_899, %mul3A_898 : i32
      %get3A = arith.index_cast %add3A_900 : i32 to index
      %get3A_901 = tpu.vector_load %arg5[%get3A] {strides = array<i32>} : memref<16384xi32, #tpu.memory_space<vmem>>, vector<16xi32>,
      %gather3A = tpu.vector_load_idx %arg6[%get3A_901] : memref<100000xf32, #tpu.memory_space<vmem>>[vector<16xi32>], vector<16xf32>,
      %mul3A_902 = arith.constant 16 : i32
      %mul3A_903 = arith.muli %add3A_896, %mul3A_902 : i32
      %swap3A = arith.index_cast %mul3A_903 : i32 to index
      %swap3A_904 = tpu.vector_load %arg7[%swap3A] {strides = array<i32>} : memref<8192xf32, #tpu.memory_space<vmem>>, vector<16xf32>,
      tpu.vector_store %arg7[%swap3A], %gather3A {strides = array<i32>} : memref<8192xf32, #tpu.memory_space<vmem>>, vector<16xf32>,
    }
    %scan3A_819 = arith.constant 512 : i32
    "tpu.region"() ({
      %run_scoped3A = tpu.sem_alloc : memref<!tpu.dma_semaphore, #tpu.memory_space<semaphore_mem>>
      %dma_start3A = arith.constant 8192 : i32
      %dma_start3A_892 = tpu.memref_slice %arg4[%add3A_751, %dma_start3A] : memref<416x16384xf32, #tpu.memory_space<hbm>> -> memref<1x8192xf32, #tpu.memory_space<hbm>>
      %dma_start3A_893 = tpu.memref_squeeze %dma_start3A_892 : memref<1x8192xf32, #tpu.memory_space<hbm>> -> memref<8192xf32, #tpu.memory_space<hbm>>
      %dma_start3A_894 = arith.constant 8192 : i32
      %dma_start3A_895 = tpu.memref_slice %arg4[%add3A_751, %dma_start3A_894] : memref<416x16384xf32, #tpu.memory_space<hbm>> -> memref<1x8192xf32, #tpu.memory_space<hbm>>
      %dma_start3A_896 = tpu.memref_squeeze %dma_start3A_895 : memref<1x8192xf32, #tpu.memory_space<hbm>> -> memref<8192xf32, #tpu.memory_space<hbm>>
      tpu.enqueue_dma source(%arg7 : memref<8192xf32, #tpu.memory_space<vmem>>) target(%dma_start3A_896 : memref<8192xf32, #tpu.memory_space<hbm>>) target_semaphore(%run_scoped3A : memref<!tpu.dma_semaphore, #tpu.memory_space<semaphore_mem>>)
      %dma_wait3A = arith.constant 8192 : i32
      %dma_wait3A_897 = tpu.memref_slice %arg4[%add3A_751, %dma_wait3A] : memref<416x16384xf32, #tpu.memory_space<hbm>> -> memref<1x8192xf32, #tpu.memory_space<hbm>>
      %dma_wait3A_898 = tpu.memref_squeeze %dma_wait3A_897 : memref<1x8192xf32, #tpu.memory_space<hbm>> -> memref<8192xf32, #tpu.memory_space<hbm>>
      %dma_wait3A_899 = arith.constant 8192 : i32
      %dma_wait3A_900 = tpu.memref_slice %arg4[%add3A_751, %dma_wait3A_899] : memref<416x16384xf32, #tpu.memory_space<hbm>> -> memref<1x8192xf32, #tpu.memory_space<hbm>>
      %dma_wait3A_901 = tpu.memref_squeeze %dma_wait3A_900 : memref<1x8192xf32, #tpu.memory_space<hbm>> -> memref<8192xf32, #tpu.memory_space<hbm>>
      tpu.wait_dma2 semaphore(%run_scoped3A : memref<!tpu.dma_semaphore, #tpu.memory_space<semaphore_mem>>) src(%arg7 : memref<8192xf32, #tpu.memory_space<vmem>>) dst(%dma_wait3A_901 : memref<8192xf32, #tpu.memory_space<hbm>>)
      tpu.yield
    }) : () -> ()
    %mul3A_820 = arith.constant 13 : i32
    %mul3A_821 = arith.muli %add3A, %mul3A_820 : i32
    %add3A_822 = arith.constant 12 : i32
    %add3A_823 = arith.addi %mul3A_821, %add3A_822 : i32
    %jit3A_824 = arith.constant 16 : i32
    %div3A_825 = arith.divsi %add3A_823, %jit3A_824 : i32
    %sign3A_826 = arith.constant 0 : i32
    %sign3A_827 = arith.cmpi sgt, %add3A_823, %sign3A_826 : i32
    %sign3A_828 = arith.extui %sign3A_827 : i1 to i32
    %sign3A_829 = arith.constant 0 : i32
    %sign3A_830 = arith.cmpi slt, %add3A_823, %sign3A_829 : i32
    %sign3A_831 = arith.extui %sign3A_830 : i1 to i32
    %sign3A_832 = arith.subi %sign3A_828, %sign3A_831 : i32
    %sign3A_833 = arith.constant 0 : i32
    %sign3A_834 = arith.cmpi sgt, %jit3A_824, %sign3A_833 : i32
    %sign3A_835 = arith.extui %sign3A_834 : i1 to i32
    %sign3A_836 = arith.constant 0 : i32
    %sign3A_837 = arith.cmpi slt, %jit3A_824, %sign3A_836 : i32
    %sign3A_838 = arith.extui %sign3A_837 : i1 to i32
    %sign3A_839 = arith.subi %sign3A_835, %sign3A_838 : i32
    %ne3A_840 = arith.cmpi ne, %sign3A_832, %sign3A_839 : i32
    %rem3A_841 = arith.remsi %add3A_823, %jit3A_824 : i32
    %ne3A_842 = arith.constant 0 : i32
    %ne3A_843 = arith.cmpi ne, %rem3A_841, %ne3A_842 : i32
    %and3A_844 = arith.andi %ne3A_840, %ne3A_843 : i1
    %sub3A_845 = arith.constant 1 : i32
    %sub3A_846 = arith.subi %div3A_825, %sub3A_845 : i32
    %select_n3A_847 = arith.select %and3A_844, %sub3A_846, %div3A_825 : i32
    %mul3A_848 = arith.constant 13 : i32
    %mul3A_849 = arith.muli %add3A, %mul3A_848 : i32
    %add3A_850 = arith.constant 12 : i32
    %add3A_851 = arith.addi %mul3A_849, %add3A_850 : i32
    %sub3A_852 = arith.constant 1 : i32
    %sub3A_853 = arith.subi %add3A_851, %sub3A_852 : i32
    %jit3A_854 = arith.constant 16 : i32
    %div3A_855 = arith.divsi %sub3A_853, %jit3A_854 : i32
    %sign3A_856 = arith.constant 0 : i32
    %sign3A_857 = arith.cmpi sgt, %sub3A_853, %sign3A_856 : i32
    %sign3A_858 = arith.extui %sign3A_857 : i1 to i32
    %sign3A_859 = arith.constant 0 : i32
    %sign3A_860 = arith.cmpi slt, %sub3A_853, %sign3A_859 : i32
    %sign3A_861 = arith.extui %sign3A_860 : i1 to i32
    %sign3A_862 = arith.subi %sign3A_858, %sign3A_861 : i32
    %sign3A_863 = arith.constant 0 : i32
    %sign3A_864 = arith.cmpi sgt, %jit3A_854, %sign3A_863 : i32
    %sign3A_865 = arith.extui %sign3A_864 : i1 to i32
    %sign3A_866 = arith.constant 0 : i32
    %sign3A_867 = arith.cmpi slt, %jit3A_854, %sign3A_866 : i32
    %sign3A_868 = arith.extui %sign3A_867 : i1 to i32
    %sign3A_869 = arith.subi %sign3A_865, %sign3A_868 : i32
    %ne3A_870 = arith.cmpi ne, %sign3A_862, %sign3A_869 : i32
    %rem3A_871 = arith.remsi %sub3A_853, %jit3A_854 : i32
    %ne3A_872 = arith.constant 0 : i32
    %ne3A_873 = arith.cmpi ne, %rem3A_871, %ne3A_872 : i32
    %and3A_874 = arith.andi %ne3A_870, %ne3A_873 : i1
    %sub3A_875 = arith.constant 1 : i32
    %sub3A_876 = arith.subi %div3A_855, %sub3A_875 : i32
    %select_n3A_877 = arith.select %and3A_874, %sub3A_876, %div3A_855 : i32
    %ne3A_878 = arith.cmpi ne, %select_n3A_847, %select_n3A_877 : i32
    %convert_element_type3A_879 = arith.extui %ne3A_878 : i1 to i32
    %cond3A_880 = arith.constant 0 : i32
    %cond3A_881 = arith.cmpi ne, %convert_element_type3A_879, %cond3A_880 : i32
    scf.if %cond3A_881 {
      "tpu.region"() ({
        %run_scoped3A = tpu.sem_alloc : memref<!tpu.dma_semaphore, #tpu.memory_space<semaphore_mem>>
        %dma_start3A = arith.constant 0 : i32
        %dma_start3A_892 = tpu.memref_slice %arg2[%select_n3A_847, %dma_start3A] : memref<26x16384xi32, #tpu.memory_space<hbm>> -> memref<1x16384xi32, #tpu.memory_space<hbm>>
        %dma_start3A_893 = tpu.memref_squeeze %dma_start3A_892 : memref<1x16384xi32, #tpu.memory_space<hbm>> -> memref<16384xi32, #tpu.memory_space<hbm>>
        %dma_start3A_894 = arith.constant 0 : i32
        %dma_start3A_895 = tpu.memref_slice %arg2[%select_n3A_847, %dma_start3A_894] : memref<26x16384xi32, #tpu.memory_space<hbm>> -> memref<1x16384xi32, #tpu.memory_space<hbm>>
        %dma_start3A_896 = tpu.memref_squeeze %dma_start3A_895 : memref<1x16384xi32, #tpu.memory_space<hbm>> -> memref<16384xi32, #tpu.memory_space<hbm>>
        tpu.enqueue_dma source(%dma_start3A_896 : memref<16384xi32, #tpu.memory_space<hbm>>) target(%arg5 : memref<16384xi32, #tpu.memory_space<vmem>>) target_semaphore(%run_scoped3A : memref<!tpu.dma_semaphore, #tpu.memory_space<semaphore_mem>>)
        %dma_wait3A = arith.constant 0 : i32
        %dma_wait3A_897 = tpu.memref_slice %arg2[%select_n3A_847, %dma_wait3A] : memref<26x16384xi32, #tpu.memory_space<hbm>> -> memref<1x16384xi32, #tpu.memory_space<hbm>>
        %dma_wait3A_898 = tpu.memref_squeeze %dma_wait3A_897 : memref<1x16384xi32, #tpu.memory_space<hbm>> -> memref<16384xi32, #tpu.memory_space<hbm>>
        %dma_wait3A_899 = arith.constant 0 : i32
        %dma_wait3A_900 = tpu.memref_slice %arg2[%select_n3A_847, %dma_wait3A_899] : memref<26x16384xi32, #tpu.memory_space<hbm>> -> memref<1x16384xi32, #tpu.memory_space<hbm>>
        %dma_wait3A_901 = tpu.memref_squeeze %dma_wait3A_900 : memref<1x16384xi32, #tpu.memory_space<hbm>> -> memref<16384xi32, #tpu.memory_space<hbm>>
        tpu.wait_dma2 semaphore(%run_scoped3A : memref<!tpu.dma_semaphore, #tpu.memory_space<semaphore_mem>>) src(%dma_wait3A_901 : memref<16384xi32, #tpu.memory_space<hbm>>) dst(%arg5 : memref<16384xi32, #tpu.memory_space<vmem>>)
        tpu.yield
      }) : () -> ()
    } else {
    }
    "tpu.region"() ({
      %run_scoped3A = tpu.sem_alloc : memref<!tpu.dma_semaphore, #tpu.memory_space<semaphore_mem>>
      %dma_start3A = arith.constant 0 : i32
      %dma_start3A_892 = tpu.memref_slice %arg3[%add3A_823, %dma_start3A] : memref<416x100000xf32, #tpu.memory_space<hbm>> -> memref<1x100000xf32, #tpu.memory_space<hbm>>
      %dma_start3A_893 = tpu.memref_squeeze %dma_start3A_892 : memref<1x100000xf32, #tpu.memory_space<hbm>> -> memref<100000xf32, #tpu.memory_space<hbm>>
      %dma_start3A_894 = arith.constant 0 : i32
      %dma_start3A_895 = tpu.memref_slice %arg3[%add3A_823, %dma_start3A_894] : memref<416x100000xf32, #tpu.memory_space<hbm>> -> memref<1x100000xf32, #tpu.memory_space<hbm>>
      %dma_start3A_896 = tpu.memref_squeeze %dma_start3A_895 : memref<1x100000xf32, #tpu.memory_space<hbm>> -> memref<100000xf32, #tpu.memory_space<hbm>>
      tpu.enqueue_dma source(%dma_start3A_896 : memref<100000xf32, #tpu.memory_space<hbm>>) target(%arg6 : memref<100000xf32, #tpu.memory_space<vmem>>) target_semaphore(%run_scoped3A : memref<!tpu.dma_semaphore, #tpu.memory_space<semaphore_mem>>)
      %dma_wait3A = arith.constant 0 : i32
      %dma_wait3A_897 = tpu.memref_slice %arg3[%add3A_823, %dma_wait3A] : memref<416x100000xf32, #tpu.memory_space<hbm>> -> memref<1x100000xf32, #tpu.memory_space<hbm>>
      %dma_wait3A_898 = tpu.memref_squeeze %dma_wait3A_897 : memref<1x100000xf32, #tpu.memory_space<hbm>> -> memref<100000xf32, #tpu.memory_space<hbm>>
      %dma_wait3A_899 = arith.constant 0 : i32
      %dma_wait3A_900 = tpu.memref_slice %arg3[%add3A_823, %dma_wait3A_899] : memref<416x100000xf32, #tpu.memory_space<hbm>> -> memref<1x100000xf32, #tpu.memory_space<hbm>>
      %dma_wait3A_901 = tpu.memref_squeeze %dma_wait3A_900 : memref<1x100000xf32, #tpu.memory_space<hbm>> -> memref<100000xf32, #tpu.memory_space<hbm>>
      tpu.wait_dma2 semaphore(%run_scoped3A : memref<!tpu.dma_semaphore, #tpu.memory_space<semaphore_mem>>) src(%dma_wait3A_901 : memref<100000xf32, #tpu.memory_space<hbm>>) dst(%arg6 : memref<100000xf32, #tpu.memory_space<vmem>>)
      tpu.yield
    }) : () -> ()
    %scan3A_882 = arith.constant 0 : i32
    %scan3A_883 = arith.constant 512 : i32
    %scan3A_884 = arith.addi %scan3A_882, %scan3A_883 : i32
    %scan3A_885 = arith.constant 1 : i32
    scf.for %scan3A_892 = %scan3A_882 to %scan3A_884 step %scan3A_885  : i32 {
      %mul3A_893 = arith.constant 1 : i32
      %mul3A_894 = arith.muli %scan3A_892, %mul3A_893 : i32
      %add3A_895 = arith.constant 0 : i32
      %add3A_896 = arith.addi %add3A_895, %mul3A_894 : i32
      %mul3A_897 = arith.constant 16 : i32
      %mul3A_898 = arith.muli %add3A_896, %mul3A_897 : i32
      %add3A_899 = arith.constant 0 : i32
      %add3A_900 = arith.addi %add3A_899, %mul3A_898 : i32
      %get3A = arith.index_cast %add3A_900 : i32 to index
      %get3A_901 = tpu.vector_load %arg5[%get3A] {strides = array<i32>} : memref<16384xi32, #tpu.memory_space<vmem>>, vector<16xi32>,
      %gather3A = tpu.vector_load_idx %arg6[%get3A_901] : memref<100000xf32, #tpu.memory_space<vmem>>[vector<16xi32>], vector<16xf32>,
      %mul3A_902 = arith.constant 16 : i32
      %mul3A_903 = arith.muli %add3A_896, %mul3A_902 : i32
      %swap3A = arith.index_cast %mul3A_903 : i32 to index
      %swap3A_904 = tpu.vector_load %arg7[%swap3A] {strides = array<i32>} : memref<8192xf32, #tpu.memory_space<vmem>>, vector<16xf32>,
      tpu.vector_store %arg7[%swap3A], %gather3A {strides = array<i32>} : memref<8192xf32, #tpu.memory_space<vmem>>, vector<16xf32>,
    }
    %scan3A_886 = arith.constant 512 : i32
    "tpu.region"() ({
      %run_scoped3A = tpu.sem_alloc : memref<!tpu.dma_semaphore, #tpu.memory_space<semaphore_mem>>
      %dma_start3A = arith.constant 0 : i32
      %dma_start3A_892 = tpu.memref_slice %arg4[%add3A_823, %dma_start3A] : memref<416x16384xf32, #tpu.memory_space<hbm>> -> memref<1x8192xf32, #tpu.memory_space<hbm>>
      %dma_start3A_893 = tpu.memref_squeeze %dma_start3A_892 : memref<1x8192xf32, #tpu.memory_space<hbm>> -> memref<8192xf32, #tpu.memory_space<hbm>>
      %dma_start3A_894 = arith.constant 0 : i32
      %dma_start3A_895 = tpu.memref_slice %arg4[%add3A_823, %dma_start3A_894] : memref<416x16384xf32, #tpu.memory_space<hbm>> -> memref<1x8192xf32, #tpu.memory_space<hbm>>
      %dma_start3A_896 = tpu.memref_squeeze %dma_start3A_895 : memref<1x8192xf32, #tpu.memory_space<hbm>> -> memref<8192xf32, #tpu.memory_space<hbm>>
      tpu.enqueue_dma source(%arg7 : memref<8192xf32, #tpu.memory_space<vmem>>) target(%dma_start3A_896 : memref<8192xf32, #tpu.memory_space<hbm>>) target_semaphore(%run_scoped3A : memref<!tpu.dma_semaphore, #tpu.memory_space<semaphore_mem>>)
      %dma_wait3A = arith.constant 0 : i32
      %dma_wait3A_897 = tpu.memref_slice %arg4[%add3A_823, %dma_wait3A] : memref<416x16384xf32, #tpu.memory_space<hbm>> -> memref<1x8192xf32, #tpu.memory_space<hbm>>
      %dma_wait3A_898 = tpu.memref_squeeze %dma_wait3A_897 : memref<1x8192xf32, #tpu.memory_space<hbm>> -> memref<8192xf32, #tpu.memory_space<hbm>>
      %dma_wait3A_899 = arith.constant 0 : i32
      %dma_wait3A_900 = tpu.memref_slice %arg4[%add3A_823, %dma_wait3A_899] : memref<416x16384xf32, #tpu.memory_space<hbm>> -> memref<1x8192xf32, #tpu.memory_space<hbm>>
      %dma_wait3A_901 = tpu.memref_squeeze %dma_wait3A_900 : memref<1x8192xf32, #tpu.memory_space<hbm>> -> memref<8192xf32, #tpu.memory_space<hbm>>
      tpu.wait_dma2 semaphore(%run_scoped3A : memref<!tpu.dma_semaphore, #tpu.memory_space<semaphore_mem>>) src(%arg7 : memref<8192xf32, #tpu.memory_space<vmem>>) dst(%dma_wait3A_901 : memref<8192xf32, #tpu.memory_space<hbm>>)
      tpu.yield
    }) : () -> ()
    %scan3A_887 = arith.constant 0 : i32
    %scan3A_888 = arith.constant 512 : i32
    %scan3A_889 = arith.addi %scan3A_887, %scan3A_888 : i32
    %scan3A_890 = arith.constant 1 : i32
    scf.for %scan3A_892 = %scan3A_887 to %scan3A_889 step %scan3A_890  : i32 {
      %mul3A_893 = arith.constant 1 : i32
      %mul3A_894 = arith.muli %scan3A_892, %mul3A_893 : i32
      %add3A_895 = arith.constant 0 : i32
      %add3A_896 = arith.addi %add3A_895, %mul3A_894 : i32
      %mul3A_897 = arith.constant 16 : i32
      %mul3A_898 = arith.muli %add3A_896, %mul3A_897 : i32
      %add3A_899 = arith.constant 8192 : i32
      %add3A_900 = arith.addi %add3A_899, %mul3A_898 : i32
      %get3A = arith.index_cast %add3A_900 : i32 to index
      %get3A_901 = tpu.vector_load %arg5[%get3A] {strides = array<i32>} : memref<16384xi32, #tpu.memory_space<vmem>>, vector<16xi32>,
      %gather3A = tpu.vector_load_idx %arg6[%get3A_901] : memref<100000xf32, #tpu.memory_space<vmem>>[vector<16xi32>], vector<16xf32>,
      %mul3A_902 = arith.constant 16 : i32
      %mul3A_903 = arith.muli %add3A_896, %mul3A_902 : i32
      %swap3A = arith.index_cast %mul3A_903 : i32 to index
      %swap3A_904 = tpu.vector_load %arg7[%swap3A] {strides = array<i32>} : memref<8192xf32, #tpu.memory_space<vmem>>, vector<16xf32>,
      tpu.vector_store %arg7[%swap3A], %gather3A {strides = array<i32>} : memref<8192xf32, #tpu.memory_space<vmem>>, vector<16xf32>,
    }
    %scan3A_891 = arith.constant 512 : i32
    "tpu.region"() ({
      %run_scoped3A = tpu.sem_alloc : memref<!tpu.dma_semaphore, #tpu.memory_space<semaphore_mem>>
      %dma_start3A = arith.constant 8192 : i32
      %dma_start3A_892 = tpu.memref_slice %arg4[%add3A_823, %dma_start3A] : memref<416x16384xf32, #tpu.memory_space<hbm>> -> memref<1x8192xf32, #tpu.memory_space<hbm>>
      %dma_start3A_893 = tpu.memref_squeeze %dma_start3A_892 : memref<1x8192xf32, #tpu.memory_space<hbm>> -> memref<8192xf32, #tpu.memory_space<hbm>>
      %dma_start3A_894 = arith.constant 8192 : i32
      %dma_start3A_895 = tpu.memref_slice %arg4[%add3A_823, %dma_start3A_894] : memref<416x16384xf32, #tpu.memory_space<hbm>> -> memref<1x8192xf32, #tpu.memory_space<hbm>>
      %dma_start3A_896 = tpu.memref_squeeze %dma_start3A_895 : memref<1x8192xf32, #tpu.memory_space<hbm>> -> memref<8192xf32, #tpu.memory_space<hbm>>
      tpu.enqueue_dma source(%arg7 : memref<8192xf32, #tpu.memory_space<vmem>>) target(%dma_start3A_896 : memref<8192xf32, #tpu.memory_space<hbm>>) target_semaphore(%run_scoped3A : memref<!tpu.dma_semaphore, #tpu.memory_space<semaphore_mem>>)
      %dma_wait3A = arith.constant 8192 : i32
      %dma_wait3A_897 = tpu.memref_slice %arg4[%add3A_823, %dma_wait3A] : memref<416x16384xf32, #tpu.memory_space<hbm>> -> memref<1x8192xf32, #tpu.memory_space<hbm>>
      %dma_wait3A_898 = tpu.memref_squeeze %dma_wait3A_897 : memref<1x8192xf32, #tpu.memory_space<hbm>> -> memref<8192xf32, #tpu.memory_space<hbm>>
      %dma_wait3A_899 = arith.constant 8192 : i32
      %dma_wait3A_900 = tpu.memref_slice %arg4[%add3A_823, %dma_wait3A_899] : memref<416x16384xf32, #tpu.memory_space<hbm>> -> memref<1x8192xf32, #tpu.memory_space<hbm>>
      %dma_wait3A_901 = tpu.memref_squeeze %dma_wait3A_900 : memref<1x8192xf32, #tpu.memory_space<hbm>> -> memref<8192xf32, #tpu.memory_space<hbm>>
      tpu.wait_dma2 semaphore(%run_scoped3A : memref<!tpu.dma_semaphore, #tpu.memory_space<semaphore_mem>>) src(%arg7 : memref<8192xf32, #tpu.memory_space<vmem>>) dst(%dma_wait3A_901 : memref<8192xf32, #tpu.memory_space<hbm>>)
      tpu.yield
    }) : () -> ()
    return
  }
}

module attributes {stable_mosaic.version = 14 : i64} {
  func.func @_mlp_body(%arg0: i32, %arg1: memref<2048x32xf32, #tpu.memory_space<vmem>>, %arg2: memref<416x2048xf32, #tpu.memory_space<vmem>>, %arg3: memref<2048x13xf32, #tpu.memory_space<vmem>>, %arg4: memref<32x128xf32, #tpu.memory_space<vmem>>, %arg5: memref<416x128xf32, #tpu.memory_space<vmem>>, %arg6: memref<13x128xf32, #tpu.memory_space<vmem>>, %arg7: memref<1x128xf32, #tpu.memory_space<vmem>>, %arg8: memref<128x64xf32, #tpu.memory_space<vmem>>, %arg9: memref<1x64xf32, #tpu.memory_space<vmem>>, %arg10: memref<2048x64xf32, #tpu.memory_space<vmem>>) attributes {dimension_semantics = [#tpu.dimension_semantics<arbitrary>], iteration_bounds = array<i64: 8>, scalar_prefetch = 0 : i64, scratch_operands = 0 : i64, tpu.core_type = #tpu.core_type<tc>, window_params = [{transform_indices = @transform_0, window_bounds = array<i64: 2048, 32>}, {transform_indices = @transform_1, window_bounds = array<i64: 416, 2048>}, {transform_indices = @transform_2, window_bounds = array<i64: 2048, 13>}, {pipeline_mode = #tpu.pipeline_mode<synchronous>, transform_indices = @transform_3, window_bounds = array<i64: 32, 128>}, {pipeline_mode = #tpu.pipeline_mode<synchronous>, transform_indices = @transform_4, window_bounds = array<i64: 416, 128>}, {pipeline_mode = #tpu.pipeline_mode<synchronous>, transform_indices = @transform_5, window_bounds = array<i64: 13, 128>}, {pipeline_mode = #tpu.pipeline_mode<synchronous>, transform_indices = @transform_6, window_bounds = array<i64: 1, 128>}, {pipeline_mode = #tpu.pipeline_mode<synchronous>, transform_indices = @transform_7, window_bounds = array<i64: 128, 64>}, {pipeline_mode = #tpu.pipeline_mode<synchronous>, transform_indices = @transform_8, window_bounds = array<i64: 1, 64>}, {transform_indices = @transform_9, window_bounds = array<i64: 2048, 64>}]} {
    %get3A = arith.constant 0 : index
    %get3A_0 = arith.constant 0 : index
    %get3A_1 = vector.load %arg2[%get3A, %get3A_0] : memref<416x2048xf32, #tpu.memory_space<vmem>>, vector<416x2048xf32>
    %get3A_2 = arith.constant 0 : index
    %get3A_3 = arith.constant 0 : index
    %get3A_4 = vector.load %arg5[%get3A_2, %get3A_3] : memref<416x128xf32, #tpu.memory_space<vmem>>, vector<416x128xf32>
    %dot_general3A = arith.constant dense<0.000000e+00> : vector<2048x128xf32>
    %dot_general3A_5 = tpu.matmul %get3A_1, %get3A_4, %dot_general3A {dimension_numbers = #tpu.dot_dimension_numbers<[0], [0], [1], [1], [0, 1, 1, 1], [], []>, transpose_lhs_hint = false} : vector<416x2048xf32>, vector<416x128xf32>, vector<2048x128xf32> -> vector<2048x128xf32>
    %get3A_6 = arith.constant 0 : index
    %get3A_7 = arith.constant 0 : index
    %get3A_8 = vector.load %arg1[%get3A_6, %get3A_7] : memref<2048x32xf32, #tpu.memory_space<vmem>>, vector<2048x32xf32>
    %get3A_9 = arith.constant 0 : index
    %get3A_10 = arith.constant 0 : index
    %get3A_11 = vector.load %arg4[%get3A_9, %get3A_10] : memref<32x128xf32, #tpu.memory_space<vmem>>, vector<32x128xf32>
    %dot_general3A_12 = arith.constant dense<0.000000e+00> : vector<2048x128xf32>
    %dot_general3A_13 = tpu.matmul %get3A_8, %get3A_11, %dot_general3A_12 {dimension_numbers = #tpu.dot_dimension_numbers<[1], [0], [0], [1], [0, 0, 1, 1], [], []>, transpose_lhs_hint = false} : vector<2048x32xf32>, vector<32x128xf32>, vector<2048x128xf32> -> vector<2048x128xf32>
    %add3A = arith.addf %dot_general3A_5, %dot_general3A_13 : vector<2048x128xf32>
    %get3A_14 = arith.constant 0 : index
    %get3A_15 = arith.constant 0 : index
    %get3A_16 = vector.load %arg3[%get3A_14, %get3A_15] : memref<2048x13xf32, #tpu.memory_space<vmem>>, vector<2048x13xf32>
    %get3A_17 = arith.constant 0 : index
    %get3A_18 = arith.constant 0 : index
    %get3A_19 = vector.load %arg6[%get3A_17, %get3A_18] : memref<13x128xf32, #tpu.memory_space<vmem>>, vector<13x128xf32>
    %dot_general3A_20 = arith.constant dense<0.000000e+00> : vector<2048x128xf32>
    %dot_general3A_21 = tpu.matmul %get3A_16, %get3A_19, %dot_general3A_20 {dimension_numbers = #tpu.dot_dimension_numbers<[1], [0], [0], [1], [0, 0, 1, 1], [], []>, transpose_lhs_hint = false} : vector<2048x13xf32>, vector<13x128xf32>, vector<2048x128xf32> -> vector<2048x128xf32>
    %add3A_22 = arith.addf %add3A, %dot_general3A_21 : vector<2048x128xf32>
    %get3A_23 = arith.constant 0 : index
    %get3A_24 = arith.constant 0 : index
    %get3A_25 = vector.load %arg7[%get3A_23, %get3A_24] : memref<1x128xf32, #tpu.memory_space<vmem>>, vector<1x128xf32>
    %add3A_26 = vector.broadcast %get3A_25 : vector<1x128xf32> to vector<2048x128xf32>
    %add3A_27 = arith.addf %add3A_22, %add3A_26 : vector<2048x128xf32>
    %max3A = arith.constant 0.000000e+00 : f32
    %max3A_28 = vector.broadcast %max3A : f32 to vector<2048x128xf32>
    %max3A_29 = arith.maximumf %add3A_27, %max3A_28 : vector<2048x128xf32>
    %get3A_30 = arith.constant 0 : index
    %get3A_31 = arith.constant 0 : index
    %get3A_32 = vector.load %arg8[%get3A_30, %get3A_31] : memref<128x64xf32, #tpu.memory_space<vmem>>, vector<128x64xf32>
    %dot_general3A_33 = arith.constant dense<0.000000e+00> : vector<2048x64xf32>
    %dot_general3A_34 = tpu.matmul %max3A_29, %get3A_32, %dot_general3A_33 {dimension_numbers = #tpu.dot_dimension_numbers<[1], [0], [0], [1], [0, 0, 1, 1], [], []>, transpose_lhs_hint = false} : vector<2048x128xf32>, vector<128x64xf32>, vector<2048x64xf32> -> vector<2048x64xf32>
    %get3A_35 = arith.constant 0 : index
    %get3A_36 = arith.constant 0 : index
    %get3A_37 = vector.load %arg9[%get3A_35, %get3A_36] : memref<1x64xf32, #tpu.memory_space<vmem>>, vector<1x64xf32>
    %add3A_38 = vector.broadcast %get3A_37 : vector<1x64xf32> to vector<2048x64xf32>
    %add3A_39 = arith.addf %dot_general3A_34, %add3A_38 : vector<2048x64xf32>
    %mul3A = arith.mulf %add3A_39, %add3A_39 : vector<2048x64xf32>
    %reduce_sum3A = arith.constant dense<0.000000e+00> : vector<2048xf32>
    %reduce_sum3A_40 = vector.multi_reduction <add>, %mul3A, %reduce_sum3A [1] : vector<2048x64xf32> to vector<2048xf32>
    %broadcast_in_dim3A = vector.shape_cast %reduce_sum3A_40 : vector<2048xf32> to vector<2048x1xf32>
    %sqrt3A = math.sqrt %broadcast_in_dim3A : vector<2048x1xf32>
    %max3A_41 = arith.constant 9.99999996E-13 : f32
    %max3A_42 = vector.broadcast %max3A_41 : f32 to vector<2048x1xf32>
    %max3A_43 = arith.maximumf %sqrt3A, %max3A_42 : vector<2048x1xf32>
    %div3A = vector.broadcast %max3A_43 : vector<2048x1xf32> to vector<2048x64xf32>
    %div3A_44 = arith.divf %add3A_39, %div3A : vector<2048x64xf32>
    %swap3A = arith.constant 0 : index
    %swap3A_45 = arith.constant 0 : index
    %swap3A_46 = vector.load %arg10[%swap3A, %swap3A_45] : memref<2048x64xf32, #tpu.memory_space<vmem>>, vector<2048x64xf32>
    tpu.vector_store %arg10[%swap3A, %swap3A_45], %div3A_44 {strides = array<i32>} : memref<2048x64xf32, #tpu.memory_space<vmem>>, vector<2048x64xf32>,
    return
  }
  func.func @transform_0(%arg0: i32) -> (i32, i32) {
    %c0_i32 = arith.constant 0 : i32
    %c0_i32_0 = arith.constant 0 : i32
    return %arg0, %c0_i32 : i32, i32
  }
  func.func @transform_1(%arg0: i32) -> (i32, i32) {
    %c0_i32 = arith.constant 0 : i32
    %c0_i32_0 = arith.constant 0 : i32
    return %c0_i32, %arg0 : i32, i32
  }
  func.func @transform_2(%arg0: i32) -> (i32, i32) {
    %c0_i32 = arith.constant 0 : i32
    %c0_i32_0 = arith.constant 0 : i32
    return %arg0, %c0_i32 : i32, i32
  }
  func.func @transform_3(%arg0: i32) -> (i32, i32) {
    %c0_i32 = arith.constant 0 : i32
    %c0_i32_0 = arith.constant 0 : i32
    %c0_i32_1 = arith.constant 0 : i32
    return %c0_i32, %c0_i32_0 : i32, i32
  }
  func.func @transform_4(%arg0: i32) -> (i32, i32) {
    %c0_i32 = arith.constant 0 : i32
    %c0_i32_0 = arith.constant 0 : i32
    %c0_i32_1 = arith.constant 0 : i32
    return %c0_i32, %c0_i32_0 : i32, i32
  }
  func.func @transform_5(%arg0: i32) -> (i32, i32) {
    %c0_i32 = arith.constant 0 : i32
    %c0_i32_0 = arith.constant 0 : i32
    %c0_i32_1 = arith.constant 0 : i32
    return %c0_i32, %c0_i32_0 : i32, i32
  }
  func.func @transform_6(%arg0: i32) -> (i32, i32) {
    %c0_i32 = arith.constant 0 : i32
    %c0_i32_0 = arith.constant 0 : i32
    %c0_i32_1 = arith.constant 0 : i32
    return %c0_i32, %c0_i32_0 : i32, i32
  }
  func.func @transform_7(%arg0: i32) -> (i32, i32) {
    %c0_i32 = arith.constant 0 : i32
    %c0_i32_0 = arith.constant 0 : i32
    %c0_i32_1 = arith.constant 0 : i32
    return %c0_i32, %c0_i32_0 : i32, i32
  }
  func.func @transform_8(%arg0: i32) -> (i32, i32) {
    %c0_i32 = arith.constant 0 : i32
    %c0_i32_0 = arith.constant 0 : i32
    %c0_i32_1 = arith.constant 0 : i32
    return %c0_i32, %c0_i32_0 : i32, i32
  }
  func.func @transform_9(%arg0: i32) -> (i32, i32) {
    %c0_i32 = arith.constant 0 : i32
    %c0_i32_0 = arith.constant 0 : i32
    return %arg0, %c0_i32 : i32, i32
  }
}

</mosaic_0001>

<sc_bundles>
// kernel: kernel.5.cloned.1.call-start
scs
__scs_entry_jumppad:
0x0: {  	(pc) =	sbr.rel $0x88, $3  }
0x1: {  	(tag) =	ssettag $0x0;
	lr =	simm.s32 $0x1  }
0x2: {  	[smem:$0x3F98] =	sst lr;
	_ =	strace $0xD0000000  }
0x3: {  	_ = 	snop  }
0x4: {  	_ = 	snop  }
0x5: {  	_ = 	snop  }
0x6: {  	_ = 	snop  }
0x7: {  	_ = 	snop  }
__scs_overlays_trampoline_lowered:
0x8: {  	[smem:$0x3FA7] =	sst s0  }
0x9: {  	[smem:$0x3FA8] =	sst s1  }
0xa: {  	[smem:$0x3FA9] =	sst s2  }
0xb: {  	[smem:$0x3FAA] =	sst s3  }
0xc: {  	[smem:$0x3FAB] =	sst s4  }
0xd: {  	[smem:$0x3FAC] =	sst s5  }
0xe: {  	[smem:$0x3FAD] =	sst s6  }
0xf: {  	[smem:$0x3FAE] =	sst s7  }
0x10: {  	[smem:$0x3FAF] =	sst s8  }
0x11: {  	[smem:$0x3FB0] =	sst s9;
	s0 =	simm.s32 @!p0 $0x0  }
0x12: {  	s1 =	sld [smem:$0x3F96];
	s0 =	simm.s32 @p0 $0x1  }
0x13: {  	[smem:$0x3FB1] =	sst s0;
	s0 =	simm.s32 @!p1 $0x0  }
0x14: {  	s2 =	sld [smem:$0x3F95];
	s0 =	simm.s32 @p1 $0x1  }
0x15: {  	[smem:$0x3FB2] =	sst s0;
	s0 =	simm.s32 @!p2 $0x0  }
0x16: {  	s3 =	sld [smem:$0x3FDB];
	s0 =	simm.s32 @p2 $0x1  }
0x17: {  	s4 =	simm.s32 $0x1BF5;
	[smem:$0x3FB4] =	sst s0  }
0x18: {  	s0 =	sld [smem:$0x3F97];
	_ =	swait.ge [sflag:s4], $0x0  }
0x19: {  	s7 =	sld [smem:$0x3F98]  }
0x1a: {  	s8 =	sadd.s32 $0xFFFFE003, lr  }
0x1b: {  	s9 =	sadd.s32 $0xFFFFFEF7, lr;
	s5 =	simm.s32 $0xFFFFFFFF;
	p2 =	slt.u32 s8, $0xFFFFF086  }
0x1c: {  	p1 =	slt.u32 s9, $0xF7A;
	s5 =	simm.s32 @!p2 $0x0  }
0x1d: {  	s5 =	simm.s32 @p1 $0x1;
	p0 =	seq.s32 s7, s2  }
0x1e: {  	s7 =	smul.u32 @!p0 $0xF7A, s2;
	p2 =	seq.s32 @!p0 s5, $0x0  }
0x1f: {  	s9 =	smul.u32 $0xF7A, s1;
	s8 =	simm.s32 @!p0 $0x1BF5;
	p2 =	por !p2, p0  }
0x20: {  	[sflag:s8] =	ssyncset.s32 @!p0 $0xFFFFF086;
	s6 =	sadd.s32 @!p0 s3, s7;
	s7 =	simm.s32 @!p0 $0x108  }
0x21: {  	s3 =	sadd.s32 s3, s9;
	s6 =	sadd.s32 @!p0 $0x88, s6;
	s7 =	simm.s32 @p2 $0x1082  }
0x22: {  	[simem:s7], [sflag:s8] =	dma.local @!p0 [hbm:s6], $0xF7A  }
0x23: {  	s9 =	sor.u32 $0xD0000000, s2;
	s6 =	simm.s32 $0x108;
	_ =	swait.ge @!p0 [sflag:s8], $0x0  }
0x24: {  	s3 =	sadd.s32 $0x88, s3;
	s6 =	simm.s32 @!p1 $0x1082;
	[sflag:s4] =	ssyncset.s32 $0xFFFFF086  }
0x25: {  	[simem:s6], [sflag:s4] =	dma.local [hbm:s3], $0xF7A  }
0x26: {  	[smem:$0x3F98] =	sst s1;
	(tag) =	ssettag s2;
	_ =	strace s9  }
0x27: {  	s1 =	sld [smem:$0x3FA8]  }
0x28: {  	s2 =	sld [smem:$0x3FA9]  }
0x29: {  	s4 =	sld [smem:$0x3FAB]  }
0x2a: {  	p0 =	seq.s32 s5, $0x0;
	s5 =	sld [smem:$0x3FAC]  }
0x2b: {  	s6 =	sld [smem:$0x3FAD]  }
0x2c: {  	s7 =	sld [smem:$0x3FAE]  }
0x2d: {  	s3 =	simm.s32 $0x108;
	s8 =	sld [smem:$0x3FAF]  }
0x2e: {  	s3 =	simm.s32 @!p0 $0x1082;
	s9 =	sld [smem:$0x3FB0]  }
0x2f: {  	lr =	sadd.s32 s0, s3;
	s0 =	sld [smem:$0x3FA7]  }
0x30: {  	s3 =	sld [smem:$0x3FAA]  }
0x31: {  	[smem:$0x3FB3] =	sst s10  }
0x32: {  	s10 =	sld [smem:$0x3FB1];
	_ =	sdelay $0x3  }
0x33: {  	p0 =	seq.s32 s10, $0x1;
	s10 =	sld [smem:$0x3FB3];
	_ =	sdelay $0x3  }
0x34: {  	[smem:$0x3FB3] =	sst s10  }
0x35: {  	s10 =	sld [smem:$0x3FB2];
	_ =	sdelay $0x3  }
0x36: {  	p1 =	seq.s32 s10, $0x1;
	s10 =	sld [smem:$0x3FB3];
	_ =	sdelay $0x3  }
0x37: {  	[smem:$0x3FB3] =	sst s10  }
0x38: {  	s10 =	sld [smem:$0x3FB4]  }
0x39: {  	_ = 	snop;
	(pc) =	sbr.ind lr, $3  }
0x3a: {  	_ = 	snop  }
0x3b: {  	_ = 	snop  }
0x3c: {  	p2 =	seq.s32 s10, $0x1;
	s10 =	sld [smem:$0x3FB3]  }
0x3d: {  	_ =	shalt  }
0x3e: {  	_ =	shalt  }
0x3f: {  	_ =	shalt  }
0x40: {  	_ =	shalt  }
0x41: {  	_ =	shalt  }
0x42: {  	_ =	shalt  }
0x43: {  	_ =	shalt  }
0x44: {  	_ =	shalt  }
0x45: {  	_ =	shalt  }
0x46: {  	_ =	shalt  }
0x47: {  	_ =	shalt  }
0x48: {  	_ =	shalt  }
0x49: {  	_ =	shalt  }
0x4a: {  	_ =	shalt  }
0x4b: {  	_ =	shalt  }
0x4c: {  	_ =	shalt  }
0x4d: {  	_ =	shalt  }
0x4e: {  	_ =	shalt  }
0x4f: {  	_ =	shalt  }
0x50: {  	_ =	shalt  }
0x51: {  	_ =	shalt  }
0x52: {  	_ =	shalt  }
0x53: {  	_ =	shalt  }
0x54: {  	_ =	shalt  }
0x55: {  	_ =	shalt  }
0x56: {  	_ =	shalt  }
0x57: {  	_ =	shalt  }
0x58: {  	_ =	shalt  }
0x59: {  	_ =	shalt  }
0x5a: {  	_ =	shalt  }
0x5b: {  	_ =	shalt  }
0x5c: {  	_ =	shalt  }
0x5d: {  	_ =	shalt  }
0x5e: {  	_ =	shalt  }
0x5f: {  	_ =	shalt  }
0x60: {  	_ =	shalt  }
0x61: {  	_ =	shalt  }
0x62: {  	_ =	shalt  }
0x63: {  	_ =	shalt  }
0x64: {  	_ =	shalt  }
0x65: {  	_ =	shalt  }
0x66: {  	_ =	shalt  }
0x67: {  	_ =	shalt  }
0x68: {  	_ =	shalt  }
0x69: {  	_ =	shalt  }
0x6a: {  	_ =	shalt  }
0x6b: {  	_ =	shalt  }
0x6c: {  	_ =	shalt  }
0x6d: {  	_ =	shalt  }
0x6e: {  	_ =	shalt  }
0x6f: {  	_ =	shalt  }
0x70: {  	_ =	shalt  }
0x71: {  	_ =	shalt  }
0x72: {  	_ =	shalt  }
0x73: {  	_ =	shalt  }
0x74: {  	_ =	shalt  }
0x75: {  	_ =	shalt  }
0x76: {  	_ =	shalt  }
0x77: {  	_ =	shalt  }
0x78: {  	_ =	shalt  }
0x79: {  	_ =	shalt  }
0x7a: {  	_ =	shalt  }
0x7b: {  	_ =	shalt  }
0x7c: {  	_ =	shalt  }
0x7d: {  	_ =	shalt  }
0x7e: {  	_ =	shalt  }
0x7f: {  	_ =	shalt  }
0x80: {  	_ =	shalt  }
0x81: {  	_ =	shalt  }
0x82: {  	_ =	shalt  }
0x83: {  	_ =	shalt  }
0x84: {  	_ =	shalt  }
0x85: {  	_ =	shalt  }
0x86: {  	_ =	shalt  }
0x87: {  	_ =	shalt  }
.Lfunc_end0:
.L_simem_size_0:
called_computation_lowered:
.L_overlay_start_0:
0x88: {  	s2 =	sld [smem:$0x3FD9]  }
0x89: {  	s3 =	sld [smem:$0x3FFE];
	_ =	sdelay $0x1  }
0x8a: {  	s1 =	srdreg.scid  }
0x8b: {  	s0 =	sand.u32 $0x1, s1  }
0x8c: {  	s17 =	sshll.u32 s0, $0xA;
	s2 =	sadd.s32 s3, s2  }
0x8d: {  	s2 =	sadd.s32 s2, s17  }
0x8e: {  	[smem:$0x3FBF] =	sst s2  }
0x8f: {  	_ = 	snop  }
0x90: {  	(tm) =	ssettm $0x1  }
0x91: {  	s18 =	sld [smem:$0x3FFB];
	_ =	sdelay $0x3  }
0x92: {  	_ =	strace s18  }
0x93: {  	s2 =	sld [smem:$0x3FFC];
	_ =	sdelay $0x3  }
0x94: {  	_ =	strace s2  }
0x95: {  	s2 =	sld [smem:$0x3FFD];
	_ =	sdelay $0x3  }
0x96: {  	_ =	strace s2  }
0x97: {  	_ =	strace $0x8FFFFFFF  }
0x98: {  	s19 =	sld [smem:$0x3FDB];
	_ =	sdelay $0x1  }
0x99: {  	s20 =	simm.s32 $_scs_section_size  }
0x9a: {  	s4 =	simm.s32 $_size__tile_overlayer_lowered;
	s5 =	simm.s32 $_tile_overlayer_lowered  }
0x9b: {  	s6 =	simm.s32 $0x1BFF;
	s21 =	sshll.u32 s5, $0x1;
	s3 =	sadd.s32 s20, s19  }
0x9c: {  	s22 =	simm.s32 $0x0;
	s4 =	sshll.u32 s4, $0x1;
	s5 =	sadd.s32 s21, s3  }
0x9d: {  	[timem:s22], [sflag:s6] =	dma.local [hbm:s5], s4  }
0x9e: {  	_ =	swait.ge [sflag:s6], s4  }
0x9f: {  	s4 =	ssub.s32 $0x0, s4;
	[sflag:s6] =	ssyncset.done $0x0  }
0xa0: {  	[sflag:s6] =	ssyncadd.s32 s4;
	_ =	sdelay $0x1  }
0xa1: {  	s23 =	simm.s32 $0x1B8B  }
0xa2: {  	_ =	swait.ge [sflag:s23], $0x1  }
0xa3: {  	[sflag:s23] =	ssyncset.done $0x0  }
0xa4: {  	[sflag:s23] =	ssyncadd.s32 $0xFFFFFFFF  }
0xa5: {  	s4 =	sld [smem:$0x0]  }
0xa6: {  	s5 =	sand.u32 $0xFFFFFFFE, s1  }
0xa7: {  	p0 =	sne.s32 s1, s5  }
0xa8: {  	s5 =	sshll.u32 @p0 s5, $0xE  }
0xa9: {  	s5 =	sadd.s32 @p0 $0x11B8D, s5;
	s6 =	sshll.u32 @p0 s4, $0x11  }
0xaa: {  	s5 =	sor.u32 @p0 s6, s5  }
0xab: {  	[sflag:s5] =	ssyncadd.remote.s32 @p0 $0x1;
	_ =	sdelay $0x1  }
0xac: {  	s5 =	simm.s32 @p0 $0x1B8D  }
0xad: {  	_ =	swait.eq @p0 [sflag:s5], $0x1  }
0xae: {  	[sflag:s5] =	ssyncadd.s32 @p0 $0xFFFFFFFF  }
0xaf: {  	s6 =	sshll.u32 @!p0 s1, $0xE  }
0xb0: {  	s6 =	sor.u32 @!p0 $0x4000, s6;
	s5 =	simm.s32 @!p0 $0x1B8D  }
0xb1: {  	s4 =	sshll.u32 @!p0 s4, $0x11;
	s6 =	sadd.s32 @!p0 $0x11B8D, s6;
	_ =	swait.eq @!p0 [sflag:s5], $0x1  }
0xb2: {  	s4 =	sor.u32 @!p0 s4, s6;
	[sflag:s5] =	ssyncadd.s32 @!p0 $0xFFFFFFFF  }
0xb3: {  	s25 =	simm.s32 $0x1B8E;
	s24 =	sld [smem:$0x3FFE];
	[sflag:s4] =	ssyncadd.remote.s32 @!p0 $0x1  }
0xb4: {  	s26 =	simm.s32 $execute0_lowered;
	[smem:$0x3FD2] =	sst s25  }
0xb5: {  	s5 =	sshll.u32 s26, $0x1;
	_ =	strace $0x80000049;
	[dreg:$0x1] =	wrdreg $0xFFFFFFFF  }
0xb6: {  	s28 =	simm.s32 $_size_execute0_lowered;
	s3 =	sadd.s32 s3, s5;
	[dreg:$0x0] =	wrdreg $0x0  }
0xb7: {  	s5 =	sshll.u32 s28, $0x1;
	[dreg:$0x2] =	wrdreg s3  }
0xb8: {  	[dreg:$0x3] =	wrdreg s5  }
0xb9: {  	[dreg:$0x4] =	wrdreg $0xC0  }
0xba: {  	_ =	task [dreg:s22], $0x5FFFF  }
0xbb: {  	[dreg:$0x1] =	wrdreg $0xFFFFFFFF  }
0xbc: {  	[dreg:$0x0] =	wrdreg $0x60  }
0xbd: {  	[dreg:$0x2] =	wrdreg s24  }
0xbe: {  	[dreg:$0x3] =	wrdreg $0x9  }
0xbf: {  	_ =	task.clear_ibuf [dreg:s22], $0x4FFFF;
	_ =	strace $0x90000049  }
0xc0: {  	s29 =	simm.s32 $0x9;
	_ =	strace $0x8000004B  }
0xc1: {  	_ =	swait.ge [sflag:s29], $0x1  }
0xc2: {  	[sflag:s29] =	ssyncadd.s32 $0xFFFFFFFF  }
0xc3: {  	_ =	strace $0x9000004B  }
0xc4: {  	_ =	sfence  }
0xc5: {  	s30 =	sld [smem:$0x0];
	_ =	sdelay $0x2  }
0xc6: {  	s31 =	sshll.u32 s1, $0xD;
	s1 =	sshrl.u32 s1, $0x2  }
0xc7: {  	s4 =	sand.u32 $0x4000, s31;
	s1 =	sadd.s32 s1, s30  }
0xc8: {  	s0 =	sor.u32 s4, s0;
	s1 =	sshll.u32 s1, $0x11  }
0xc9: {  	s0 =	sor.u32 s1, s0  }
0xca: {  	s0 =	sadd.s32 $0x8F2B, s0  }
0xcb: {  	[sflag:s0] =	ssyncadd.remote.s32 $0x1  }
0xcc: {  	_ =	sfence.sel $0xFFFF  }
0xcd: {  	[dreg:$0x0] =	wrdreg $0xFFFFFFFF;
	(pc) =	sbr.abs _section_cstart, $3  }
0xce: {  	[dreg:$0x1] =	wrdreg $0xFFFFFFFF  }
0xcf: {  	_ =	task.clear_ibuf [dreg:s22], $0x2FFFF;
	_ =	strace $0x9FFFFFFF  }
0xd0: {  	(tm) =	ssettm $0x7FFFFFFF  }
0xd1: {  	_ =	shalt  }
tec
execute0_lowered:
.L_overlay_start_1:
0x0: {  	(tag) =	ssettag $0x1  }
0x1: {  	s0 =	srdreg.scid;
	s1 =	stileid.u32  }
0x2: {  	s28 =	simm.s32 $0x4000;
	s2 =	sand.u32 $0x1, s0;
	s20 =	sshll.u32 s1, $0x1  }
0x3: {  	s29 =	simm.s32 $0x1C6A0;
	s30 =	simm.s32 $0x0;
	s3 =	sor.u32 s2, s20  }
0x4: {  	s0 =	rddreg [dreg:$0x0];
	s2 =	ssub.s32 $0x2, s2;
	s15 =	smul.u32 $0xD, s3  }
0x5: {  	s1 =	sadd.s32 $0x4F6E00, s0;
	s4 =	sshrl.u32 s2, $0x1;
	s22 =	smul.u32 $0x27AC4, s3  }
0x6: {  	s6 =	sadd.s32 $0x1400, s0;
	s3 =	smul.u32 $0x6800, s3;
	s13 =	ssub.s32 s2, s4  }
0x7: {  	s5 =	sshll.u32 s15, $0x7;
	s9 =	sshrl.u32 s15, $0x4;
	s4 =	sadd.s32 $0x1, s15  }
0x8: {  	s11 =	sadd.s32 $0x4, s15;
	s12 =	sadd.s32 $0x5, s15;
	s21 =	sand.u32 $0xF800, s5  }
0x9: {  	s23 =	sshll.u32 s4, $0x7;
	s8 =	smul.u32 $0x30D4, s4;
	s5 =	sadd.s32 $0x2, s15  }
0xa: {  	s10 =	sshrl.u32 s4, $0x4;
	s17 =	sshrl.u32 s11, $0x4;
	s18 =	sshrl.u32 s12, $0x4  }
0xb: {  	s2 =	sadd.s32 s1, s21;
	s7 =	sand.u32 $0x1F800, s23;
	s24 =	sshll.u32 s5, $0x7  }
0xc: {  	s14 =	sshrl.u32 s5, $0x4;
	p0 =	seq.s32 s10, s9;
	s23 =	sshll.u32 s11, $0x7  }
0xd: {  	[dreg:$0x2] =	wrdreg s2;
	s2 =	sadd.s32 s6, s22;
	s7 =	sadd.s32 s1, s7  }
0xe: {  	s6 =	sadd.s32 s6, s8;
	s8 =	sadd.s32 $0x6, s15;
	[dreg:$0x3] =	wrdreg s7  }
0xf: {  	s9 =	simm.s32 @!p0 $0x0;
	[dreg:$0x4] =	wrdreg s6;
	s7 =	sand.u32 $0x1F800, s24  }
0x10: {  	s6 =	sadd.s32 $0x3, s15;
	s19 =	sshrl.u32 s8, $0x4;
	s9 =	simm.s32 @p0 $0x1  }
0x11: {  	p0 =	seq.s32 s14, s10;
	s7 =	sadd.s32 s1, s7;
	s25 =	sshll.u32 s6, $0x7  }
0x12: {  	s16 =	sshrl.u32 s6, $0x4;
	[smem:$0x7F8] =	sst s9;
	s9 =	simm.s32 @!p0 $0x0  }
0x13: {  	[dreg:$0x5] =	wrdreg s7;
	s7 =	sand.u32 $0x1F800, s25;
	s9 =	simm.s32 @p0 $0x1  }
0x14: {  	p0 =	seq.s32 s16, s14;
	s14 =	sadd.s32 $0x9, s15;
	s25 =	sshll.u32 s12, $0x7  }
0x15: {  	s7 =	sadd.s32 s1, s7;
	[smem:$0x7F9] =	sst s9;
	s9 =	sadd.s32 $0x8, s15  }
0x16: {  	s10 =	simm.s32 @!p0 $0x0;
	s26 =	sshrl.u32 s14, $0x4;
	[dreg:$0x6] =	wrdreg s7  }
0x17: {  	s7 =	sadd.s32 $0x7, s15;
	s10 =	simm.s32 @p0 $0x1;
	p0 =	seq.s32 s17, s16  }
0x18: {  	s21 =	sshrl.u32 s9, $0x4;
	[smem:$0x7FA] =	sst s10;
	s10 =	simm.s32 @!p0 $0x0  }
0x19: {  	s20 =	sshrl.u32 s7, $0x4;
	p1 =	seq.s32 s26, s21;
	s10 =	simm.s32 @p0 $0x1  }
0x1a: {  	p0 =	seq.s32 s18, s17;
	p6 =	seq.s32 s20, s19;
	s17 =	sadd.s32 $0xC, s15  }
0x1b: {  	[smem:$0x7FB] =	sst s10;
	s10 =	simm.s32 @!p0 $0x0;
	s24 =	sshrl.u32 s17, $0x4  }
0x1c: {  	s10 =	simm.s32 @p0 $0x1;
	p0 =	seq.s32 s19, s18;
	s19 =	sshll.u32 s7, $0x7  }
0x1d: {  	[smem:$0x7FC] =	sst s10;
	s10 =	sadd.s32 $0xA, s15;
	s16 =	simm.s32 @!p0 $0x0  }
0x1e: {  	s16 =	simm.s32 @p0 $0x1;
	s31 =	sshrl.u32 s10, $0x4;
	p0 =	seq.s32 s21, s20  }
0x1f: {  	s20 =	sand.u32 $0x1F800, s19;
	s21 =	sshll.u32 s9, $0x7;
	[smem:$0x7FD] =	sst s16  }
0x20: {  	s16 =	sadd.s32 $0xB, s15;
	p2 =	seq.s32 s31, s26;
	s15 =	sand.u32 $0x1F800, s23  }
0x21: {  	s26 =	sand.u32 $0x1F800, s25;
	s23 =	sshll.u32 s14, $0x7;
	s22 =	sshrl.u32 s16, $0x4  }
0x22: {  	s25 =	sshll.u32 s10, $0x7;
	s15 =	sadd.s32 s1, s15;
	p3 =	seq.s32 s22, s31  }
0x23: {  	p4 =	seq.s32 s24, s22;
	[dreg:$0x7] =	wrdreg s15;
	s31 =	sshll.u32 s8, $0x7  }
0x24: {  	s15 =	sadd.s32 s1, s26;
	s22 =	sand.u32 $0x1F800, s21;
	s18 =	sand.u32 $0x1F800, s31  }
0x25: {  	s24 =	sand.u32 $0x1F800, s23;
	[dreg:$0x8] =	wrdreg s15;
	s15 =	sadd.s32 s1, s18  }
0x26: {  	s26 =	sand.u32 $0x1F800, s25;
	[dreg:$0x9] =	wrdreg s15;
	s15 =	sadd.s32 s1, s20  }
0x27: {  	s31 =	sshll.u32 s16, $0x7;
	[dreg:$0xa] =	wrdreg s15;
	s15 =	sadd.s32 s1, s22  }
0x28: {  	s19 =	sand.u32 $0x1F800, s31;
	[dreg:$0xb] =	wrdreg s15;
	s15 =	sadd.s32 s1, s24  }
0x29: {  	s20 =	sshll.u32 s17, $0x7;
	[dreg:$0xc] =	wrdreg s15;
	s15 =	sadd.s32 s1, s26  }
0x2a: {  	s18 =	sand.u32 $0x1F800, s20;
	[dreg:$0xd] =	wrdreg s15;
	s15 =	sadd.s32 s1, s19  }
0x2b: {  	s13 =	smax.u32 s13, $0x1;
	s1 =	sadd.s32 s1, s18;
	[dreg:$0xe] =	wrdreg s15  }
0x2c: {  	s15 =	simm.s32 $0x0;
	[dreg:$0xf] =	wrdreg s1;
	s1 =	sadd.s32 $0x503E00, s0  }
0x2d: {  	s0 =	sadd.s32 $0x504200, s0;
	[smem:$0x7FF] =	sst s15;
	s21 =	sadd.s32 s1, s3  }
0x2e: {  	s4 =	sshll.u32 s4, $0xB;
	s3 =	sadd.s32 s3, s0;
	[dreg:$0x10] =	wrdreg s21  }
0x2f: {  	s22 =	sshll.u32 s5, $0xB;
	s23 =	sadd.s32 s1, s4;
	[dreg:$0x11] =	wrdreg s3  }
0x30: {  	s24 =	sshll.u32 s6, $0xB;
	s4 =	sadd.s32 s4, s0;
	[dreg:$0x12] =	wrdreg s23  }
0x31: {  	s6 =	sshll.u32 s12, $0xB;
	s25 =	sadd.s32 s1, s22;
	[dreg:$0x13] =	wrdreg s4  }
0x32: {  	s26 =	sshll.u32 s11, $0xB;
	s31 =	sadd.s32 s1, s24;
	[dreg:$0x14] =	wrdreg s25  }
0x33: {  	s12 =	sshll.u32 s8, $0xB;
	s11 =	sadd.s32 s1, s26;
	[dreg:$0x16] =	wrdreg s31  }
0x34: {  	s19 =	sshll.u32 s7, $0xB;
	s18 =	sadd.s32 s1, s6;
	[dreg:$0x18] =	wrdreg s11  }
0x35: {  	s20 =	sadd.s32 s1, s12;
	s3 =	sadd.s32 s22, s0;
	[dreg:$0x1a] =	wrdreg s18  }
0x36: {  	s4 =	sadd.s32 s24, s0;
	[dreg:$0x1c] =	wrdreg s20;
	s21 =	sshll.u32 s9, $0xB  }
0x37: {  	s22 =	sadd.s32 s1, s19;
	s23 =	sadd.s32 s19, s0;
	s24 =	sshll.u32 s14, $0xB  }
0x38: {  	s25 =	sshll.u32 s10, $0xB;
	s31 =	sshll.u32 s17, $0xB;
	s14 =	sadd.s32 $0x61A8, s2  }
0x39: {  	s17 =	sadd.s32 $0xC350, s2;
	s18 =	sadd.s32 $0xF424, s2;
	[dreg:$0x15] =	wrdreg s3  }
0x3a: {  	s19 =	sadd.s32 $0x124F8, s2;
	s20 =	sadd.s32 $0x155CC, s2;
	[dreg:$0x17] =	wrdreg s4  }
0x3b: {  	s3 =	sadd.s32 s26, s0;
	s4 =	sadd.s32 s6, s0;
	[dreg:$0x1e] =	wrdreg s22  }
0x3c: {  	[dreg:$0x1f] =	wrdreg s23;
	s5 =	sadd.s32 s1, s24;
	s6 =	sadd.s32 s24, s0  }
0x3d: {  	s26 =	sshll.u32 s16, $0xB;
	s7 =	sadd.s32 s1, s25;
	s8 =	sadd.s32 s25, s0  }
0x3e: {  	s11 =	sadd.s32 s1, s31;
	s16 =	sadd.s32 $0x927C, s2;
	s22 =	sadd.s32 $0x1B774, s2  }
0x3f: {  	s23 =	sadd.s32 $0x1E848, s2;
	s24 =	sadd.s32 $0x2191C, s2;
	[dreg:$0x19] =	wrdreg s3  }
0x40: {  	s25 =	sadd.s32 $0x249F0, s2;
	[dreg:$0x1b] =	wrdreg s4;
	s3 =	sadd.s32 s12, s0  }
0x41: {  	s4 =	sadd.s32 s21, s0;
	s9 =	sadd.s32 s1, s26;
	s10 =	sadd.s32 s26, s0  }
0x42: {  	s12 =	sadd.s32 s31, s0;
	s26 =	simm.s32 $0x1;
	[dreg:$0x1d] =	wrdreg s3  }
0x43: {  	s3 =	sadd.s32 s1, s21;
	s21 =	sadd.s32 $0x186A0, s2;
	_ =	strace $0x8000004A  }
.LBB2_1:
0x44: {  	s0 =	rddreg [dreg:$0x2]  }
0x45: {  	[tilespmem:s15], [sflag:$0x1] =	stream.linear.gather [hbm4b:s0+s15], $0x4000, $0x38;
	[tilespmem:$0x1E6A0] =	vst v63  }
0x46: {  	_ =	swait.ge [sflag:s26], $0x4000  }
0x47: {  	[sflag:s26] =	ssyncset.done $0x0  }
0x48: {  	[sflag:s26] =	ssyncadd.s32 $0xFFFFC000  }
0x49: {  	[tilespmem:s28], [sflag:$0x1] =	stream.linear.gather [hbm4b:s2+s15], $0x186A0, $0x38;
	[tilespmem:$0x1E6A0] =	vst v63  }
0x4a: {  	_ =	swait.ge [sflag:s26], $0x186A0  }
0x4b: {  	[sflag:s26] =	ssyncset.done $0x0  }
0x4c: {  	s31 =	simm.s32 $0x0;
	[sflag:s26] =	ssyncadd.s32 $0xFFFE7960  }
0x4d: {  	v0 =	vld [tilespmem:s31+$0x0];
	_ =	sdelay $0x7  }
0x4e: {  	s1 =	simm.s32 $0x80;
	s0 =	simm.s32 $0x10;
	v0 =	vld.idx.msk [tilespmem:v0+s28+$0x0], $0xffff  }
.LBB2_2:
0x4f: {  	p5 =	sne.s32 s1, $0x7FC0;
	v1 =	vld [tilespmem:s0+$0x0];
	_ =	sdelay $0x3  }
.Ltmp0:
0x50: {  	(pc) =	sbr.rel @p5 .LBB2_2-.Ltmp0, $2  }
0x51: {  	[tilespmem:s31+$0x1C6A0] =	vst v0;
	s31 =	smov.u32 s0;
	_ =	sdelay $0x2  }
0x52: {  	s0 =	sshra.s32 s1, $0x2;
	s1 =	sadd.s32 $0x40, s1;
	v0 =	vld.idx.msk [tilespmem:v1+s28+$0x0], $0xffff  }
0x53: {  	v1 =	vld [tilespmem:s0+$0x0];
	_ =	sdelay $0x6  }
0x54: {  	[tilespmem:s31+$0x1C6A0] =	vst v0  }
0x55: {  	v0 =	vld.idx.msk [tilespmem:v1+s28+$0x0], $0xffff;
	_ =	sdelay $0x4  }
0x56: {  	s1 =	rddreg [dreg:$0x10];
	[tilespmem:s0+$0x1C6A0] =	vst v0;
	s0 =	simm.s32 $0x0  }
0x57: {  	[hbm4b:s1+s0] =	stream.linear.scatter [tilespmem:s29], [sflag:$0x1], $0x2000, $0x38;
	[tilespmem:$0x1E6A0] =	vst v63  }
0x58: {  	_ =	swait.ge [sflag:s26], $0x2000  }
0x59: {  	[sflag:s26] =	ssyncset.done $0x0  }
0x5a: {  	s31 =	simm.s32 $0x0;
	[sflag:s26] =	ssyncadd.s32 $0xFFFFE000  }
0x5b: {  	v0 =	vld [tilespmem:s31+$0x2000];
	_ =	sdelay $0x7  }
0x5c: {  	s0 =	simm.s32 $0x10;
	s1 =	simm.s32 $0x80;
	v0 =	vld.idx.msk [tilespmem:v0+s28+$0x0], $0xffff  }
.LBB2_4:
0x5d: {  	p5 =	sne.s32 s1, $0x7FC0;
	v1 =	vld [tilespmem:s0+$0x2000];
	_ =	sdelay $0x3  }
.Ltmp1:
0x5e: {  	(pc) =	sbr.rel @p5 .LBB2_4-.Ltmp1, $2  }
0x5f: {  	[tilespmem:s31+$0x1C6A0] =	vst v0;
	s31 =	smov.u32 s0;
	_ =	sdelay $0x2  }
0x60: {  	s0 =	sshra.s32 s1, $0x2;
	s1 =	sadd.s32 $0x40, s1;
	v0 =	vld.idx.msk [tilespmem:v1+s28+$0x0], $0xffff  }
0x61: {  	v1 =	vld [tilespmem:s0+$0x2000];
	_ =	sdelay $0x6  }
0x62: {  	[tilespmem:s31+$0x1C6A0] =	vst v0  }
0x63: {  	v0 =	vld.idx.msk [tilespmem:v1+s28+$0x0], $0xffff;
	_ =	sdelay $0x4  }
0x64: {  	s1 =	rddreg [dreg:$0x11];
	[tilespmem:s0+$0x1C6A0] =	vst v0  }
0x65: {  	[hbm4b:s1+s15] =	stream.linear.scatter [tilespmem:s29], [sflag:$0x1], $0x2000, $0x38;
	[tilespmem:$0x1E6A0] =	vst v63  }
0x66: {  	_ =	swait.ge [sflag:s26], $0x2000  }
0x67: {  	s1 =	sld [smem:$0x7F8];
	_ =	sdelay $0x2  }
0x68: {  	[sflag:s26] =	ssyncset.done $0x0;
	p5 =	seq.s32 s1, $0x1  }
0x69: {  	[sflag:s26] =	ssyncadd.s32 $0xFFFFE000;
	s1 =	rddreg [dreg:$0x3];
	s0 =	simm.s32 @!p5 $0x0  }
0x6a: {  	[tilespmem:s0], [sflag:$0x1] =	stream.linear.gather @!p5 [hbm4b:s1+s0], $0x4000, $0x38;
	[tilespmem:$0x1E6A0] =	vst v63  }
0x6b: {  	s0 =	simm.s32 @!p5 $0x1  }
0x6c: {  	_ =	swait.ge @!p5 [sflag:s0], $0x4000  }
0x6d: {  	[sflag:s0] =	ssyncset.done @!p5 $0x0  }
0x6e: {  	s1 =	rddreg [dreg:$0x4];
	[sflag:s0] =	ssyncadd.s32 @!p5 $0xFFFFC000;
	s0 =	simm.s32 $0x0  }
0x6f: {  	[tilespmem:s28], [sflag:$0x1] =	stream.linear.gather [hbm4b:s1+s0], $0x186A0, $0x38;
	[tilespmem:$0x1E6A0] =	vst v63  }
0x70: {  	_ =	swait.ge [sflag:s26], $0x186A0  }
0x71: {  	[sflag:s26] =	ssyncset.done $0x0  }
0x72: {  	s31 =	simm.s32 $0x0;
	[sflag:s26] =	ssyncadd.s32 $0xFFFE7960  }
0x73: {  	v0 =	vld [tilespmem:s31+$0x0];
	_ =	sdelay $0x7  }
0x74: {  	s0 =	simm.s32 $0x10;
	s1 =	simm.s32 $0x80;
	v0 =	vld.idx.msk [tilespmem:v0+s28+$0x0], $0xffff  }
.LBB2_6:
0x75: {  	p5 =	sne.s32 s1, $0x7FC0;
	v1 =	vld [tilespmem:s0+$0x0];
	_ =	sdelay $0x3  }
.Ltmp2:
0x76: {  	(pc) =	sbr.rel @p5 .LBB2_6-.Ltmp2, $2  }
0x77: {  	[tilespmem:s31+$0x1C6A0] =	vst v0;
	s31 =	smov.u32 s0;
	_ =	sdelay $0x2  }
0x78: {  	s0 =	sshra.s32 s1, $0x2;
	s1 =	sadd.s32 $0x40, s1;
	v0 =	vld.idx.msk [tilespmem:v1+s28+$0x0], $0xffff  }
0x79: {  	v1 =	vld [tilespmem:s0+$0x0];
	_ =	sdelay $0x6  }
0x7a: {  	[tilespmem:s31+$0x1C6A0] =	vst v0  }
0x7b: {  	v0 =	vld.idx.msk [tilespmem:v1+s28+$0x0], $0xffff;
	_ =	sdelay $0x4  }
0x7c: {  	s1 =	rddreg [dreg:$0x12];
	[tilespmem:s0+$0x1C6A0] =	vst v0;
	s0 =	simm.s32 $0x0  }
0x7d: {  	[hbm4b:s1+s0] =	stream.linear.scatter [tilespmem:s29], [sflag:$0x1], $0x2000, $0x38;
	[tilespmem:$0x1E6A0] =	vst v63  }
0x7e: {  	_ =	swait.ge [sflag:s26], $0x2000  }
0x7f: {  	[sflag:s26] =	ssyncset.done $0x0  }
0x80: {  	s31 =	simm.s32 $0x0;
	[sflag:s26] =	ssyncadd.s32 $0xFFFFE000  }
0x81: {  	v0 =	vld [tilespmem:s31+$0x2000];
	_ =	sdelay $0x7  }
0x82: {  	s0 =	simm.s32 $0x10;
	s1 =	simm.s32 $0x80;
	v0 =	vld.idx.msk [tilespmem:v0+s28+$0x0], $0xffff  }
.LBB2_8:
0x83: {  	p5 =	sne.s32 s1, $0x7FC0;
	v1 =	vld [tilespmem:s0+$0x2000];
	_ =	sdelay $0x3  }
.Ltmp3:
0x84: {  	(pc) =	sbr.rel @p5 .LBB2_8-.Ltmp3, $2  }
0x85: {  	[tilespmem:s31+$0x1C6A0] =	vst v0;
	s31 =	smov.u32 s0;
	_ =	sdelay $0x2  }
0x86: {  	s0 =	sshra.s32 s1, $0x2;
	s1 =	sadd.s32 $0x40, s1;
	v0 =	vld.idx.msk [tilespmem:v1+s28+$0x0], $0xffff  }
0x87: {  	v1 =	vld [tilespmem:s0+$0x2000];
	_ =	sdelay $0x6  }
0x88: {  	[tilespmem:s31+$0x1C6A0] =	vst v0  }
0x89: {  	v0 =	vld.idx.msk [tilespmem:v1+s28+$0x0], $0xffff;
	_ =	sdelay $0x4  }
0x8a: {  	s1 =	rddreg [dreg:$0x13];
	[tilespmem:s0+$0x1C6A0] =	vst v0  }
0x8b: {  	[hbm4b:s1+s15] =	stream.linear.scatter [tilespmem:s29], [sflag:$0x1], $0x2000, $0x38;
	[tilespmem:$0x1E6A0] =	vst v63  }
0x8c: {  	_ =	swait.ge [sflag:s26], $0x2000  }
0x8d: {  	s1 =	sld [smem:$0x7F9];
	_ =	sdelay $0x2  }
0x8e: {  	[sflag:s26] =	ssyncset.done $0x0;
	p5 =	seq.s32 s1, $0x1  }
0x8f: {  	[sflag:s26] =	ssyncadd.s32 $0xFFFFE000;
	s1 =	rddreg [dreg:$0x5];
	s0 =	simm.s32 @!p5 $0x0  }
0x90: {  	[tilespmem:s0], [sflag:$0x1] =	stream.linear.gather @!p5 [hbm4b:s1+s0], $0x4000, $0x38;
	[tilespmem:$0x1E6A0] =	vst v63  }
0x91: {  	s0 =	simm.s32 @!p5 $0x1  }
0x92: {  	_ =	swait.ge @!p5 [sflag:s0], $0x4000  }
0x93: {  	[sflag:s0] =	ssyncset.done @!p5 $0x0  }
0x94: {  	s1 =	simm.s32 $0x0;
	[sflag:s0] =	ssyncadd.s32 @!p5 $0xFFFFC000  }
0x95: {  	[tilespmem:s28], [sflag:$0x1] =	stream.linear.gather [hbm4b:s14+s1], $0x186A0, $0x38;
	[tilespmem:$0x1E6A0] =	vst v63  }
0x96: {  	_ =	swait.ge [sflag:s26], $0x186A0  }
0x97: {  	[sflag:s26] =	ssyncset.done $0x0  }
0x98: {  	s31 =	simm.s32 $0x0;
	[sflag:s26] =	ssyncadd.s32 $0xFFFE7960  }
0x99: {  	v0 =	vld [tilespmem:s31+$0x0];
	_ =	sdelay $0x7  }
0x9a: {  	s0 =	simm.s32 $0x10;
	s1 =	simm.s32 $0x80;
	v0 =	vld.idx.msk [tilespmem:v0+s28+$0x0], $0xffff  }
.LBB2_10:
0x9b: {  	p5 =	sne.s32 s1, $0x7FC0;
	v1 =	vld [tilespmem:s0+$0x0];
	_ =	sdelay $0x3  }
.Ltmp4:
0x9c: {  	(pc) =	sbr.rel @p5 .LBB2_10-.Ltmp4, $2  }
0x9d: {  	[tilespmem:s31+$0x1C6A0] =	vst v0;
	s31 =	smov.u32 s0;
	_ =	sdelay $0x2  }
0x9e: {  	s0 =	sshra.s32 s1, $0x2;
	s1 =	sadd.s32 $0x40, s1;
	v0 =	vld.idx.msk [tilespmem:v1+s28+$0x0], $0xffff  }
0x9f: {  	v1 =	vld [tilespmem:s0+$0x0];
	_ =	sdelay $0x6  }
0xa0: {  	[tilespmem:s31+$0x1C6A0] =	vst v0  }
0xa1: {  	v0 =	vld.idx.msk [tilespmem:v1+s28+$0x0], $0xffff;
	_ =	sdelay $0x4  }
0xa2: {  	s1 =	rddreg [dreg:$0x14];
	[tilespmem:s0+$0x1C6A0] =	vst v0;
	s0 =	simm.s32 $0x0  }
0xa3: {  	[hbm4b:s1+s0] =	stream.linear.scatter [tilespmem:s29], [sflag:$0x1], $0x2000, $0x38;
	[tilespmem:$0x1E6A0] =	vst v63  }
0xa4: {  	_ =	swait.ge [sflag:s26], $0x2000  }
0xa5: {  	[sflag:s26] =	ssyncset.done $0x0  }
0xa6: {  	s31 =	simm.s32 $0x0;
	[sflag:s26] =	ssyncadd.s32 $0xFFFFE000  }
0xa7: {  	v0 =	vld [tilespmem:s31+$0x2000];
	_ =	sdelay $0x7  }
0xa8: {  	s0 =	simm.s32 $0x10;
	s1 =	simm.s32 $0x80;
	v0 =	vld.idx.msk [tilespmem:v0+s28+$0x0], $0xffff  }
.LBB2_12:
0xa9: {  	p5 =	sne.s32 s1, $0x7FC0;
	v1 =	vld [tilespmem:s0+$0x2000];
	_ =	sdelay $0x3  }
.Ltmp5:
0xaa: {  	(pc) =	sbr.rel @p5 .LBB2_12-.Ltmp5, $2  }
0xab: {  	[tilespmem:s31+$0x1C6A0] =	vst v0;
	s31 =	smov.u32 s0;
	_ =	sdelay $0x2  }
0xac: {  	s0 =	sshra.s32 s1, $0x2;
	s1 =	sadd.s32 $0x40, s1;
	v0 =	vld.idx.msk [tilespmem:v1+s28+$0x0], $0xffff  }
0xad: {  	v1 =	vld [tilespmem:s0+$0x2000];
	_ =	sdelay $0x6  }
0xae: {  	[tilespmem:s31+$0x1C6A0] =	vst v0  }
0xaf: {  	v0 =	vld.idx.msk [tilespmem:v1+s28+$0x0], $0xffff;
	_ =	sdelay $0x4  }
0xb0: {  	s1 =	rddreg [dreg:$0x15];
	[tilespmem:s0+$0x1C6A0] =	vst v0  }
0xb1: {  	[hbm4b:s1+s15] =	stream.linear.scatter [tilespmem:s29], [sflag:$0x1], $0x2000, $0x38;
	[tilespmem:$0x1E6A0] =	vst v63  }
0xb2: {  	_ =	swait.ge [sflag:s26], $0x2000  }
0xb3: {  	s1 =	sld [smem:$0x7FA];
	_ =	sdelay $0x2  }
0xb4: {  	[sflag:s26] =	ssyncset.done $0x0;
	p5 =	seq.s32 s1, $0x1  }
0xb5: {  	[sflag:s26] =	ssyncadd.s32 $0xFFFFE000;
	s1 =	rddreg [dreg:$0x6];
	s0 =	simm.s32 @!p5 $0x0  }
0xb6: {  	[tilespmem:s0], [sflag:$0x1] =	stream.linear.gather @!p5 [hbm4b:s1+s0], $0x4000, $0x38;
	[tilespmem:$0x1E6A0] =	vst v63  }
0xb7: {  	s0 =	simm.s32 @!p5 $0x1  }
0xb8: {  	_ =	swait.ge @!p5 [sflag:s0], $0x4000  }
0xb9: {  	[sflag:s0] =	ssyncset.done @!p5 $0x0  }
0xba: {  	s1 =	simm.s32 $0x0;
	[sflag:s0] =	ssyncadd.s32 @!p5 $0xFFFFC000  }
0xbb: {  	[tilespmem:s28], [sflag:$0x1] =	stream.linear.gather [hbm4b:s16+s1], $0x186A0, $0x38;
	[tilespmem:$0x1E6A0] =	vst v63  }
0xbc: {  	_ =	swait.ge [sflag:s26], $0x186A0  }
0xbd: {  	[sflag:s26] =	ssyncset.done $0x0  }
0xbe: {  	s31 =	simm.s32 $0x0;
	[sflag:s26] =	ssyncadd.s32 $0xFFFE7960  }
0xbf: {  	v0 =	vld [tilespmem:s31+$0x0];
	_ =	sdelay $0x7  }
0xc0: {  	s0 =	simm.s32 $0x10;
	s1 =	simm.s32 $0x80;
	v0 =	vld.idx.msk [tilespmem:v0+s28+$0x0], $0xffff  }
.LBB2_14:
0xc1: {  	p5 =	sne.s32 s1, $0x7FC0;
	v1 =	vld [tilespmem:s0+$0x0];
	_ =	sdelay $0x3  }
.Ltmp6:
0xc2: {  	(pc) =	sbr.rel @p5 .LBB2_14-.Ltmp6, $2  }
0xc3: {  	[tilespmem:s31+$0x1C6A0] =	vst v0;
	s31 =	smov.u32 s0;
	_ =	sdelay $0x2  }
0xc4: {  	s0 =	sshra.s32 s1, $0x2;
	s1 =	sadd.s32 $0x40, s1;
	v0 =	vld.idx.msk [tilespmem:v1+s28+$0x0], $0xffff  }
0xc5: {  	v1 =	vld [tilespmem:s0+$0x0];
	_ =	sdelay $0x6  }
0xc6: {  	[tilespmem:s31+$0x1C6A0] =	vst v0  }
0xc7: {  	v0 =	vld.idx.msk [tilespmem:v1+s28+$0x0], $0xffff;
	_ =	sdelay $0x4  }
0xc8: {  	s1 =	rddreg [dreg:$0x16];
	[tilespmem:s0+$0x1C6A0] =	vst v0;
	s0 =	simm.s32 $0x0  }
0xc9: {  	[hbm4b:s1+s0] =	stream.linear.scatter [tilespmem:s29], [sflag:$0x1], $0x2000, $0x38;
	[tilespmem:$0x1E6A0] =	vst v63  }
0xca: {  	_ =	swait.ge [sflag:s26], $0x2000  }
0xcb: {  	[sflag:s26] =	ssyncset.done $0x0  }
0xcc: {  	s31 =	simm.s32 $0x0;
	[sflag:s26] =	ssyncadd.s32 $0xFFFFE000  }
0xcd: {  	v0 =	vld [tilespmem:s31+$0x2000];
	_ =	sdelay $0x7  }
0xce: {  	s0 =	simm.s32 $0x10;
	s1 =	simm.s32 $0x80;
	v0 =	vld.idx.msk [tilespmem:v0+s28+$0x0], $0xffff  }
.LBB2_16:
0xcf: {  	p5 =	sne.s32 s1, $0x7FC0;
	v1 =	vld [tilespmem:s0+$0x2000];
	_ =	sdelay $0x3  }
.Ltmp7:
0xd0: {  	(pc) =	sbr.rel @p5 .LBB2_16-.Ltmp7, $2  }
0xd1: {  	[tilespmem:s31+$0x1C6A0] =	vst v0;
	s31 =	smov.u32 s0;
	_ =	sdelay $0x2  }
0xd2: {  	s0 =	sshra.s32 s1, $0x2;
	s1 =	sadd.s32 $0x40, s1;
	v0 =	vld.idx.msk [tilespmem:v1+s28+$0x0], $0xffff  }
0xd3: {  	v1 =	vld [tilespmem:s0+$0x2000];
	_ =	sdelay $0x6  }
0xd4: {  	[tilespmem:s31+$0x1C6A0] =	vst v0  }
0xd5: {  	v0 =	vld.idx.msk [tilespmem:v1+s28+$0x0], $0xffff;
	_ =	sdelay $0x4  }
0xd6: {  	s1 =	rddreg [dreg:$0x17];
	[tilespmem:s0+$0x1C6A0] =	vst v0  }
0xd7: {  	[hbm4b:s1+s15] =	stream.linear.scatter [tilespmem:s29], [sflag:$0x1], $0x2000, $0x38;
	[tilespmem:$0x1E6A0] =	vst v63  }
0xd8: {  	_ =	swait.ge [sflag:s26], $0x2000  }
0xd9: {  	s1 =	sld [smem:$0x7FB];
	_ =	sdelay $0x2  }
0xda: {  	[sflag:s26] =	ssyncset.done $0x0;
	p5 =	seq.s32 s1, $0x1  }
0xdb: {  	[sflag:s26] =	ssyncadd.s32 $0xFFFFE000;
	s1 =	rddreg [dreg:$0x7];
	s0 =	simm.s32 @!p5 $0x0  }
0xdc: {  	[tilespmem:s0], [sflag:$0x1] =	stream.linear.gather @!p5 [hbm4b:s1+s0], $0x4000, $0x38;
	[tilespmem:$0x1E6A0] =	vst v63  }
0xdd: {  	s0 =	simm.s32 @!p5 $0x1  }
0xde: {  	_ =	swait.ge @!p5 [sflag:s0], $0x4000  }
0xdf: {  	[sflag:s0] =	ssyncset.done @!p5 $0x0  }
0xe0: {  	s1 =	simm.s32 $0x0;
	[sflag:s0] =	ssyncadd.s32 @!p5 $0xFFFFC000  }
0xe1: {  	[tilespmem:s28], [sflag:$0x1] =	stream.linear.gather [hbm4b:s17+s1], $0x186A0, $0x38;
	[tilespmem:$0x1E6A0] =	vst v63  }
0xe2: {  	_ =	swait.ge [sflag:s26], $0x186A0  }
0xe3: {  	[sflag:s26] =	ssyncset.done $0x0  }
0xe4: {  	s31 =	simm.s32 $0x0;
	[sflag:s26] =	ssyncadd.s32 $0xFFFE7960  }
0xe5: {  	v0 =	vld [tilespmem:s31+$0x0];
	_ =	sdelay $0x7  }
0xe6: {  	s0 =	simm.s32 $0x10;
	s1 =	simm.s32 $0x80;
	v0 =	vld.idx.msk [tilespmem:v0+s28+$0x0], $0xffff  }
.LBB2_18:
0xe7: {  	p5 =	sne.s32 s1, $0x7FC0;
	v1 =	vld [tilespmem:s0+$0x0];
	_ =	sdelay $0x3  }
.Ltmp8:
0xe8: {  	(pc) =	sbr.rel @p5 .LBB2_18-.Ltmp8, $2  }
0xe9: {  	[tilespmem:s31+$0x1C6A0] =	vst v0;
	s31 =	smov.u32 s0;
	_ =	sdelay $0x2  }
0xea: {  	s0 =	sshra.s32 s1, $0x2;
	s1 =	sadd.s32 $0x40, s1;
	v0 =	vld.idx.msk [tilespmem:v1+s28+$0x0], $0xffff  }
0xeb: {  	v1 =	vld [tilespmem:s0+$0x0];
	_ =	sdelay $0x6  }
0xec: {  	[tilespmem:s31+$0x1C6A0] =	vst v0  }
0xed: {  	v0 =	vld.idx.msk [tilespmem:v1+s28+$0x0], $0xffff;
	_ =	sdelay $0x4  }
0xee: {  	s1 =	rddreg [dreg:$0x18];
	[tilespmem:s0+$0x1C6A0] =	vst v0;
	s0 =	simm.s32 $0x0  }
0xef: {  	[hbm4b:s1+s0] =	stream.linear.scatter [tilespmem:s29], [sflag:$0x1], $0x2000, $0x38;
	[tilespmem:$0x1E6A0] =	vst v63  }
0xf0: {  	_ =	swait.ge [sflag:s26], $0x2000  }
0xf1: {  	[sflag:s26] =	ssyncset.done $0x0  }
0xf2: {  	s31 =	simm.s32 $0x0;
	[sflag:s26] =	ssyncadd.s32 $0xFFFFE000  }
0xf3: {  	v0 =	vld [tilespmem:s31+$0x2000];
	_ =	sdelay $0x7  }
0xf4: {  	s0 =	simm.s32 $0x10;
	s1 =	simm.s32 $0x80;
	v0 =	vld.idx.msk [tilespmem:v0+s28+$0x0], $0xffff  }
.LBB2_20:
0xf5: {  	p5 =	sne.s32 s1, $0x7FC0;
	v1 =	vld [tilespmem:s0+$0x2000];
	_ =	sdelay $0x3  }
.Ltmp9:
0xf6: {  	(pc) =	sbr.rel @p5 .LBB2_20-.Ltmp9, $2  }
0xf7: {  	[tilespmem:s31+$0x1C6A0] =	vst v0;
	s31 =	smov.u32 s0;
	_ =	sdelay $0x2  }
0xf8: {  	s0 =	sshra.s32 s1, $0x2;
	s1 =	sadd.s32 $0x40, s1;
	v0 =	vld.idx.msk [tilespmem:v1+s28+$0x0], $0xffff  }
0xf9: {  	v1 =	vld [tilespmem:s0+$0x2000];
	_ =	sdelay $0x6  }
0xfa: {  	[tilespmem:s31+$0x1C6A0] =	vst v0  }
0xfb: {  	v0 =	vld.idx.msk [tilespmem:v1+s28+$0x0], $0xffff;
	_ =	sdelay $0x4  }
0xfc: {  	s1 =	rddreg [dreg:$0x19];
	[tilespmem:s0+$0x1C6A0] =	vst v0  }
0xfd: {  	[hbm4b:s1+s15] =	stream.linear.scatter [tilespmem:s29], [sflag:$0x1], $0x2000, $0x38;
	[tilespmem:$0x1E6A0] =	vst v63  }
0xfe: {  	_ =	swait.ge [sflag:s26], $0x2000  }
0xff: {  	s1 =	sld [smem:$0x7FC];
	_ =	sdelay $0x2  }
0x100: {  	[sflag:s26] =	ssyncset.done $0x0;
	p5 =	seq.s32 s1, $0x1  }
0x101: {  	[sflag:s26] =	ssyncadd.s32 $0xFFFFE000;
	s1 =	rddreg [dreg:$0x8];
	s0 =	simm.s32 @!p5 $0x0  }
0x102: {  	[tilespmem:s0], [sflag:$0x1] =	stream.linear.gather @!p5 [hbm4b:s1+s0], $0x4000, $0x38;
	[tilespmem:$0x1E6A0] =	vst v63  }
0x103: {  	s0 =	simm.s32 @!p5 $0x1  }
0x104: {  	_ =	swait.ge @!p5 [sflag:s0], $0x4000  }
0x105: {  	[sflag:s0] =	ssyncset.done @!p5 $0x0  }
0x106: {  	s1 =	simm.s32 $0x0;
	[sflag:s0] =	ssyncadd.s32 @!p5 $0xFFFFC000  }
0x107: {  	[tilespmem:s28], [sflag:$0x1] =	stream.linear.gather [hbm4b:s18+s1], $0x186A0, $0x38;
	[tilespmem:$0x1E6A0] =	vst v63  }
0x108: {  	_ =	swait.ge [sflag:s26], $0x186A0  }
0x109: {  	[sflag:s26] =	ssyncset.done $0x0  }
0x10a: {  	s31 =	simm.s32 $0x0;
	[sflag:s26] =	ssyncadd.s32 $0xFFFE7960  }
0x10b: {  	v0 =	vld [tilespmem:s31+$0x0];
	_ =	sdelay $0x7  }
0x10c: {  	s0 =	simm.s32 $0x10;
	s1 =	simm.s32 $0x80;
	v0 =	vld.idx.msk [tilespmem:v0+s28+$0x0], $0xffff  }
.LBB2_22:
0x10d: {  	p5 =	sne.s32 s1, $0x7FC0;
	v1 =	vld [tilespmem:s0+$0x0];
	_ =	sdelay $0x3  }
.Ltmp10:
0x10e: {  	(pc) =	sbr.rel @p5 .LBB2_22-.Ltmp10, $2  }
0x10f: {  	[tilespmem:s31+$0x1C6A0] =	vst v0;
	s31 =	smov.u32 s0;
	_ =	sdelay $0x2  }
0x110: {  	s0 =	sshra.s32 s1, $0x2;
	s1 =	sadd.s32 $0x40, s1;
	v0 =	vld.idx.msk [tilespmem:v1+s28+$0x0], $0xffff  }
0x111: {  	v1 =	vld [tilespmem:s0+$0x0];
	_ =	sdelay $0x6  }
0x112: {  	[tilespmem:s31+$0x1C6A0] =	vst v0  }
0x113: {  	v0 =	vld.idx.msk [tilespmem:v1+s28+$0x0], $0xffff;
	_ =	sdelay $0x4  }
0x114: {  	s1 =	rddreg [dreg:$0x1a];
	[tilespmem:s0+$0x1C6A0] =	vst v0;
	s0 =	simm.s32 $0x0  }
0x115: {  	[hbm4b:s1+s0] =	stream.linear.scatter [tilespmem:s29], [sflag:$0x1], $0x2000, $0x38;
	[tilespmem:$0x1E6A0] =	vst v63  }
0x116: {  	_ =	swait.ge [sflag:s26], $0x2000  }
0x117: {  	[sflag:s26] =	ssyncset.done $0x0  }
0x118: {  	s31 =	simm.s32 $0x0;
	[sflag:s26] =	ssyncadd.s32 $0xFFFFE000  }
0x119: {  	v0 =	vld [tilespmem:s31+$0x2000];
	_ =	sdelay $0x7  }
0x11a: {  	s0 =	simm.s32 $0x10;
	s1 =	simm.s32 $0x80;
	v0 =	vld.idx.msk [tilespmem:v0+s28+$0x0], $0xffff  }
.LBB2_24:
0x11b: {  	p5 =	sne.s32 s1, $0x7FC0;
	v1 =	vld [tilespmem:s0+$0x2000];
	_ =	sdelay $0x3  }
.Ltmp11:
0x11c: {  	(pc) =	sbr.rel @p5 .LBB2_24-.Ltmp11, $2  }
0x11d: {  	[tilespmem:s31+$0x1C6A0] =	vst v0;
	s31 =	smov.u32 s0;
	_ =	sdelay $0x2  }
0x11e: {  	s0 =	sshra.s32 s1, $0x2;
	s1 =	sadd.s32 $0x40, s1;
	v0 =	vld.idx.msk [tilespmem:v1+s28+$0x0], $0xffff  }
0x11f: {  	v1 =	vld [tilespmem:s0+$0x2000];
	_ =	sdelay $0x6  }
0x120: {  	[tilespmem:s31+$0x1C6A0] =	vst v0  }
0x121: {  	v0 =	vld.idx.msk [tilespmem:v1+s28+$0x0], $0xffff;
	_ =	sdelay $0x4  }
0x122: {  	s1 =	rddreg [dreg:$0x1b];
	[tilespmem:s0+$0x1C6A0] =	vst v0  }
0x123: {  	[hbm4b:s1+s15] =	stream.linear.scatter [tilespmem:s29], [sflag:$0x1], $0x2000, $0x38;
	[tilespmem:$0x1E6A0] =	vst v63  }
0x124: {  	_ =	swait.ge [sflag:s26], $0x2000  }
0x125: {  	s1 =	sld [smem:$0x7FD];
	_ =	sdelay $0x2  }
0x126: {  	[sflag:s26] =	ssyncset.done $0x0;
	p5 =	seq.s32 s1, $0x1  }
0x127: {  	[sflag:s26] =	ssyncadd.s32 $0xFFFFE000;
	s1 =	rddreg [dreg:$0x9];
	s0 =	simm.s32 @!p5 $0x0  }
0x128: {  	[tilespmem:s0], [sflag:$0x1] =	stream.linear.gather @!p5 [hbm4b:s1+s0], $0x4000, $0x38;
	[tilespmem:$0x1E6A0] =	vst v63  }
0x129: {  	s0 =	simm.s32 @!p5 $0x1  }
0x12a: {  	_ =	swait.ge @!p5 [sflag:s0], $0x4000  }
0x12b: {  	[sflag:s0] =	ssyncset.done @!p5 $0x0  }
0x12c: {  	s1 =	simm.s32 $0x0;
	[sflag:s0] =	ssyncadd.s32 @!p5 $0xFFFFC000  }
0x12d: {  	[tilespmem:s28], [sflag:$0x1] =	stream.linear.gather [hbm4b:s19+s1], $0x186A0, $0x38;
	[tilespmem:$0x1E6A0] =	vst v63  }
0x12e: {  	_ =	swait.ge [sflag:s26], $0x186A0  }
0x12f: {  	[sflag:s26] =	ssyncset.done $0x0  }
0x130: {  	s31 =	simm.s32 $0x0;
	[sflag:s26] =	ssyncadd.s32 $0xFFFE7960  }
0x131: {  	v0 =	vld [tilespmem:s31+$0x0];
	_ =	sdelay $0x7  }
0x132: {  	s0 =	simm.s32 $0x10;
	s1 =	simm.s32 $0x80;
	v0 =	vld.idx.msk [tilespmem:v0+s28+$0x0], $0xffff  }
.LBB2_26:
0x133: {  	p5 =	sne.s32 s1, $0x7FC0;
	v1 =	vld [tilespmem:s0+$0x0];
	_ =	sdelay $0x3  }
.Ltmp12:
0x134: {  	(pc) =	sbr.rel @p5 .LBB2_26-.Ltmp12, $2  }
0x135: {  	[tilespmem:s31+$0x1C6A0] =	vst v0;
	s31 =	smov.u32 s0;
	_ =	sdelay $0x2  }
0x136: {  	s0 =	sshra.s32 s1, $0x2;
	s1 =	sadd.s32 $0x40, s1;
	v0 =	vld.idx.msk [tilespmem:v1+s28+$0x0], $0xffff  }
0x137: {  	v1 =	vld [tilespmem:s0+$0x0];
	_ =	sdelay $0x6  }
0x138: {  	[tilespmem:s31+$0x1C6A0] =	vst v0  }
0x139: {  	v0 =	vld.idx.msk [tilespmem:v1+s28+$0x0], $0xffff;
	_ =	sdelay $0x4  }
0x13a: {  	s1 =	rddreg [dreg:$0x1c];
	[tilespmem:s0+$0x1C6A0] =	vst v0;
	s0 =	simm.s32 $0x0  }
0x13b: {  	[hbm4b:s1+s0] =	stream.linear.scatter [tilespmem:s29], [sflag:$0x1], $0x2000, $0x38;
	[tilespmem:$0x1E6A0] =	vst v63  }
0x13c: {  	_ =	swait.ge [sflag:s26], $0x2000  }
0x13d: {  	[sflag:s26] =	ssyncset.done $0x0  }
0x13e: {  	s31 =	simm.s32 $0x0;
	[sflag:s26] =	ssyncadd.s32 $0xFFFFE000  }
0x13f: {  	v0 =	vld [tilespmem:s31+$0x2000];
	_ =	sdelay $0x7  }
0x140: {  	s0 =	simm.s32 $0x10;
	s1 =	simm.s32 $0x80;
	v0 =	vld.idx.msk [tilespmem:v0+s28+$0x0], $0xffff  }
.LBB2_28:
0x141: {  	p5 =	sne.s32 s1, $0x7FC0;
	v1 =	vld [tilespmem:s0+$0x2000];
	_ =	sdelay $0x3  }
.Ltmp13:
0x142: {  	(pc) =	sbr.rel @p5 .LBB2_28-.Ltmp13, $2  }
0x143: {  	[tilespmem:s31+$0x1C6A0] =	vst v0;
	s31 =	smov.u32 s0;
	_ =	sdelay $0x2  }
0x144: {  	s0 =	sshra.s32 s1, $0x2;
	s1 =	sadd.s32 $0x40, s1;
	v0 =	vld.idx.msk [tilespmem:v1+s28+$0x0], $0xffff  }
0x145: {  	v1 =	vld [tilespmem:s0+$0x2000];
	_ =	sdelay $0x6  }
0x146: {  	[tilespmem:s31+$0x1C6A0] =	vst v0  }
0x147: {  	v0 =	vld.idx.msk [tilespmem:v1+s28+$0x0], $0xffff;
	_ =	sdelay $0x4  }
0x148: {  	s1 =	rddreg [dreg:$0x1d];
	[tilespmem:s0+$0x1C6A0] =	vst v0  }
0x149: {  	[hbm4b:s1+s15] =	stream.linear.scatter [tilespmem:s29], [sflag:$0x1], $0x2000, $0x38;
	[tilespmem:$0x1E6A0] =	vst v63  }
0x14a: {  	_ =	swait.ge [sflag:s26], $0x2000  }
0x14b: {  	[sflag:s26] =	ssyncset.done $0x0  }
0x14c: {  	s0 =	simm.s32 @!p6 $0x0;
	s1 =	rddreg [dreg:$0xa];
	[sflag:s26] =	ssyncadd.s32 $0xFFFFE000  }
0x14d: {  	[tilespmem:s0], [sflag:$0x1] =	stream.linear.gather @!p6 [hbm4b:s1+s0], $0x4000, $0x38;
	[tilespmem:$0x1E6A0] =	vst v63  }
0x14e: {  	s0 =	simm.s32 @!p6 $0x1  }
0x14f: {  	_ =	swait.ge @!p6 [sflag:s0], $0x4000  }
0x150: {  	[sflag:s0] =	ssyncset.done @!p6 $0x0  }
0x151: {  	s1 =	simm.s32 $0x0;
	[sflag:s0] =	ssyncadd.s32 @!p6 $0xFFFFC000  }
0x152: {  	[tilespmem:s28], [sflag:$0x1] =	stream.linear.gather [hbm4b:s20+s1], $0x186A0, $0x38;
	[tilespmem:$0x1E6A0] =	vst v63  }
0x153: {  	_ =	swait.ge [sflag:s26], $0x186A0  }
0x154: {  	[sflag:s26] =	ssyncset.done $0x0  }
0x155: {  	s31 =	simm.s32 $0x0;
	[sflag:s26] =	ssyncadd.s32 $0xFFFE7960  }
0x156: {  	v0 =	vld [tilespmem:s31+$0x0];
	_ =	sdelay $0x7  }
0x157: {  	s0 =	simm.s32 $0x10;
	s1 =	simm.s32 $0x80;
	v0 =	vld.idx.msk [tilespmem:v0+s28+$0x0], $0xffff  }
.LBB2_30:
0x158: {  	p5 =	sne.s32 s1, $0x7FC0;
	v1 =	vld [tilespmem:s0+$0x0];
	_ =	sdelay $0x3  }
.Ltmp14:
0x159: {  	(pc) =	sbr.rel @p5 .LBB2_30-.Ltmp14, $2  }
0x15a: {  	[tilespmem:s31+$0x1C6A0] =	vst v0;
	s31 =	smov.u32 s0;
	_ =	sdelay $0x2  }
0x15b: {  	s0 =	sshra.s32 s1, $0x2;
	s1 =	sadd.s32 $0x40, s1;
	v0 =	vld.idx.msk [tilespmem:v1+s28+$0x0], $0xffff  }
0x15c: {  	v1 =	vld [tilespmem:s0+$0x0];
	_ =	sdelay $0x6  }
0x15d: {  	[tilespmem:s31+$0x1C6A0] =	vst v0  }
0x15e: {  	v0 =	vld.idx.msk [tilespmem:v1+s28+$0x0], $0xffff;
	_ =	sdelay $0x4  }
0x15f: {  	s1 =	rddreg [dreg:$0x1e];
	[tilespmem:s0+$0x1C6A0] =	vst v0;
	s0 =	simm.s32 $0x0  }
0x160: {  	[hbm4b:s1+s0] =	stream.linear.scatter [tilespmem:s29], [sflag:$0x1], $0x2000, $0x38;
	[tilespmem:$0x1E6A0] =	vst v63  }
0x161: {  	_ =	swait.ge [sflag:s26], $0x2000  }
0x162: {  	[sflag:s26] =	ssyncset.done $0x0  }
0x163: {  	s31 =	simm.s32 $0x0;
	[sflag:s26] =	ssyncadd.s32 $0xFFFFE000  }
0x164: {  	v0 =	vld [tilespmem:s31+$0x2000];
	_ =	sdelay $0x7  }
0x165: {  	s0 =	simm.s32 $0x10;
	s1 =	simm.s32 $0x80;
	v0 =	vld.idx.msk [tilespmem:v0+s28+$0x0], $0xffff  }
.LBB2_32:
0x166: {  	p5 =	sne.s32 s1, $0x7FC0;
	v1 =	vld [tilespmem:s0+$0x2000];
	_ =	sdelay $0x3  }
.Ltmp15:
0x167: {  	(pc) =	sbr.rel @p5 .LBB2_32-.Ltmp15, $2  }
0x168: {  	[tilespmem:s31+$0x1C6A0] =	vst v0;
	s31 =	smov.u32 s0;
	_ =	sdelay $0x2  }
0x169: {  	s0 =	sshra.s32 s1, $0x2;
	s1 =	sadd.s32 $0x40, s1;
	v0 =	vld.idx.msk [tilespmem:v1+s28+$0x0], $0xffff  }
0x16a: {  	v1 =	vld [tilespmem:s0+$0x2000];
	_ =	sdelay $0x6  }
0x16b: {  	[tilespmem:s31+$0x1C6A0] =	vst v0  }
0x16c: {  	v0 =	vld.idx.msk [tilespmem:v1+s28+$0x0], $0xffff;
	_ =	sdelay $0x4  }
0x16d: {  	s1 =	rddreg [dreg:$0x1f];
	[tilespmem:s0+$0x1C6A0] =	vst v0  }
0x16e: {  	[hbm4b:s1+s15] =	stream.linear.scatter [tilespmem:s29], [sflag:$0x1], $0x2000, $0x38;
	[tilespmem:$0x1E6A0] =	vst v63  }
0x16f: {  	_ =	swait.ge [sflag:s26], $0x2000  }
0x170: {  	[sflag:s26] =	ssyncset.done $0x0  }
0x171: {  	s0 =	simm.s32 @!p0 $0x0;
	s1 =	rddreg [dreg:$0xb];
	[sflag:s26] =	ssyncadd.s32 $0xFFFFE000  }
0x172: {  	[tilespmem:s0], [sflag:$0x1] =	stream.linear.gather @!p0 [hbm4b:s1+s0], $0x4000, $0x38;
	[tilespmem:$0x1E6A0] =	vst v63  }
0x173: {  	s0 =	simm.s32 @!p0 $0x1  }
0x174: {  	_ =	swait.ge @!p0 [sflag:s0], $0x4000  }
0x175: {  	[sflag:s0] =	ssyncset.done @!p0 $0x0  }
0x176: {  	s1 =	simm.s32 $0x0;
	[sflag:s0] =	ssyncadd.s32 @!p0 $0xFFFFC000  }
0x177: {  	[tilespmem:s28], [sflag:$0x1] =	stream.linear.gather [hbm4b:s21+s1], $0x186A0, $0x38;
	[tilespmem:$0x1E6A0] =	vst v63  }
0x178: {  	_ =	swait.ge [sflag:s26], $0x186A0  }
0x179: {  	[sflag:s26] =	ssyncset.done $0x0  }
0x17a: {  	s31 =	simm.s32 $0x0;
	[sflag:s26] =	ssyncadd.s32 $0xFFFE7960  }
0x17b: {  	v0 =	vld [tilespmem:s31+$0x0];
	_ =	sdelay $0x7  }
0x17c: {  	s0 =	simm.s32 $0x10;
	s1 =	simm.s32 $0x80;
	v0 =	vld.idx.msk [tilespmem:v0+s28+$0x0], $0xffff  }
.LBB2_34:
0x17d: {  	p5 =	sne.s32 s1, $0x7FC0;
	v1 =	vld [tilespmem:s0+$0x0];
	_ =	sdelay $0x3  }
.Ltmp16:
0x17e: {  	(pc) =	sbr.rel @p5 .LBB2_34-.Ltmp16, $2  }
0x17f: {  	[tilespmem:s31+$0x1C6A0] =	vst v0;
	s31 =	smov.u32 s0;
	_ =	sdelay $0x2  }
0x180: {  	s0 =	sshra.s32 s1, $0x2;
	s1 =	sadd.s32 $0x40, s1;
	v0 =	vld.idx.msk [tilespmem:v1+s28+$0x0], $0xffff  }
0x181: {  	v1 =	vld [tilespmem:s0+$0x0];
	_ =	sdelay $0x6  }
0x182: {  	[tilespmem:s31+$0x1C6A0] =	vst v0  }
0x183: {  	v0 =	vld.idx.msk [tilespmem:v1+s28+$0x0], $0xffff;
	_ =	sdelay $0x4  }
0x184: {  	s1 =	simm.s32 $0x0;
	[tilespmem:s0+$0x1C6A0] =	vst v0  }
0x185: {  	[hbm4b:s3+s1] =	stream.linear.scatter [tilespmem:s29], [sflag:$0x1], $0x2000, $0x38;
	[tilespmem:$0x1E6A0] =	vst v63  }
0x186: {  	_ =	swait.ge [sflag:s26], $0x2000  }
0x187: {  	[sflag:s26] =	ssyncset.done $0x0  }
0x188: {  	s31 =	simm.s32 $0x0;
	[sflag:s26] =	ssyncadd.s32 $0xFFFFE000  }
0x189: {  	v0 =	vld [tilespmem:s31+$0x2000];
	_ =	sdelay $0x7  }
0x18a: {  	s0 =	simm.s32 $0x10;
	s1 =	simm.s32 $0x80;
	v0 =	vld.idx.msk [tilespmem:v0+s28+$0x0], $0xffff  }
.LBB2_36:
0x18b: {  	p5 =	sne.s32 s1, $0x7FC0;
	v1 =	vld [tilespmem:s0+$0x2000];
	_ =	sdelay $0x3  }
.Ltmp17:
0x18c: {  	(pc) =	sbr.rel @p5 .LBB2_36-.Ltmp17, $2  }
0x18d: {  	[tilespmem:s31+$0x1C6A0] =	vst v0;
	s31 =	smov.u32 s0;
	_ =	sdelay $0x2  }
0x18e: {  	s0 =	sshra.s32 s1, $0x2;
	s1 =	sadd.s32 $0x40, s1;
	v0 =	vld.idx.msk [tilespmem:v1+s28+$0x0], $0xffff  }
0x18f: {  	v1 =	vld [tilespmem:s0+$0x2000];
	_ =	sdelay $0x6  }
0x190: {  	[tilespmem:s31+$0x1C6A0] =	vst v0  }
0x191: {  	v0 =	vld.idx.msk [tilespmem:v1+s28+$0x0], $0xffff;
	_ =	sdelay $0x4  }
0x192: {  	[tilespmem:s0+$0x1C6A0] =	vst v0  }
0x193: {  	[hbm4b:s4+s15] =	stream.linear.scatter [tilespmem:s29], [sflag:$0x1], $0x2000, $0x38;
	[tilespmem:$0x1E6A0] =	vst v63  }
0x194: {  	_ =	swait.ge [sflag:s26], $0x2000  }
0x195: {  	[sflag:s26] =	ssyncset.done $0x0  }
0x196: {  	s0 =	simm.s32 @!p1 $0x0;
	s1 =	rddreg [dreg:$0xc];
	[sflag:s26] =	ssyncadd.s32 $0xFFFFE000  }
0x197: {  	[tilespmem:s0], [sflag:$0x1] =	stream.linear.gather @!p1 [hbm4b:s1+s0], $0x4000, $0x38;
	[tilespmem:$0x1E6A0] =	vst v63  }
0x198: {  	s0 =	simm.s32 @!p1 $0x1  }
0x199: {  	_ =	swait.ge @!p1 [sflag:s0], $0x4000  }
0x19a: {  	[sflag:s0] =	ssyncset.done @!p1 $0x0  }
0x19b: {  	s1 =	simm.s32 $0x0;
	[sflag:s0] =	ssyncadd.s32 @!p1 $0xFFFFC000  }
0x19c: {  	[tilespmem:s28], [sflag:$0x1] =	stream.linear.gather [hbm4b:s22+s1], $0x186A0, $0x38;
	[tilespmem:$0x1E6A0] =	vst v63  }
0x19d: {  	_ =	swait.ge [sflag:s26], $0x186A0  }
0x19e: {  	[sflag:s26] =	ssyncset.done $0x0  }
0x19f: {  	s31 =	simm.s32 $0x0;
	[sflag:s26] =	ssyncadd.s32 $0xFFFE7960  }
0x1a0: {  	v0 =	vld [tilespmem:s31+$0x0];
	_ =	sdelay $0x7  }
0x1a1: {  	s0 =	simm.s32 $0x10;
	s1 =	simm.s32 $0x80;
	v0 =	vld.idx.msk [tilespmem:v0+s28+$0x0], $0xffff  }
.LBB2_38:
0x1a2: {  	p5 =	sne.s32 s1, $0x7FC0;
	v1 =	vld [tilespmem:s0+$0x0];
	_ =	sdelay $0x3  }
.Ltmp18:
0x1a3: {  	(pc) =	sbr.rel @p5 .LBB2_38-.Ltmp18, $2  }
0x1a4: {  	[tilespmem:s31+$0x1C6A0] =	vst v0;
	s31 =	smov.u32 s0;
	_ =	sdelay $0x2  }
0x1a5: {  	s0 =	sshra.s32 s1, $0x2;
	s1 =	sadd.s32 $0x40, s1;
	v0 =	vld.idx.msk [tilespmem:v1+s28+$0x0], $0xffff  }
0x1a6: {  	v1 =	vld [tilespmem:s0+$0x0];
	_ =	sdelay $0x6  }
0x1a7: {  	[tilespmem:s31+$0x1C6A0] =	vst v0  }
0x1a8: {  	v0 =	vld.idx.msk [tilespmem:v1+s28+$0x0], $0xffff;
	_ =	sdelay $0x4  }
0x1a9: {  	s1 =	simm.s32 $0x0;
	[tilespmem:s0+$0x1C6A0] =	vst v0  }
0x1aa: {  	[hbm4b:s5+s1] =	stream.linear.scatter [tilespmem:s29], [sflag:$0x1], $0x2000, $0x38;
	[tilespmem:$0x1E6A0] =	vst v63  }
0x1ab: {  	_ =	swait.ge [sflag:s26], $0x2000  }
0x1ac: {  	[sflag:s26] =	ssyncset.done $0x0  }
0x1ad: {  	s31 =	simm.s32 $0x0;
	[sflag:s26] =	ssyncadd.s32 $0xFFFFE000  }
0x1ae: {  	v0 =	vld [tilespmem:s31+$0x2000];
	_ =	sdelay $0x7  }
0x1af: {  	s0 =	simm.s32 $0x10;
	s1 =	simm.s32 $0x80;
	v0 =	vld.idx.msk [tilespmem:v0+s28+$0x0], $0xffff  }
.LBB2_40:
0x1b0: {  	p5 =	sne.s32 s1, $0x7FC0;
	v1 =	vld [tilespmem:s0+$0x2000];
	_ =	sdelay $0x3  }
.Ltmp19:
0x1b1: {  	(pc) =	sbr.rel @p5 .LBB2_40-.Ltmp19, $2  }
0x1b2: {  	[tilespmem:s31+$0x1C6A0] =	vst v0;
	s31 =	smov.u32 s0;
	_ =	sdelay $0x2  }
0x1b3: {  	s0 =	sshra.s32 s1, $0x2;
	s1 =	sadd.s32 $0x40, s1;
	v0 =	vld.idx.msk [tilespmem:v1+s28+$0x0], $0xffff  }
0x1b4: {  	v1 =	vld [tilespmem:s0+$0x2000];
	_ =	sdelay $0x6  }
0x1b5: {  	[tilespmem:s31+$0x1C6A0] =	vst v0  }
0x1b6: {  	v0 =	vld.idx.msk [tilespmem:v1+s28+$0x0], $0xffff;
	_ =	sdelay $0x4  }
0x1b7: {  	[tilespmem:s0+$0x1C6A0] =	vst v0  }
0x1b8: {  	[hbm4b:s6+s15] =	stream.linear.scatter [tilespmem:s29], [sflag:$0x1], $0x2000, $0x38;
	[tilespmem:$0x1E6A0] =	vst v63  }
0x1b9: {  	_ =	swait.ge [sflag:s26], $0x2000  }
0x1ba: {  	[sflag:s26] =	ssyncset.done $0x0  }
0x1bb: {  	s0 =	simm.s32 @!p2 $0x0;
	s1 =	rddreg [dreg:$0xd];
	[sflag:s26] =	ssyncadd.s32 $0xFFFFE000  }
0x1bc: {  	[tilespmem:s0], [sflag:$0x1] =	stream.linear.gather @!p2 [hbm4b:s1+s0], $0x4000, $0x38;
	[tilespmem:$0x1E6A0] =	vst v63  }
0x1bd: {  	s0 =	simm.s32 @!p2 $0x1  }
0x1be: {  	_ =	swait.ge @!p2 [sflag:s0], $0x4000  }
0x1bf: {  	[sflag:s0] =	ssyncset.done @!p2 $0x0  }
0x1c0: {  	s1 =	simm.s32 $0x0;
	[sflag:s0] =	ssyncadd.s32 @!p2 $0xFFFFC000  }
0x1c1: {  	[tilespmem:s28], [sflag:$0x1] =	stream.linear.gather [hbm4b:s23+s1], $0x186A0, $0x38;
	[tilespmem:$0x1E6A0] =	vst v63  }
0x1c2: {  	_ =	swait.ge [sflag:s26], $0x186A0  }
0x1c3: {  	[sflag:s26] =	ssyncset.done $0x0  }
0x1c4: {  	s31 =	simm.s32 $0x0;
	[sflag:s26] =	ssyncadd.s32 $0xFFFE7960  }
0x1c5: {  	v0 =	vld [tilespmem:s31+$0x0];
	_ =	sdelay $0x7  }
0x1c6: {  	s0 =	simm.s32 $0x10;
	s1 =	simm.s32 $0x80;
	v0 =	vld.idx.msk [tilespmem:v0+s28+$0x0], $0xffff  }
.LBB2_42:
0x1c7: {  	p5 =	sne.s32 s1, $0x7FC0;
	v1 =	vld [tilespmem:s0+$0x0];
	_ =	sdelay $0x3  }
.Ltmp20:
0x1c8: {  	(pc) =	sbr.rel @p5 .LBB2_42-.Ltmp20, $2  }
0x1c9: {  	[tilespmem:s31+$0x1C6A0] =	vst v0;
	s31 =	smov.u32 s0;
	_ =	sdelay $0x2  }
0x1ca: {  	s0 =	sshra.s32 s1, $0x2;
	s1 =	sadd.s32 $0x40, s1;
	v0 =	vld.idx.msk [tilespmem:v1+s28+$0x0], $0xffff  }
0x1cb: {  	v1 =	vld [tilespmem:s0+$0x0];
	_ =	sdelay $0x6  }
0x1cc: {  	[tilespmem:s31+$0x1C6A0] =	vst v0  }
0x1cd: {  	v0 =	vld.idx.msk [tilespmem:v1+s28+$0x0], $0xffff;
	_ =	sdelay $0x4  }
0x1ce: {  	s1 =	simm.s32 $0x0;
	[tilespmem:s0+$0x1C6A0] =	vst v0  }
0x1cf: {  	[hbm4b:s7+s1] =	stream.linear.scatter [tilespmem:s29], [sflag:$0x1], $0x2000, $0x38;
	[tilespmem:$0x1E6A0] =	vst v63  }
0x1d0: {  	_ =	swait.ge [sflag:s26], $0x2000  }
0x1d1: {  	[sflag:s26] =	ssyncset.done $0x0  }
0x1d2: {  	s31 =	simm.s32 $0x0;
	[sflag:s26] =	ssyncadd.s32 $0xFFFFE000  }
0x1d3: {  	v0 =	vld [tilespmem:s31+$0x2000];
	_ =	sdelay $0x7  }
0x1d4: {  	s0 =	simm.s32 $0x10;
	s1 =	simm.s32 $0x80;
	v0 =	vld.idx.msk [tilespmem:v0+s28+$0x0], $0xffff  }
.LBB2_44:
0x1d5: {  	p5 =	sne.s32 s1, $0x7FC0;
	v1 =	vld [tilespmem:s0+$0x2000];
	_ =	sdelay $0x3  }
.Ltmp21:
0x1d6: {  	(pc) =	sbr.rel @p5 .LBB2_44-.Ltmp21, $2  }
0x1d7: {  	[tilespmem:s31+$0x1C6A0] =	vst v0;
	s31 =	smov.u32 s0;
	_ =	sdelay $0x2  }
0x1d8: {  	s0 =	sshra.s32 s1, $0x2;
	s1 =	sadd.s32 $0x40, s1;
	v0 =	vld.idx.msk [tilespmem:v1+s28+$0x0], $0xffff  }
0x1d9: {  	v1 =	vld [tilespmem:s0+$0x2000];
	_ =	sdelay $0x6  }
0x1da: {  	[tilespmem:s31+$0x1C6A0] =	vst v0  }
0x1db: {  	v0 =	vld.idx.msk [tilespmem:v1+s28+$0x0], $0xffff;
	_ =	sdelay $0x4  }
0x1dc: {  	[tilespmem:s0+$0x1C6A0] =	vst v0  }
0x1dd: {  	[hbm4b:s8+s15] =	stream.linear.scatter [tilespmem:s29], [sflag:$0x1], $0x2000, $0x38;
	[tilespmem:$0x1E6A0] =	vst v63  }
0x1de: {  	_ =	swait.ge [sflag:s26], $0x2000  }
0x1df: {  	[sflag:s26] =	ssyncset.done $0x0  }
0x1e0: {  	s0 =	simm.s32 @!p3 $0x0;
	s1 =	rddreg [dreg:$0xe];
	[sflag:s26] =	ssyncadd.s32 $0xFFFFE000  }
0x1e1: {  	[tilespmem:s0], [sflag:$0x1] =	stream.linear.gather @!p3 [hbm4b:s1+s0], $0x4000, $0x38;
	[tilespmem:$0x1E6A0] =	vst v63  }
0x1e2: {  	s0 =	simm.s32 @!p3 $0x1  }
0x1e3: {  	_ =	swait.ge @!p3 [sflag:s0], $0x4000  }
0x1e4: {  	[sflag:s0] =	ssyncset.done @!p3 $0x0  }
0x1e5: {  	s1 =	simm.s32 $0x0;
	[sflag:s0] =	ssyncadd.s32 @!p3 $0xFFFFC000  }
0x1e6: {  	[tilespmem:s28], [sflag:$0x1] =	stream.linear.gather [hbm4b:s24+s1], $0x186A0, $0x38;
	[tilespmem:$0x1E6A0] =	vst v63  }
0x1e7: {  	_ =	swait.ge [sflag:s26], $0x186A0  }
0x1e8: {  	[sflag:s26] =	ssyncset.done $0x0  }
0x1e9: {  	s31 =	simm.s32 $0x0;
	[sflag:s26] =	ssyncadd.s32 $0xFFFE7960  }
0x1ea: {  	v0 =	vld [tilespmem:s31+$0x0];
	_ =	sdelay $0x7  }
0x1eb: {  	s0 =	simm.s32 $0x10;
	s1 =	simm.s32 $0x80;
	v0 =	vld.idx.msk [tilespmem:v0+s28+$0x0], $0xffff  }
.LBB2_46:
0x1ec: {  	p5 =	sne.s32 s1, $0x7FC0;
	v1 =	vld [tilespmem:s0+$0x0];
	_ =	sdelay $0x3  }
.Ltmp22:
0x1ed: {  	(pc) =	sbr.rel @p5 .LBB2_46-.Ltmp22, $2  }
0x1ee: {  	[tilespmem:s31+$0x1C6A0] =	vst v0;
	s31 =	smov.u32 s0;
	_ =	sdelay $0x2  }
0x1ef: {  	s0 =	sshra.s32 s1, $0x2;
	s1 =	sadd.s32 $0x40, s1;
	v0 =	vld.idx.msk [tilespmem:v1+s28+$0x0], $0xffff  }
0x1f0: {  	v1 =	vld [tilespmem:s0+$0x0];
	_ =	sdelay $0x6  }
0x1f1: {  	[tilespmem:s31+$0x1C6A0] =	vst v0  }
0x1f2: {  	v0 =	vld.idx.msk [tilespmem:v1+s28+$0x0], $0xffff;
	_ =	sdelay $0x4  }
0x1f3: {  	s1 =	simm.s32 $0x0;
	[tilespmem:s0+$0x1C6A0] =	vst v0  }
0x1f4: {  	[hbm4b:s9+s1] =	stream.linear.scatter [tilespmem:s29], [sflag:$0x1], $0x2000, $0x38;
	[tilespmem:$0x1E6A0] =	vst v63  }
0x1f5: {  	_ =	swait.ge [sflag:s26], $0x2000  }
0x1f6: {  	[sflag:s26] =	ssyncset.done $0x0  }
0x1f7: {  	s31 =	simm.s32 $0x0;
	[sflag:s26] =	ssyncadd.s32 $0xFFFFE000  }
0x1f8: {  	v0 =	vld [tilespmem:s31+$0x2000];
	_ =	sdelay $0x7  }
0x1f9: {  	s0 =	simm.s32 $0x10;
	s1 =	simm.s32 $0x80;
	v0 =	vld.idx.msk [tilespmem:v0+s28+$0x0], $0xffff  }
.LBB2_48:
0x1fa: {  	p5 =	sne.s32 s1, $0x7FC0;
	v1 =	vld [tilespmem:s0+$0x2000];
	_ =	sdelay $0x3  }
.Ltmp23:
0x1fb: {  	(pc) =	sbr.rel @p5 .LBB2_48-.Ltmp23, $2  }
0x1fc: {  	[tilespmem:s31+$0x1C6A0] =	vst v0;
	s31 =	smov.u32 s0;
	_ =	sdelay $0x2  }
0x1fd: {  	s0 =	sshra.s32 s1, $0x2;
	s1 =	sadd.s32 $0x40, s1;
	v0 =	vld.idx.msk [tilespmem:v1+s28+$0x0], $0xffff  }
0x1fe: {  	v1 =	vld [tilespmem:s0+$0x2000];
	_ =	sdelay $0x6  }
0x1ff: {  	[tilespmem:s31+$0x1C6A0] =	vst v0  }
0x200: {  	v0 =	vld.idx.msk [tilespmem:v1+s28+$0x0], $0xffff;
	_ =	sdelay $0x4  }
0x201: {  	[tilespmem:s0+$0x1C6A0] =	vst v0  }
0x202: {  	[hbm4b:s10+s15] =	stream.linear.scatter [tilespmem:s29], [sflag:$0x1], $0x2000, $0x38;
	[tilespmem:$0x1E6A0] =	vst v63  }
0x203: {  	_ =	swait.ge [sflag:s26], $0x2000  }
0x204: {  	[sflag:s26] =	ssyncset.done $0x0  }
0x205: {  	s0 =	simm.s32 @!p4 $0x0;
	s1 =	rddreg [dreg:$0xf];
	[sflag:s26] =	ssyncadd.s32 $0xFFFFE000  }
0x206: {  	[tilespmem:s0], [sflag:$0x1] =	stream.linear.gather @!p4 [hbm4b:s1+s0], $0x4000, $0x38;
	[tilespmem:$0x1E6A0] =	vst v63  }
0x207: {  	s0 =	simm.s32 @!p4 $0x1  }
0x208: {  	_ =	swait.ge @!p4 [sflag:s0], $0x4000  }
0x209: {  	[sflag:s0] =	ssyncset.done @!p4 $0x0  }
0x20a: {  	s1 =	simm.s32 $0x0;
	[sflag:s0] =	ssyncadd.s32 @!p4 $0xFFFFC000  }
0x20b: {  	[tilespmem:s28], [sflag:$0x1] =	stream.linear.gather [hbm4b:s25+s1], $0x186A0, $0x38;
	[tilespmem:$0x1E6A0] =	vst v63  }
0x20c: {  	_ =	swait.ge [sflag:s26], $0x186A0  }
0x20d: {  	[sflag:s26] =	ssyncset.done $0x0  }
0x20e: {  	s31 =	simm.s32 $0x0;
	[sflag:s26] =	ssyncadd.s32 $0xFFFE7960  }
0x20f: {  	v0 =	vld [tilespmem:s31+$0x0];
	_ =	sdelay $0x7  }
0x210: {  	s0 =	simm.s32 $0x10;
	s1 =	simm.s32 $0x80;
	v0 =	vld.idx.msk [tilespmem:v0+s28+$0x0], $0xffff  }
.LBB2_50:
0x211: {  	p5 =	sne.s32 s1, $0x7FC0;
	v1 =	vld [tilespmem:s0+$0x0];
	_ =	sdelay $0x3  }
.Ltmp24:
0x212: {  	(pc) =	sbr.rel @p5 .LBB2_50-.Ltmp24, $2  }
0x213: {  	[tilespmem:s31+$0x1C6A0] =	vst v0;
	s31 =	smov.u32 s0;
	_ =	sdelay $0x2  }
0x214: {  	s0 =	sshra.s32 s1, $0x2;
	s1 =	sadd.s32 $0x40, s1;
	v0 =	vld.idx.msk [tilespmem:v1+s28+$0x0], $0xffff  }
0x215: {  	v1 =	vld [tilespmem:s0+$0x0];
	_ =	sdelay $0x6  }
0x216: {  	[tilespmem:s31+$0x1C6A0] =	vst v0  }
0x217: {  	v0 =	vld.idx.msk [tilespmem:v1+s28+$0x0], $0xffff;
	_ =	sdelay $0x4  }
0x218: {  	s1 =	simm.s32 $0x0;
	[tilespmem:s0+$0x1C6A0] =	vst v0  }
0x219: {  	[hbm4b:s11+s1] =	stream.linear.scatter [tilespmem:s29], [sflag:$0x1], $0x2000, $0x38;
	[tilespmem:$0x1E6A0] =	vst v63  }
0x21a: {  	_ =	swait.ge [sflag:s26], $0x2000  }
0x21b: {  	[sflag:s26] =	ssyncset.done $0x0  }
0x21c: {  	s31 =	simm.s32 $0x0;
	[sflag:s26] =	ssyncadd.s32 $0xFFFFE000  }
0x21d: {  	v0 =	vld [tilespmem:s31+$0x2000];
	_ =	sdelay $0x7  }
0x21e: {  	s0 =	simm.s32 $0x10;
	s1 =	simm.s32 $0x80;
	v0 =	vld.idx.msk [tilespmem:v0+s28+$0x0], $0xffff  }
.LBB2_52:
0x21f: {  	p5 =	sne.s32 s1, $0x7FC0;
	v1 =	vld [tilespmem:s0+$0x2000];
	_ =	sdelay $0x3  }
.Ltmp25:
0x220: {  	(pc) =	sbr.rel @p5 .LBB2_52-.Ltmp25, $2  }
0x221: {  	[tilespmem:s31+$0x1C6A0] =	vst v0;
	s31 =	smov.u32 s0;
	_ =	sdelay $0x2  }
0x222: {  	s0 =	sshra.s32 s1, $0x2;
	s1 =	sadd.s32 $0x40, s1;
	v0 =	vld.idx.msk [tilespmem:v1+s28+$0x0], $0xffff  }
0x223: {  	v1 =	vld [tilespmem:s0+$0x2000];
	_ =	sdelay $0x6  }
0x224: {  	[tilespmem:s31+$0x1C6A0] =	vst v0  }
0x225: {  	v0 =	vld.idx.msk [tilespmem:v1+s28+$0x0], $0xffff;
	_ =	sdelay $0x2  }
0x226: {  	s30 =	sadd.s32 $0x1, s30  }
0x227: {  	p5 =	sne.s32 s30, s13  }
.Ltmp26:
0x228: {  	[tilespmem:s0+$0x1C6A0] =	vst v0;
	(pc) =	sbr.rel @p5 .LBB2_1-.Ltmp26, $4  }
0x229: {  	[hbm4b:s12+s15] =	stream.linear.scatter [tilespmem:s29], [sflag:$0x1], $0x2000, $0x38;
	[tilespmem:$0x1E6A0] =	vst v63  }
0x22a: {  	_ =	swait.ge [sflag:s26], $0x2000  }
0x22b: {  	[sflag:s26] =	ssyncset.done $0x0  }
0x22c: {  	[sflag:s26] =	ssyncadd.s32 $0xFFFFE000  }
0x22d: {  	_ =	sfence.sel $0x180000  }
0x22e: {  	[bflag:$0x0] =	sbarrier.arrive $0xFFFF  }
0x22f: {  	_ =	strace $0x9000004A  }
0x230: {  	s0 =	stileid.u32;
	[bflag:$0x2] =	sbarrier.arrive $0xFFFF  }
0x231: {  	p0 =	sne.s32 s0, $0x0;
	s0 =	rddreg [dreg:$0x1]  }
0x232: {  	s0 =	sadd.s32 @!p0 $0x100000, s0  }
0x233: {  	[sflag:s0] =	ssyncadd.tile.s32 @!p0 $0x1;
	_ =	shalt  }
.Lfunc_end2:
_tile_overlayer_lowered:
.L_overlay_start_2:
0x234: {  	(tag) =	ssettag $0x2  }
0x235: {  	s0 =	rddreg [dreg:$0x0];
	s2 =	stileid.u32  }
0x236: {  	s1 =	rddreg [dreg:$0x1];
	p0 =	sne.s32 s2, $0x0  }
0x237: {  	s3 =	rddreg [dreg:$0x2];
	[bflag:$0x3] =	sbarrier.arrive $0xFFFF;
	s2 =	simm.s32 @!p0 $0x1C01  }
0x238: {  	[timem:s3], [sflag:s2] =	dma.local @!p0 [hbm:s0], s1  }
0x239: {  	s0 =	simm.s32 @!p0 $0x1  }
0x23a: {  	_ =	swait.ge @!p0 [sflag:s0], s1  }
0x23b: {  	s1 =	ssub.s32 @!p0 $0x0, s1;
	[sflag:s0] =	ssyncset.done @!p0 $0x0  }
0x23c: {  	[sflag:s0] =	ssyncadd.s32 @!p0 s1  }
0x23d: {  	[bflag:$0x3] =	sbarrier.arrive $0xFFFF  }
0x23e: {  	_ =	shalt  }

// kernel: kernel.8.cloned.1.call-start
scs
__scs_entry_jumppad:
0x0: {  	(pc) =	sbr.rel $0x88, $3  }
0x1: {  	(tag) =	ssettag $0x0;
	lr =	simm.s32 $0x1  }
0x2: {  	[smem:$0x3F98] =	sst lr;
	_ =	strace $0xD0000000  }
0x3: {  	_ = 	snop  }
0x4: {  	_ = 	snop  }
0x5: {  	_ = 	snop  }
0x6: {  	_ = 	snop  }
0x7: {  	_ = 	snop  }
__scs_overlays_trampoline_lowered:
0x8: {  	[smem:$0x3FA7] =	sst s0  }
0x9: {  	[smem:$0x3FA8] =	sst s1  }
0xa: {  	[smem:$0x3FA9] =	sst s2  }
0xb: {  	[smem:$0x3FAA] =	sst s3  }
0xc: {  	[smem:$0x3FAB] =	sst s4  }
0xd: {  	[smem:$0x3FAC] =	sst s5  }
0xe: {  	[smem:$0x3FAD] =	sst s6  }
0xf: {  	[smem:$0x3FAE] =	sst s7  }
0x10: {  	[smem:$0x3FAF] =	sst s8  }
0x11: {  	[smem:$0x3FB0] =	sst s9;
	s0 =	simm.s32 @!p0 $0x0  }
0x12: {  	s1 =	sld [smem:$0x3F96];
	s0 =	simm.s32 @p0 $0x1  }
0x13: {  	[smem:$0x3FB1] =	sst s0;
	s0 =	simm.s32 @!p1 $0x0  }
0x14: {  	s2 =	sld [smem:$0x3F95];
	s0 =	simm.s32 @p1 $0x1  }
0x15: {  	[smem:$0x3FB2] =	sst s0;
	s0 =	simm.s32 @!p2 $0x0  }
0x16: {  	s3 =	sld [smem:$0x3FDB];
	s0 =	simm.s32 @p2 $0x1  }
0x17: {  	s4 =	simm.s32 $0x1BF5;
	[smem:$0x3FB4] =	sst s0  }
0x18: {  	s0 =	sld [smem:$0x3F97];
	_ =	swait.ge [sflag:s4], $0x0  }
0x19: {  	s7 =	sld [smem:$0x3F98]  }
0x1a: {  	s8 =	sadd.s32 $0xFFFFE003, lr  }
0x1b: {  	s9 =	sadd.s32 $0xFFFFFEF7, lr;
	s5 =	simm.s32 $0xFFFFFFFF;
	p2 =	slt.u32 s8, $0xFFFFF086  }
0x1c: {  	p1 =	slt.u32 s9, $0xF7A;
	s5 =	simm.s32 @!p2 $0x0  }
0x1d: {  	s5 =	simm.s32 @p1 $0x1;
	p0 =	seq.s32 s7, s2  }
0x1e: {  	s7 =	smul.u32 @!p0 $0xF7A, s2;
	p2 =	seq.s32 @!p0 s5, $0x0  }
0x1f: {  	s9 =	smul.u32 $0xF7A, s1;
	s8 =	simm.s32 @!p0 $0x1BF5;
	p2 =	por !p2, p0  }
0x20: {  	[sflag:s8] =	ssyncset.s32 @!p0 $0xFFFFF086;
	s6 =	sadd.s32 @!p0 s3, s7;
	s7 =	simm.s32 @!p0 $0x108  }
0x21: {  	s3 =	sadd.s32 s3, s9;
	s6 =	sadd.s32 @!p0 $0x88, s6;
	s7 =	simm.s32 @p2 $0x1082  }
0x22: {  	[simem:s7], [sflag:s8] =	dma.local @!p0 [hbm:s6], $0xF7A  }
0x23: {  	s9 =	sor.u32 $0xD0000000, s2;
	s6 =	simm.s32 $0x108;
	_ =	swait.ge @!p0 [sflag:s8], $0x0  }
0x24: {  	s3 =	sadd.s32 $0x88, s3;
	s6 =	simm.s32 @!p1 $0x1082;
	[sflag:s4] =	ssyncset.s32 $0xFFFFF086  }
0x25: {  	[simem:s6], [sflag:s4] =	dma.local [hbm:s3], $0xF7A  }
0x26: {  	[smem:$0x3F98] =	sst s1;
	(tag) =	ssettag s2;
	_ =	strace s9  }
0x27: {  	s1 =	sld [smem:$0x3FA8]  }
0x28: {  	s2 =	sld [smem:$0x3FA9]  }
0x29: {  	s4 =	sld [smem:$0x3FAB]  }
0x2a: {  	p0 =	seq.s32 s5, $0x0;
	s5 =	sld [smem:$0x3FAC]  }
0x2b: {  	s6 =	sld [smem:$0x3FAD]  }
0x2c: {  	s7 =	sld [smem:$0x3FAE]  }
0x2d: {  	s3 =	simm.s32 $0x108;
	s8 =	sld [smem:$0x3FAF]  }
0x2e: {  	s3 =	simm.s32 @!p0 $0x1082;
	s9 =	sld [smem:$0x3FB0]  }
0x2f: {  	lr =	sadd.s32 s0, s3;
	s0 =	sld [smem:$0x3FA7]  }
0x30: {  	s3 =	sld [smem:$0x3FAA]  }
0x31: {  	[smem:$0x3FB3] =	sst s10  }
0x32: {  	s10 =	sld [smem:$0x3FB1];
	_ =	sdelay $0x3  }
0x33: {  	p0 =	seq.s32 s10, $0x1;
	s10 =	sld [smem:$0x3FB3];
	_ =	sdelay $0x3  }
0x34: {  	[smem:$0x3FB3] =	sst s10  }
0x35: {  	s10 =	sld [smem:$0x3FB2];
	_ =	sdelay $0x3  }
0x36: {  	p1 =	seq.s32 s10, $0x1;
	s10 =	sld [smem:$0x3FB3];
	_ =	sdelay $0x3  }
0x37: {  	[smem:$0x3FB3] =	sst s10  }
0x38: {  	s10 =	sld [smem:$0x3FB4]  }
0x39: {  	_ = 	snop;
	(pc) =	sbr.ind lr, $3  }
0x3a: {  	_ = 	snop  }
0x3b: {  	_ = 	snop  }
0x3c: {  	p2 =	seq.s32 s10, $0x1;
	s10 =	sld [smem:$0x3FB3]  }
0x3d: {  	_ =	shalt  }
0x3e: {  	_ =	shalt  }
0x3f: {  	_ =	shalt  }
0x40: {  	_ =	shalt  }
0x41: {  	_ =	shalt  }
0x42: {  	_ =	shalt  }
0x43: {  	_ =	shalt  }
0x44: {  	_ =	shalt  }
0x45: {  	_ =	shalt  }
0x46: {  	_ =	shalt  }
0x47: {  	_ =	shalt  }
0x48: {  	_ =	shalt  }
0x49: {  	_ =	shalt  }
0x4a: {  	_ =	shalt  }
0x4b: {  	_ =	shalt  }
0x4c: {  	_ =	shalt  }
0x4d: {  	_ =	shalt  }
0x4e: {  	_ =	shalt  }
0x4f: {  	_ =	shalt  }
0x50: {  	_ =	shalt  }
0x51: {  	_ =	shalt  }
0x52: {  	_ =	shalt  }
0x53: {  	_ =	shalt  }
0x54: {  	_ =	shalt  }
0x55: {  	_ =	shalt  }
0x56: {  	_ =	shalt  }
0x57: {  	_ =	shalt  }
0x58: {  	_ =	shalt  }
0x59: {  	_ =	shalt  }
0x5a: {  	_ =	shalt  }
0x5b: {  	_ =	shalt  }
0x5c: {  	_ =	shalt  }
0x5d: {  	_ =	shalt  }
0x5e: {  	_ =	shalt  }
0x5f: {  	_ =	shalt  }
0x60: {  	_ =	shalt  }
0x61: {  	_ =	shalt  }
0x62: {  	_ =	shalt  }
0x63: {  	_ =	shalt  }
0x64: {  	_ =	shalt  }
0x65: {  	_ =	shalt  }
0x66: {  	_ =	shalt  }
0x67: {  	_ =	shalt  }
0x68: {  	_ =	shalt  }
0x69: {  	_ =	shalt  }
0x6a: {  	_ =	shalt  }
0x6b: {  	_ =	shalt  }
0x6c: {  	_ =	shalt  }
0x6d: {  	_ =	shalt  }
0x6e: {  	_ =	shalt  }
0x6f: {  	_ =	shalt  }
0x70: {  	_ =	shalt  }
0x71: {  	_ =	shalt  }
0x72: {  	_ =	shalt  }
0x73: {  	_ =	shalt  }
0x74: {  	_ =	shalt  }
0x75: {  	_ =	shalt  }
0x76: {  	_ =	shalt  }
0x77: {  	_ =	shalt  }
0x78: {  	_ =	shalt  }
0x79: {  	_ =	shalt  }
0x7a: {  	_ =	shalt  }
0x7b: {  	_ =	shalt  }
0x7c: {  	_ =	shalt  }
0x7d: {  	_ =	shalt  }
0x7e: {  	_ =	shalt  }
0x7f: {  	_ =	shalt  }
0x80: {  	_ =	shalt  }
0x81: {  	_ =	shalt  }
0x82: {  	_ =	shalt  }
0x83: {  	_ =	shalt  }
0x84: {  	_ =	shalt  }
0x85: {  	_ =	shalt  }
0x86: {  	_ =	shalt  }
0x87: {  	_ =	shalt  }
.Lfunc_end0:
.L_simem_size_0:
called_computation.1_lowered:
.L_overlay_start_0:
0x88: {  	s2 =	sld [smem:$0x3FD9]  }
0x89: {  	s3 =	sld [smem:$0x3FFE];
	_ =	sdelay $0x1  }
0x8a: {  	s1 =	srdreg.scid  }
0x8b: {  	s0 =	sand.u32 $0x1, s1  }
0x8c: {  	s17 =	sshll.u32 s0, $0xA;
	s2 =	sadd.s32 s3, s2  }
0x8d: {  	s2 =	sadd.s32 s2, s17  }
0x8e: {  	[smem:$0x3FBF] =	sst s2  }
0x8f: {  	_ = 	snop  }
0x90: {  	s2 =	sld [smem:$0x3FC9]  }
0x91: {  	s18 =	sld [smem:$0x3FD0];
	(tm) =	ssettm $0x1  }
0x92: {  	s4 =	sld [smem:$0x3FFB];
	_ =	sdelay $0x3  }
0x93: {  	_ =	strace s4  }
0x94: {  	s4 =	sld [smem:$0x3FFC];
	_ =	sdelay $0x3  }
0x95: {  	_ =	strace s4  }
0x96: {  	s4 =	sld [smem:$0x3FFD];
	_ =	sdelay $0x3  }
0x97: {  	_ =	strace s4  }
0x98: {  	_ =	strace $0x8FFFFFFF  }
0x99: {  	s19 =	sld [smem:$0x3FDB];
	_ =	sdelay $0x1  }
0x9a: {  	s5 =	simm.s32 $_scs_section_size  }
0x9b: {  	s6 =	simm.s32 $_size__tile_overlayer_lowered;
	s7 =	simm.s32 $_tile_overlayer_lowered  }
0x9c: {  	s22 =	simm.s32 $0x1BFF;
	s21 =	sshll.u32 s7, $0x1;
	s4 =	sadd.s32 s5, s19  }
0x9d: {  	s8 =	simm.s32 $0x0;
	s20 =	sshll.u32 s6, $0x1;
	s6 =	sadd.s32 s21, s4  }
0x9e: {  	[timem:s8], [sflag:s22] =	dma.local [hbm:s6], s20  }
0x9f: {  	_ =	swait.ge [sflag:s22], s20  }
0xa0: {  	s5 =	ssub.s32 $0x0, s20;
	[sflag:s22] =	ssyncset.done $0x0  }
0xa1: {  	[sflag:s22] =	ssyncadd.s32 s5;
	_ =	sdelay $0x1  }
0xa2: {  	s23 =	simm.s32 $0x1B8B  }
0xa3: {  	_ =	swait.ge [sflag:s23], $0x1  }
0xa4: {  	[sflag:s23] =	ssyncset.done $0x0  }
0xa5: {  	s25 =	simm.s32 $0x1B8E;
	s24 =	sld [smem:$0x3FFE];
	[sflag:s23] =	ssyncadd.s32 $0xFFFFFFFF  }
0xa6: {  	s26 =	simm.s32 $execute0_lowered;
	[smem:$0x3FD2] =	sst s25  }
0xa7: {  	s6 =	sshll.u32 s26, $0x1;
	_ =	strace $0x80000046;
	[dreg:$0x1] =	wrdreg $0xFFFFFFFF  }
0xa8: {  	s28 =	simm.s32 $_size_execute0_lowered;
	s4 =	sadd.s32 s4, s6;
	[dreg:$0x0] =	wrdreg $0x0  }
0xa9: {  	s6 =	sshll.u32 s28, $0x1;
	[dreg:$0x2] =	wrdreg s4  }
0xaa: {  	[dreg:$0x3] =	wrdreg s6  }
0xab: {  	[dreg:$0x4] =	wrdreg $0xC0  }
0xac: {  	_ =	task [dreg:s8], $0x5FFFF  }
0xad: {  	[dreg:$0x1] =	wrdreg $0xFFFFFFFF  }
0xae: {  	[dreg:$0x0] =	wrdreg $0x60  }
0xaf: {  	[dreg:$0x2] =	wrdreg s2  }
0xb0: {  	[dreg:$0x3] =	wrdreg s24  }
0xb1: {  	[dreg:$0x4] =	wrdreg s18  }
0xb2: {  	[dreg:$0x5] =	wrdreg $0xA  }
0xb3: {  	_ =	task.clear_ibuf [dreg:s8], $0x6FFFF;
	_ =	strace $0x90000046  }
0xb4: {  	s29 =	simm.s32 $0xA;
	_ =	strace $0x80000048  }
0xb5: {  	_ =	swait.ge [sflag:s29], $0x1  }
0xb6: {  	[sflag:s29] =	ssyncadd.s32 $0xFFFFFFFF  }
0xb7: {  	_ =	strace $0x90000048  }
0xb8: {  	_ =	sfence  }
0xb9: {  	s30 =	sld [smem:$0x0];
	_ =	sdelay $0x2  }
0xba: {  	s31 =	sshll.u32 s1, $0xD;
	s1 =	sshrl.u32 s1, $0x2  }
0xbb: {  	s3 =	sand.u32 $0x4000, s31;
	s1 =	sadd.s32 s1, s30  }
0xbc: {  	s0 =	sor.u32 s3, s0;
	s1 =	sshll.u32 s1, $0x11  }
0xbd: {  	s0 =	sor.u32 s1, s0  }
0xbe: {  	s0 =	sadd.s32 $0x8F2B, s0  }
0xbf: {  	[sflag:s0] =	ssyncadd.remote.s32 $0x1  }
0xc0: {  	_ =	sfence.sel $0xFFFF  }
0xc1: {  	[dreg:$0x0] =	wrdreg $0xFFFFFFFF;
	(pc) =	sbr.abs _section_cstart, $3  }
0xc2: {  	[dreg:$0x1] =	wrdreg $0xFFFFFFFF  }
0xc3: {  	_ =	task.clear_ibuf [dreg:s8], $0x2FFFF;
	_ =	strace $0x9FFFFFFF  }
0xc4: {  	(tm) =	ssettm $0x7FFFFFFF  }
0xc5: {  	_ =	shalt  }
tec
execute0_lowered:
.L_overlay_start_1:
0x0: {  	(tag) =	ssettag $0x1  }
0x1: {  	s3 =	rddreg [dreg:$0x0]  }
0x2: {  	s1 =	srdreg.scid;
	s5 =	rddreg [dreg:$0x1]  }
0x3: {  	s0 =	stileid.u32;
	s8 =	rddreg [dreg:$0x2];
	s6 =	sand.u32 $0x1, s1  }
0x4: {  	s2 =	simm.s32 $0x0;
	s4 =	sshll.u32 s0, $0xA;
	s7 =	sshll.u32 s6, $0x9  }
0x5: {  	[smem:$0x7FF] =	sst s2;
	s9 =	sor.u32 s7, s4  }
0x6: {  	s1 =	rddreg [dreg:$0x3];
	_ =	strace $0x80000047;
	s4 =	sshrl.u32 s9, $0x3  }
0x7: {  	s10 =	ssub.s32 $0x2, s6;
	s4 =	sadd.s32 s3, s4;
	s3 =	simm.s32 $0x2  }
0x8: {  	[tilespmem:s2], [sflag:$0x2] =	stream.linear.gather [hbm4b:s4+s2], $0x200, $0x38;
	[tilespmem:$0x4200] =	vst v63  }
0x9: {  	s5 =	sadd.s32 $0xF43800, s5;
	s11 =	sshrl.u32 s10, $0x1;
	_ =	swait.ge [sflag:s3], $0x200  }
0xa: {  	s6 =	simm.s32 $0x200;
	s10 =	ssub.s32 s10, s11;
	[sflag:s3] =	ssyncset.done $0x0  }
0xb: {  	s7 =	simm.s32 $0x1;
	s31 =	smax.u32 s10, $0x1;
	[sflag:s3] =	ssyncadd.s32 $0xFFFFFE00  }
0xc: {  	[tilespmem:s6], [sflag:$0x1] =	stream.indirect.gather [hbm4b:s5+s6], $0x20, s2, s6, $0xb8;
	[tilespmem:$0x4200] =	vst v63  }
0xd: {  	p0 =	sne.s32 s31, $0x1;
	_ =	swait.ge [sflag:s7], $0x4000  }
.Ltmp0:
0xe: {  	s9 =	sshll.u32 s9, $0x2;
	[sflag:s7] =	ssyncset.done $0x0;
	(pc) =	sbr.rel @!p0 .LBB2_2-.Ltmp0, $4  }
0xf: {  	s8 =	sadd.s32 s8, s9;
	[sflag:s7] =	ssyncadd.s32 $0xFFFFC000  }
0x10: {  	[hbm4b:s8+s2] =	stream.linear.scatter [tilespmem:s6], [sflag:$0x2], $0x4000, $0x38;
	[tilespmem:$0x4200] =	vst v63  }
0x11: {  	_ =	swait.ge [sflag:s3], $0x4000  }
0x12: {  	s9 =	sadd.s32 $0xFFFFFFFF, s31;
	[sflag:s3] =	ssyncset.done $0x0  }
.LBB2_1:
0x13: {  	p0 =	sne.s32 s9, $0x1;
	s9 =	sadd.s32 $0xFFFFFFFF, s9;
	[sflag:s3] =	ssyncadd.s32 $0xFFFFC000  }
0x14: {  	[tilespmem:s2], [sflag:$0x2] =	stream.linear.gather [hbm4b:s4+s2], $0x200, $0x38;
	[tilespmem:$0x4200] =	vst v63  }
0x15: {  	_ =	swait.ge [sflag:s3], $0x200  }
0x16: {  	[sflag:s3] =	ssyncset.done $0x0  }
0x17: {  	[sflag:s3] =	ssyncadd.s32 $0xFFFFFE00  }
0x18: {  	[tilespmem:s6], [sflag:$0x1] =	stream.indirect.gather [hbm4b:s5+s6], $0x20, s2, s6, $0xb8;
	[tilespmem:$0x4200] =	vst v63  }
0x19: {  	_ =	swait.ge [sflag:s7], $0x4000  }
.Ltmp1:
0x1a: {  	[sflag:s7] =	ssyncset.done $0x0;
	(pc) =	sbr.rel @p0 .LBB2_1-.Ltmp1, $4  }
0x1b: {  	[sflag:s7] =	ssyncadd.s32 $0xFFFFC000  }
0x1c: {  	[hbm4b:s8+s2] =	stream.linear.scatter [tilespmem:s6], [sflag:$0x2], $0x4000, $0x38;
	[tilespmem:$0x4200] =	vst v63  }
0x1d: {  	_ =	swait.ge [sflag:s3], $0x4000  }
0x1e: {  	[sflag:s3] =	ssyncset.done $0x0  }
.LBB2_2:
0x1f: {  	[sflag:s3] =	ssyncadd.s32 $0xFFFFC000  }
0x20: {  	_ =	sfence.sel $0x180000  }
0x21: {  	[bflag:$0x0] =	sbarrier.arrive $0xFFFF  }
0x22: {  	p0 =	sne.s32 s0, $0x0;
	_ =	strace $0x90000047  }
0x23: {  	s0 =	sadd.s32 @!p0 $0x100000, s1;
	[bflag:$0x2] =	sbarrier.arrive $0xFFFF  }
0x24: {  	[sflag:s0] =	ssyncadd.tile.s32 @!p0 $0x1;
	_ =	shalt  }
.Lfunc_end2:
_tile_overlayer_lowered:
.L_overlay_start_2:
0x25: {  	(tag) =	ssettag $0x2  }
0x26: {  	s0 =	rddreg [dreg:$0x0];
	s2 =	stileid.u32  }
0x27: {  	s1 =	rddreg [dreg:$0x1];
	p0 =	sne.s32 s2, $0x0  }
0x28: {  	s3 =	rddreg [dreg:$0x2];
	[bflag:$0x3] =	sbarrier.arrive $0xFFFF;
	s2 =	simm.s32 @!p0 $0x1C02  }
0x29: {  	[timem:s3], [sflag:s2] =	dma.local @!p0 [hbm:s0], s1  }
0x2a: {  	s0 =	simm.s32 @!p0 $0x2  }
0x2b: {  	_ =	swait.ge @!p0 [sflag:s0], s1  }
0x2c: {  	s1 =	ssub.s32 @!p0 $0x0, s1;
	[sflag:s0] =	ssyncset.done @!p0 $0x0  }
0x2d: {  	[sflag:s0] =	ssyncadd.s32 @!p0 s1  }
0x2e: {  	[bflag:$0x3] =	sbarrier.arrive $0xFFFF  }
0x2f: {  	_ =	shalt  }

</sc_bundles>
